<compile_context>
chip_gen: v7x
topology: tpu7x:2x2x1
jax: 0.10.2.dev20260603
libtpu: 0.0.44.dev20260713+nightly
codegen_flags: <defaults>
</compile_context>

<pallas_src>
import functools

import jax
import jax.numpy as jnp
from jax import lax
from jax.experimental import pallas as pl
from jax.experimental.pallas import tpu as pltpu
from jax.experimental.pallas import tpu_sc as plsc

NC = 2
NS = 16
NW = NC * NS
CH = 128
DW = 16


def _sc_mesh():
    return plsc.VectorSubcoreMesh(core_axis_name="c", subcore_axis_name="s")


def _row_split(n):
    rps = (n // NS) // 8 * 8
    return rps, n - NS * rps


@functools.lru_cache(maxsize=None)
def _make_deg(n, e):
    assert e % CH == 0
    nch = e // CH
    nfull = nch // NW
    rem = nch % NW
    rps, tail = _row_split(n)

    per_tile = nfull * CH

    @functools.partial(
        pl.kernel,
        out_type=jax.ShapeDtypeStruct((NC, n, DW), jnp.float32),
        mesh=_sc_mesh(),
        scratch_types=[
            pltpu.VMEM((2, per_tile), jnp.int32),
            pltpu.VMEM((CH,), jnp.int32),
            pltpu.VMEM((CH, DW), jnp.float32),
            pltpu.VMEM_SHARED((n, DW), jnp.float32),
            pltpu.SemaphoreType.DMA,
            pltpu.SemaphoreType.DMA,
        ],
    )
    def deg_kernel(ei_hbm, out_hbm, idxbuf, didx_s, ones, acc, sem, sem_idx):
        c = lax.axis_index("c")
        s = lax.axis_index("s")
        wid = s * NC + c
        ebase = pl.multiple_of(wid * per_tile, CH)
        pltpu.async_copy(ei_hbm.at[:, pl.ds(ebase, per_tile)], idxbuf, sem_idx)

        @pl.loop(0, CH)
        def _(j):
            ones[j, :] = jnp.ones((DW,), jnp.float32)

        r0 = pl.multiple_of(s * rps, 8)

        def init_range(base, count):
            off = 0
            while off < count:
                step = min(CH, count - off)
                pltpu.sync_copy(ones.at[pl.ds(0, step)],
                                acc.at[pl.ds(base + off, step)])
                off += step

        init_range(r0, rps)
        if tail:
            @pl.when(s == NS - 1)
            def _():
                init_range(NS * rps, tail)
        pltpu.make_async_copy(ei_hbm.at[:, pl.ds(ebase, per_tile)],
                              idxbuf, sem_idx).wait()
        plsc.subcore_barrier()

        def didx(i):
            return idxbuf.at[1, pl.ds(pl.multiple_of(i * CH, CH), CH)]

        @pl.loop(0, nfull)
        def _(i):
            pltpu.async_copy(ones, acc.at[didx(i)], sem, add=True)

        @pl.loop(0, nfull)
        def _(i):
            pltpu.make_async_copy(ones, acc.at[didx(i)], sem).wait()

        if rem:
            @pl.when(wid < rem)
            def _():
                off = pl.multiple_of((NW * nfull + wid) * CH, CH)
                pltpu.sync_copy(ei_hbm.at[1, pl.ds(off, CH)], didx_s)
                pltpu.sync_copy(ones, acc.at[didx_s], add=True)

        plsc.subcore_barrier()
        pltpu.sync_copy(acc.at[pl.ds(r0, rps)], out_hbm.at[c, pl.ds(r0, rps)])
        if tail:
            @pl.when(s == NS - 1)
            def _():
                pltpu.sync_copy(acc.at[pl.ds(NS * rps, tail)],
                                out_hbm.at[c, pl.ds(NS * rps, tail)])

    return deg_kernel


@functools.lru_cache(maxsize=None)
def _make_agg(n, h, e):
    assert e % CH == 0
    nch = e // CH
    nfull = nch // NW
    rem = nch % NW
    rps, tail = _row_split(n)

    assert nfull >= 4 and nfull % 2 == 0
    per_tile = nfull * CH
    cnt_a = (nfull // 2 + 1) // 2 * 2
    cnt_b = nfull - cnt_a
    assert cnt_b >= 2 and cnt_b % 2 == 0

    @functools.partial(
        pl.kernel,
        out_type=jax.ShapeDtypeStruct((NC, n, h), jnp.float32),
        mesh=_sc_mesh(),
        scratch_types=[
            pltpu.VMEM((2, cnt_a * CH), jnp.int32),
            pltpu.VMEM((CH, h), jnp.float32),
            pltpu.VMEM((CH, h), jnp.float32),
            pltpu.VMEM((CH,), jnp.int32),
            pltpu.VMEM((CH,), jnp.int32),
            pltpu.VMEM_SHARED((n, h), jnp.float32),
            pltpu.SemaphoreType.DMA,
            pltpu.SemaphoreType.DMA,
            pltpu.SemaphoreType.DMA,
        ],
    )
    def agg_kernel(y_hbm, ei_hbm, out_hbm, idxbuf, rows0, rows1,
                   sidx_s, didx_s, acc, sem0, sem1, sem_idx):
        c = lax.axis_index("c")
        s = lax.axis_index("s")
        wid = s * NC + c
        ebase = pl.multiple_of(wid * per_tile, CH)

        pltpu.async_copy(ei_hbm.at[:, pl.ds(ebase, cnt_a * CH)],
                         idxbuf, sem_idx)

        r0 = pl.multiple_of(s * rps, 8)

        @pl.when(c == 0)
        def _():
            pltpu.sync_copy(y_hbm.at[pl.ds(r0, rps)], acc.at[pl.ds(r0, rps)])
            if tail:
                @pl.when(s == NS - 1)
                def _():
                    pltpu.sync_copy(y_hbm.at[pl.ds(NS * rps, tail)],
                                    acc.at[pl.ds(NS * rps, tail)])

        @pl.when(c == 1)
        def _():
            @pl.loop(0, CH)
            def _(j):
                for q in range(h // 16):
                    rows0[j, pl.ds(16 * q, 16)] = jnp.zeros((16,), jnp.float32)
            nslab = rps // CH
            last = rps - nslab * CH
            @pl.loop(0, nslab)
            def _(j):
                pltpu.sync_copy(rows0, acc.at[pl.ds(r0 + j * CH, CH)])
            if last:
                pltpu.sync_copy(rows0.at[pl.ds(0, last)],
                                acc.at[pl.ds(r0 + nslab * CH, last)])
            if tail:
                @pl.when(s == NS - 1)
                def _():
                    pltpu.sync_copy(rows0.at[pl.ds(0, tail)],
                                    acc.at[pl.ds(NS * rps, tail)])

        pltpu.make_async_copy(ei_hbm.at[:, pl.ds(ebase, cnt_a * CH)],
                              idxbuf, sem_idx).wait()
        plsc.subcore_barrier()

        rows = (rows0, rows1)
        sems = (sem0, sem1)

        def sidx(i):
            return idxbuf.at[0, pl.ds(pl.multiple_of(i * CH, CH), CH)]

        def didx(i):
            return idxbuf.at[1, pl.ds(pl.multiple_of(i * CH, CH), CH)]

        def g_start(i, p):
            pltpu.async_copy(y_hbm.at[sidx(i)], rows[p], sems[p])

        def g_wait(i, p):
            pltpu.make_async_copy(y_hbm.at[sidx(i)], rows[p], sems[p]).wait()

        def scatter(i, p):
            pltpu.sync_copy(rows[p], acc.at[didx(i)], add=True)

        for c0, cnt in ((0, cnt_a), (cnt_a, cnt_b)):
            if c0:
                pltpu.sync_copy(ei_hbm.at[:, pl.ds(ebase + c0 * CH, cnt * CH)],
                                idxbuf.at[:, pl.ds(0, cnt * CH)])
            g_start(0, 0)

            @pl.loop(0, cnt - 2, step=2)
            def _(i):
                g_start(i + 1, 1)
                g_wait(i, 0)
                scatter(i, 0)
                g_start(i + 2, 0)
                g_wait(i + 1, 1)
                scatter(i + 1, 1)

            g_start(cnt - 1, 1)
            g_wait(cnt - 2, 0)
            scatter(cnt - 2, 0)
            g_wait(cnt - 1, 1)
            scatter(cnt - 1, 1)

        if rem:
            @pl.when(wid < rem)
            def _():
                off = pl.multiple_of((NW * nfull + wid) * CH, CH)
                pltpu.sync_copy(ei_hbm.at[0, pl.ds(off, CH)], sidx_s)
                pltpu.sync_copy(ei_hbm.at[1, pl.ds(off, CH)], didx_s)
                pltpu.async_copy(y_hbm.at[sidx_s], rows0, sem0).wait()
                pltpu.sync_copy(rows0, acc.at[didx_s], add=True)

        plsc.subcore_barrier()
        pltpu.sync_copy(acc.at[pl.ds(r0, rps)], out_hbm.at[c, pl.ds(r0, rps)])
        if tail:
            @pl.when(s == NS - 1)
            def _():
                pltpu.sync_copy(acc.at[pl.ds(NS * rps, tail)],
                                out_hbm.at[c, pl.ds(NS * rps, tail)])

    return agg_kernel


def _dinv_from(dp_ref):
    deg = dp_ref[0, :, 0:1] + dp_ref[1, :, 0:1] - 1.0
    return lax.rsqrt(deg)


@functools.lru_cache(maxsize=None)
def _make_mm1(n, f, h, blk):
    def body(x_ref, w_ref, y_ref):
        y_ref[...] = jnp.dot(
            x_ref[...], w_ref[...], preferred_element_type=jnp.float32)

    return pl.pallas_call(
        body,
        grid=(n // blk,),
        in_specs=[
            pl.BlockSpec((blk, f), lambda i: (i, 0)),
            pl.BlockSpec((f, h), lambda i: (0, 0)),
        ],
        out_specs=pl.BlockSpec((blk, h), lambda i: (i, 0)),
        out_shape=jax.ShapeDtypeStruct((n, h), jnp.float32),
    )


@functools.lru_cache(maxsize=None)
def _make_scale1(n, h, blk):
    def body(xw_ref, dp_ref, y_ref):
        y_ref[...] = _dinv_from(dp_ref) * xw_ref[...]

    return pl.pallas_call(
        body,
        grid=(n // blk,),
        in_specs=[
            pl.BlockSpec((blk, h), lambda i: (i, 0)),
            pl.BlockSpec((NC, blk, DW), lambda i: (0, i, 0)),
        ],
        out_specs=pl.BlockSpec((blk, h), lambda i: (i, 0)),
        out_shape=jax.ShapeDtypeStruct((n, h), jnp.float32),
    )


@functools.lru_cache(maxsize=None)
def _make_mid(n, h, blk):
    def body(p_ref, dp_ref, w2_ref, b1_ref, y2_ref):
        dinv = _dinv_from(dp_ref)
        agg = p_ref[0] + p_ref[1]
        hact = jnp.maximum(dinv * agg + b1_ref[...], 0.0)
        y2_ref[...] = dinv * jnp.dot(
            hact, w2_ref[...], preferred_element_type=jnp.float32)

    return pl.pallas_call(
        body,
        grid=(n // blk,),
        in_specs=[
            pl.BlockSpec((NC, blk, h), lambda i: (0, i, 0)),
            pl.BlockSpec((NC, blk, DW), lambda i: (0, i, 0)),
            pl.BlockSpec((h, h), lambda i: (0, 0)),
            pl.BlockSpec((1, h), lambda i: (0, 0)),
        ],
        out_specs=pl.BlockSpec((blk, h), lambda i: (i, 0)),
        out_shape=jax.ShapeDtypeStruct((n, h), jnp.float32),
    )


@functools.lru_cache(maxsize=None)
def _make_emb_out(n, h, s_sub, blk):
    def body(p_ref, dp_ref, b2_ref, wl_ref, bl_ref, emb_ref, o_ref):
        dinv = _dinv_from(dp_ref)
        agg = p_ref[0] + p_ref[1]
        emb = dinv * agg + b2_ref[...]
        emb_ref[...] = emb
        z = emb.reshape(blk // s_sub, s_sub * h)
        o_ref[...] = lax.dot_general(
            z, wl_ref[...], (((1,), (1,)), ((), ())),
            preferred_element_type=jnp.float32) + bl_ref[...]

    return pl.pallas_call(
        body,
        grid=(n // blk,),
        in_specs=[
            pl.BlockSpec((NC, blk, h), lambda i: (0, i, 0)),
            pl.BlockSpec((NC, blk, DW), lambda i: (0, i, 0)),
            pl.BlockSpec((1, h), lambda i: (0, 0)),
            pl.BlockSpec((h, s_sub * h), lambda i: (0, 0)),
            pl.BlockSpec((1, h), lambda i: (0, 0)),
        ],
        out_specs=[
            pl.BlockSpec((blk, h), lambda i: (i, 0)),
            pl.BlockSpec((blk // s_sub, h), lambda i: (i, 0)),
        ],
        out_shape=[
            jax.ShapeDtypeStruct((n, h), jnp.float32),
            jax.ShapeDtypeStruct((n // s_sub, h), jnp.float32),
        ],
    )


def kernel(x, edge_index, W1, b1, W2, b2, Wl, bl):
    n, f = x.shape
    h = W1.shape[1]
    e = edge_index.shape[1]
    s_sub = Wl.shape[1] // h

    degp = _make_deg(n, e)(edge_index)
    xw1 = _make_mm1(n, f, h, 2000)(x, W1)
    y1 = _make_scale1(n, h, 2000)(xw1, degp)
    p1 = _make_agg(n, h, e)(y1, edge_index)
    y2 = _make_mid(n, h, 2000)(p1, degp, W2, b1.reshape(1, h))
    p2 = _make_agg(n, h, e)(y2, edge_index)
    emb, out = _make_emb_out(n, h, s_sub, 2000)(
        p2, degp, b2.reshape(1, h), Wl, bl.reshape(1, h))
    return (out, emb)

# --- scband reference (transcript-rebuilt; emitter-appended) ---
"""Pipeline reference for scband-subgraph-encoder-13846974562983 (READ-ONLY COPY).

The authoritative reference and input builder live on the scoring server;
editing this copy changes nothing except your own understanding.
"""

import jax, jax.numpy as jnp
import numpy as np

N = 10000
E = 320000
F_IN = 128
H = 128
S = 10  # num_subvertices


def setup_inputs(seed: int = 0) -> dict:
    key = jax.random.key(seed)
    k1, k2, k3, k4, k5, k6, k7, k8 = jax.random.split(key, 8)
    x = jax.random.normal(k1, (N, F_IN), dtype=jnp.float32)
    edge_index = jax.random.randint(k2, (2, E), 0, N, dtype=jnp.int32)
    # GCNConv1 params (glorot-ish init)
    W1 = jax.random.normal(k3, (F_IN, H), dtype=jnp.float32) * (1.0 / np.sqrt(F_IN))
    b1 = jnp.zeros((H,), dtype=jnp.float32)
    # GCNConv2 params
    W2 = jax.random.normal(k4, (H, H), dtype=jnp.float32) * (1.0 / np.sqrt(H))
    b2 = jnp.zeros((H,), dtype=jnp.float32)
    # Linear(num_subvertices*hidden_dim -> hidden_dim); torch stores weight [out, in]
    Wl = jax.random.normal(k5, (H, S * H), dtype=jnp.float32) * (1.0 / np.sqrt(S * H))
    bl = jax.random.normal(k6, (H,), dtype=jnp.float32) * (1.0 / np.sqrt(S * H))
    return {"x": x, "edge_index": edge_index, "W1": W1, "b1": b1, "W2": W2, "b2": b2, "Wl": Wl, "bl": bl}


def _gcn_conv(x, edge_index, W, b, num_nodes):
    # PyG GCNConv: add self-loops, symmetric normalization D^-1/2 A_hat D^-1/2, then XW aggregation + bias
    src = edge_index[0]
    dst = edge_index[1]
    loop = jnp.arange(num_nodes, dtype=src.dtype)
    src = jnp.concatenate([src, loop])
    dst = jnp.concatenate([dst, loop])
    deg = jnp.zeros((num_nodes,), dtype=x.dtype).at[dst].add(1.0)
    deg_inv_sqrt = jnp.where(deg > 0, 1.0 / jnp.sqrt(deg), 0.0)
    norm = deg_inv_sqrt[src] * deg_inv_sqrt[dst]
    xw = x @ W
    msg = xw[src] * norm[:, None]
    out = jnp.zeros((num_nodes, W.shape[1]), dtype=x.dtype).at[dst].add(msg)
    return out + b


def reference(x, edge_index, W1, b1, W2, b2, Wl, bl):
    num_nodes = x.shape[0]
    h = _gcn_conv(x, edge_index, W1, b1, num_nodes)
    h = jax.nn.relu(h)
    embeddings = _gcn_conv(h, edge_index, W2, b2, num_nodes)
    z = embeddings.reshape(num_nodes // S, S * embeddings.shape[1])
    out = z @ Wl.T + bl
    return (out, embeddings)

if __name__ == "__main__":
    import jax
    _d = setup_inputs()
    print(jax.jit(kernel)(*tuple(_d.values())))

</pallas_src>

<mosaic_0001>
#map = affine_map<(d0, d1) -> (0, 0)>
#map1 = affine_map<(d0, d1) -> (0, 0, 0)>
module attributes {stable_mosaic.version = 14 : i64} {
  func.func @agg_kernel(%arg0: i32, %arg1: i32, %arg2: memref<10000x128xf32, #tpu.memory_space<hbm>>, %arg3: memref<2x320000xi32, #tpu.memory_space<hbm>>, %arg4: memref<2x10000x128xf32, #tpu.memory_space<hbm>>, %arg5: memref<2x5120xi32, #tpu.memory_space<vmem>>, %arg6: memref<128x128xf32, #tpu.memory_space<vmem>>, %arg7: memref<128x128xf32, #tpu.memory_space<vmem>>, %arg8: memref<128xi32, #tpu.memory_space<vmem>>, %arg9: memref<128xi32, #tpu.memory_space<vmem>>, %arg10: memref<10000x128xf32, #tpu.memory_space<vmem_shared>>, %arg11: memref<!tpu.dma_semaphore, #tpu.memory_space<semaphore_mem>>, %arg12: memref<!tpu.dma_semaphore, #tpu.memory_space<semaphore_mem>>, %arg13: memref<!tpu.dma_semaphore, #tpu.memory_space<semaphore_mem>>) attributes {dimension_semantics = [#tpu.dimension_semantics<core_parallel>, #tpu.dimension_semantics<subcore_parallel>], iteration_bounds = array<i64: 2, 16>, scalar_prefetch = 0 : i64, scratch_operands = 9 : i64, tpu.core_type = #tpu.core_type<sc_vector_subcore>, window_params = [{transform_indices = #map}, {transform_indices = #map}, {transform_indices = #map1}]} {
    %mul3A = arith.constant 2 : i32
    %mul3A_0 = arith.muli %arg1, %mul3A : i32
    %add3A = arith.addi %mul3A_0, %arg0 : i32
    %mul3A_1 = arith.constant 9984 : i32
    %mul3A_2 = arith.muli %add3A, %mul3A_1 : i32
    %multiple_of3A = tpu.assume_multiple %mul3A_2, 128 : i32
    %dma_start3A = arith.constant 0 : i32
    %dma_start3A_3 = tpu.memref_slice %arg3[%dma_start3A, %multiple_of3A] : memref<2x320000xi32, #tpu.memory_space<hbm>> -> memref<2x5120xi32, #tpu.memory_space<hbm>>
    %dma_start3A_4 = arith.constant 0 : i32
    %dma_start3A_5 = tpu.memref_slice %arg3[%dma_start3A_4, %multiple_of3A] : memref<2x320000xi32, #tpu.memory_space<hbm>> -> memref<2x5120xi32, #tpu.memory_space<hbm>>
    tpu.enqueue_dma source(%dma_start3A_5 : memref<2x5120xi32, #tpu.memory_space<hbm>>) target(%arg5 : memref<2x5120xi32, #tpu.memory_space<vmem>>) target_semaphore(%arg13 : memref<!tpu.dma_semaphore, #tpu.memory_space<semaphore_mem>>)
    %mul3A_6 = arith.constant 624 : i32
    %mul3A_7 = arith.muli %arg1, %mul3A_6 : i32
    %multiple_of3A_8 = tpu.assume_multiple %mul3A_7, 8 : i32
    %eq3A = arith.constant 0 : i32
    %eq3A_9 = arith.cmpi eq, %arg0, %eq3A : i32
    %convert_element_type3A = arith.extui %eq3A_9 : i1 to i32
    %cond3A = arith.constant 0 : i32
    %cond3A_10 = arith.cmpi ne, %convert_element_type3A, %cond3A : i32
    scf.if %cond3A_10 {
      "tpu.region"() ({
        %run_scoped3A_120 = tpu.sem_alloc : memref<!tpu.dma_semaphore, #tpu.memory_space<semaphore_mem>>
        %dma_start3A_121 = arith.constant 0 : i32
        %dma_start3A_122 = tpu.memref_slice %arg10[%multiple_of3A_8, %dma_start3A_121] : memref<10000x128xf32, #tpu.memory_space<vmem_shared>> -> memref<624x128xf32, #tpu.memory_space<vmem_shared>>
        %dma_start3A_123 = arith.constant 0 : i32
        %dma_start3A_124 = tpu.memref_slice %arg2[%multiple_of3A_8, %dma_start3A_123] : memref<10000x128xf32, #tpu.memory_space<hbm>> -> memref<624x128xf32, #tpu.memory_space<hbm>>
        tpu.enqueue_dma source(%dma_start3A_124 : memref<624x128xf32, #tpu.memory_space<hbm>>) target(%dma_start3A_122 : memref<624x128xf32, #tpu.memory_space<vmem_shared>>) target_semaphore(%run_scoped3A_120 : memref<!tpu.dma_semaphore, #tpu.memory_space<semaphore_mem>>)
        %dma_wait3A_125 = arith.constant 0 : i32
        %dma_wait3A_126 = tpu.memref_slice %arg10[%multiple_of3A_8, %dma_wait3A_125] : memref<10000x128xf32, #tpu.memory_space<vmem_shared>> -> memref<624x128xf32, #tpu.memory_space<vmem_shared>>
        %dma_wait3A_127 = arith.constant 0 : i32
        %dma_wait3A_128 = tpu.memref_slice %arg2[%multiple_of3A_8, %dma_wait3A_127] : memref<10000x128xf32, #tpu.memory_space<hbm>> -> memref<624x128xf32, #tpu.memory_space<hbm>>
        tpu.wait_dma2 semaphore(%run_scoped3A_120 : memref<!tpu.dma_semaphore, #tpu.memory_space<semaphore_mem>>) src(%dma_wait3A_128 : memref<624x128xf32, #tpu.memory_space<hbm>>) dst(%dma_wait3A_126 : memref<624x128xf32, #tpu.memory_space<vmem_shared>>)
        tpu.yield
      }) : () -> ()
      %eq3A_115 = arith.constant 15 : i32
      %eq3A_116 = arith.cmpi eq, %arg1, %eq3A_115 : i32
      %convert_element_type3A_117 = arith.extui %eq3A_116 : i1 to i32
      %cond3A_118 = arith.constant 0 : i32
      %cond3A_119 = arith.cmpi ne, %convert_element_type3A_117, %cond3A_118 : i32
      scf.if %cond3A_119 {
        "tpu.region"() ({
          %run_scoped3A_120 = tpu.sem_alloc : memref<!tpu.dma_semaphore, #tpu.memory_space<semaphore_mem>>
          %dma_start3A_121 = arith.constant 9984 : i32
          %dma_start3A_122 = arith.constant 0 : i32
          %dma_start3A_123 = tpu.memref_slice %arg10[%dma_start3A_121, %dma_start3A_122] : memref<10000x128xf32, #tpu.memory_space<vmem_shared>> -> memref<16x128xf32, #tpu.memory_space<vmem_shared>>
          %dma_start3A_124 = arith.constant 9984 : i32
          %dma_start3A_125 = arith.constant 0 : i32
          %dma_start3A_126 = tpu.memref_slice %arg2[%dma_start3A_124, %dma_start3A_125] : memref<10000x128xf32, #tpu.memory_space<hbm>> -> memref<16x128xf32, #tpu.memory_space<hbm>>
          tpu.enqueue_dma source(%dma_start3A_126 : memref<16x128xf32, #tpu.memory_space<hbm>>) target(%dma_start3A_123 : memref<16x128xf32, #tpu.memory_space<vmem_shared>>) target_semaphore(%run_scoped3A_120 : memref<!tpu.dma_semaphore, #tpu.memory_space<semaphore_mem>>)
          %dma_wait3A_127 = arith.constant 9984 : i32
          %dma_wait3A_128 = arith.constant 0 : i32
          %dma_wait3A_129 = tpu.memref_slice %arg10[%dma_wait3A_127, %dma_wait3A_128] : memref<10000x128xf32, #tpu.memory_space<vmem_shared>> -> memref<16x128xf32, #tpu.memory_space<vmem_shared>>
          %dma_wait3A_130 = arith.constant 9984 : i32
          %dma_wait3A_131 = arith.constant 0 : i32
          %dma_wait3A_132 = tpu.memref_slice %arg2[%dma_wait3A_130, %dma_wait3A_131] : memref<10000x128xf32, #tpu.memory_space<hbm>> -> memref<16x128xf32, #tpu.memory_space<hbm>>
          tpu.wait_dma2 semaphore(%run_scoped3A_120 : memref<!tpu.dma_semaphore, #tpu.memory_space<semaphore_mem>>) src(%dma_wait3A_132 : memref<16x128xf32, #tpu.memory_space<hbm>>) dst(%dma_wait3A_129 : memref<16x128xf32, #tpu.memory_space<vmem_shared>>)
          tpu.yield
        }) : () -> ()
      } else {
      }
    } else {
    }
    %eq3A_11 = arith.constant 1 : i32
    %eq3A_12 = arith.cmpi eq, %arg0, %eq3A_11 : i32
    %convert_element_type3A_13 = arith.extui %eq3A_12 : i1 to i32
    %cond3A_14 = arith.constant 0 : i32
    %cond3A_15 = arith.cmpi ne, %convert_element_type3A_13, %cond3A_14 : i32
    scf.if %cond3A_15 {
      %scan3A_115 = arith.constant 0 : i32
      %scan3A_116 = arith.constant 128 : i32
      %scan3A_117 = arith.addi %scan3A_115, %scan3A_116 : i32
      %scan3A_118 = arith.constant 1 : i32
      scf.for %scan3A_132 = %scan3A_115 to %scan3A_117 step %scan3A_118  : i32 {
        %mul3A_133 = arith.constant 1 : i32
        %mul3A_134 = arith.muli %scan3A_132, %mul3A_133 : i32
        %add3A_135 = arith.constant 0 : i32
        %add3A_136 = arith.addi %add3A_135, %mul3A_134 : i32
        %broadcast_in_dim3A = arith.constant 0.000000e+00 : f32
        %broadcast_in_dim3A_137 = vector.broadcast %broadcast_in_dim3A : f32 to vector<16xf32>
        %swap3A = arith.index_cast %add3A_136 : i32 to index
        %swap3A_138 = arith.constant 0 : index
        %swap3A_139 = tpu.vector_load %arg6[%swap3A, %swap3A_138] {strides = array<i32>} : memref<128x128xf32, #tpu.memory_space<vmem>>, vector<1x16xf32>,
        %swap3A_140 = vector.shape_cast %swap3A_139 : vector<1x16xf32> to vector<16xf32>
        %swap3A_141 = vector.shape_cast %broadcast_in_dim3A_137 : vector<16xf32> to vector<1x16xf32>
        tpu.vector_store %arg6[%swap3A, %swap3A_138], %swap3A_141 {strides = array<i32>} : memref<128x128xf32, #tpu.memory_space<vmem>>, vector<1x16xf32>,
        %broadcast_in_dim3A_142 = arith.constant 0.000000e+00 : f32
        %broadcast_in_dim3A_143 = vector.broadcast %broadcast_in_dim3A_142 : f32 to vector<16xf32>
        %swap3A_144 = arith.index_cast %add3A_136 : i32 to index
        %swap3A_145 = arith.constant 16 : index
        %swap3A_146 = tpu.vector_load %arg6[%swap3A_144, %swap3A_145] {strides = array<i32>} : memref<128x128xf32, #tpu.memory_space<vmem>>, vector<1x16xf32>,
        %swap3A_147 = vector.shape_cast %swap3A_146 : vector<1x16xf32> to vector<16xf32>
        %swap3A_148 = vector.shape_cast %broadcast_in_dim3A_143 : vector<16xf32> to vector<1x16xf32>
        tpu.vector_store %arg6[%swap3A_144, %swap3A_145], %swap3A_148 {strides = array<i32>} : memref<128x128xf32, #tpu.memory_space<vmem>>, vector<1x16xf32>,
        %broadcast_in_dim3A_149 = arith.constant 0.000000e+00 : f32
        %broadcast_in_dim3A_150 = vector.broadcast %broadcast_in_dim3A_149 : f32 to vector<16xf32>
        %swap3A_151 = arith.index_cast %add3A_136 : i32 to index
        %swap3A_152 = arith.constant 32 : index
        %swap3A_153 = tpu.vector_load %arg6[%swap3A_151, %swap3A_152] {strides = array<i32>} : memref<128x128xf32, #tpu.memory_space<vmem>>, vector<1x16xf32>,
        %swap3A_154 = vector.shape_cast %swap3A_153 : vector<1x16xf32> to vector<16xf32>
        %swap3A_155 = vector.shape_cast %broadcast_in_dim3A_150 : vector<16xf32> to vector<1x16xf32>
        tpu.vector_store %arg6[%swap3A_151, %swap3A_152], %swap3A_155 {strides = array<i32>} : memref<128x128xf32, #tpu.memory_space<vmem>>, vector<1x16xf32>,
        %broadcast_in_dim3A_156 = arith.constant 0.000000e+00 : f32
        %broadcast_in_dim3A_157 = vector.broadcast %broadcast_in_dim3A_156 : f32 to vector<16xf32>
        %swap3A_158 = arith.index_cast %add3A_136 : i32 to index
        %swap3A_159 = arith.constant 48 : index
        %swap3A_160 = tpu.vector_load %arg6[%swap3A_158, %swap3A_159] {strides = array<i32>} : memref<128x128xf32, #tpu.memory_space<vmem>>, vector<1x16xf32>,
        %swap3A_161 = vector.shape_cast %swap3A_160 : vector<1x16xf32> to vector<16xf32>
        %swap3A_162 = vector.shape_cast %broadcast_in_dim3A_157 : vector<16xf32> to vector<1x16xf32>
        tpu.vector_store %arg6[%swap3A_158, %swap3A_159], %swap3A_162 {strides = array<i32>} : memref<128x128xf32, #tpu.memory_space<vmem>>, vector<1x16xf32>,
        %broadcast_in_dim3A_163 = arith.constant 0.000000e+00 : f32
        %broadcast_in_dim3A_164 = vector.broadcast %broadcast_in_dim3A_163 : f32 to vector<16xf32>
        %swap3A_165 = arith.index_cast %add3A_136 : i32 to index
        %swap3A_166 = arith.constant 64 : index
        %swap3A_167 = tpu.vector_load %arg6[%swap3A_165, %swap3A_166] {strides = array<i32>} : memref<128x128xf32, #tpu.memory_space<vmem>>, vector<1x16xf32>,
        %swap3A_168 = vector.shape_cast %swap3A_167 : vector<1x16xf32> to vector<16xf32>
        %swap3A_169 = vector.shape_cast %broadcast_in_dim3A_164 : vector<16xf32> to vector<1x16xf32>
        tpu.vector_store %arg6[%swap3A_165, %swap3A_166], %swap3A_169 {strides = array<i32>} : memref<128x128xf32, #tpu.memory_space<vmem>>, vector<1x16xf32>,
        %broadcast_in_dim3A_170 = arith.constant 0.000000e+00 : f32
        %broadcast_in_dim3A_171 = vector.broadcast %broadcast_in_dim3A_170 : f32 to vector<16xf32>
        %swap3A_172 = arith.index_cast %add3A_136 : i32 to index
        %swap3A_173 = arith.constant 80 : index
        %swap3A_174 = tpu.vector_load %arg6[%swap3A_172, %swap3A_173] {strides = array<i32>} : memref<128x128xf32, #tpu.memory_space<vmem>>, vector<1x16xf32>,
        %swap3A_175 = vector.shape_cast %swap3A_174 : vector<1x16xf32> to vector<16xf32>
        %swap3A_176 = vector.shape_cast %broadcast_in_dim3A_171 : vector<16xf32> to vector<1x16xf32>
        tpu.vector_store %arg6[%swap3A_172, %swap3A_173], %swap3A_176 {strides = array<i32>} : memref<128x128xf32, #tpu.memory_space<vmem>>, vector<1x16xf32>,
        %broadcast_in_dim3A_177 = arith.constant 0.000000e+00 : f32
        %broadcast_in_dim3A_178 = vector.broadcast %broadcast_in_dim3A_177 : f32 to vector<16xf32>
        %swap3A_179 = arith.index_cast %add3A_136 : i32 to index
        %swap3A_180 = arith.constant 96 : index
        %swap3A_181 = tpu.vector_load %arg6[%swap3A_179, %swap3A_180] {strides = array<i32>} : memref<128x128xf32, #tpu.memory_space<vmem>>, vector<1x16xf32>,
        %swap3A_182 = vector.shape_cast %swap3A_181 : vector<1x16xf32> to vector<16xf32>
        %swap3A_183 = vector.shape_cast %broadcast_in_dim3A_178 : vector<16xf32> to vector<1x16xf32>
        tpu.vector_store %arg6[%swap3A_179, %swap3A_180], %swap3A_183 {strides = array<i32>} : memref<128x128xf32, #tpu.memory_space<vmem>>, vector<1x16xf32>,
        %broadcast_in_dim3A_184 = arith.constant 0.000000e+00 : f32
        %broadcast_in_dim3A_185 = vector.broadcast %broadcast_in_dim3A_184 : f32 to vector<16xf32>
        %swap3A_186 = arith.index_cast %add3A_136 : i32 to index
        %swap3A_187 = arith.constant 112 : index
        %swap3A_188 = tpu.vector_load %arg6[%swap3A_186, %swap3A_187] {strides = array<i32>} : memref<128x128xf32, #tpu.memory_space<vmem>>, vector<1x16xf32>,
        %swap3A_189 = vector.shape_cast %swap3A_188 : vector<1x16xf32> to vector<16xf32>
        %swap3A_190 = vector.shape_cast %broadcast_in_dim3A_185 : vector<16xf32> to vector<1x16xf32>
        tpu.vector_store %arg6[%swap3A_186, %swap3A_187], %swap3A_190 {strides = array<i32>} : memref<128x128xf32, #tpu.memory_space<vmem>>, vector<1x16xf32>,
      }
      %scan3A_119 = arith.constant 128 : i32
      %scan3A_120 = arith.constant 0 : i32
      %scan3A_121 = arith.constant 4 : i32
      %scan3A_122 = arith.addi %scan3A_120, %scan3A_121 : i32
      %scan3A_123 = arith.constant 1 : i32
      scf.for %scan3A_132 = %scan3A_120 to %scan3A_122 step %scan3A_123  : i32 {
        %mul3A_133 = arith.constant 1 : i32
        %mul3A_134 = arith.muli %scan3A_132, %mul3A_133 : i32
        %add3A_135 = arith.constant 0 : i32
        %add3A_136 = arith.addi %add3A_135, %mul3A_134 : i32
        %mul3A_137 = arith.constant 128 : i32
        %mul3A_138 = arith.muli %add3A_136, %mul3A_137 : i32
        %add3A_139 = arith.addi %multiple_of3A_8, %mul3A_138 : i32
        "tpu.region"() ({
          %run_scoped3A_140 = tpu.sem_alloc : memref<!tpu.dma_semaphore, #tpu.memory_space<semaphore_mem>>
          %dma_start3A_141 = arith.constant 0 : i32
          %dma_start3A_142 = tpu.memref_slice %arg10[%add3A_139, %dma_start3A_141] : memref<10000x128xf32, #tpu.memory_space<vmem_shared>> -> memref<128x128xf32, #tpu.memory_space<vmem_shared>>
          %dma_start3A_143 = arith.constant 0 : i32
          %dma_start3A_144 = tpu.memref_slice %arg10[%add3A_139, %dma_start3A_143] : memref<10000x128xf32, #tpu.memory_space<vmem_shared>> -> memref<128x128xf32, #tpu.memory_space<vmem_shared>>
          tpu.enqueue_dma source(%arg6 : memref<128x128xf32, #tpu.memory_space<vmem>>) target(%dma_start3A_144 : memref<128x128xf32, #tpu.memory_space<vmem_shared>>) target_semaphore(%run_scoped3A_140 : memref<!tpu.dma_semaphore, #tpu.memory_space<semaphore_mem>>)
          %dma_wait3A_145 = arith.constant 0 : i32
          %dma_wait3A_146 = tpu.memref_slice %arg10[%add3A_139, %dma_wait3A_145] : memref<10000x128xf32, #tpu.memory_space<vmem_shared>> -> memref<128x128xf32, #tpu.memory_space<vmem_shared>>
          %dma_wait3A_147 = arith.constant 0 : i32
          %dma_wait3A_148 = tpu.memref_slice %arg10[%add3A_139, %dma_wait3A_147] : memref<10000x128xf32, #tpu.memory_space<vmem_shared>> -> memref<128x128xf32, #tpu.memory_space<vmem_shared>>
          tpu.wait_dma2 semaphore(%run_scoped3A_140 : memref<!tpu.dma_semaphore, #tpu.memory_space<semaphore_mem>>) src(%arg6 : memref<128x128xf32, #tpu.memory_space<vmem>>) dst(%dma_wait3A_148 : memref<128x128xf32, #tpu.memory_space<vmem_shared>>)
          tpu.yield
        }) : () -> ()
      }
      %scan3A_124 = arith.constant 4 : i32
      %add3A_125 = arith.constant 512 : i32
      %add3A_126 = arith.addi %multiple_of3A_8, %add3A_125 : i32
      "tpu.region"() ({
        %run_scoped3A_132 = tpu.sem_alloc : memref<!tpu.dma_semaphore, #tpu.memory_space<semaphore_mem>>
        %dma_start3A_133 = arith.constant 0 : i32
        %dma_start3A_134 = arith.constant 0 : i32
        %dma_start3A_135 = tpu.memref_slice %arg6[%dma_start3A_133, %dma_start3A_134] : memref<128x128xf32, #tpu.memory_space<vmem>> -> memref<112x128xf32, #tpu.memory_space<vmem>>
        %dma_start3A_136 = arith.constant 0 : i32
        %dma_start3A_137 = tpu.memref_slice %arg10[%add3A_126, %dma_start3A_136] : memref<10000x128xf32, #tpu.memory_space<vmem_shared>> -> memref<112x128xf32, #tpu.memory_space<vmem_shared>>
        %dma_start3A_138 = arith.constant 0 : i32
        %dma_start3A_139 = tpu.memref_slice %arg10[%add3A_126, %dma_start3A_138] : memref<10000x128xf32, #tpu.memory_space<vmem_shared>> -> memref<112x128xf32, #tpu.memory_space<vmem_shared>>
        %dma_start3A_140 = arith.constant 0 : i32
        %dma_start3A_141 = arith.constant 0 : i32
        %dma_start3A_142 = tpu.memref_slice %arg6[%dma_start3A_140, %dma_start3A_141] : memref<128x128xf32, #tpu.memory_space<vmem>> -> memref<112x128xf32, #tpu.memory_space<vmem>>
        tpu.enqueue_dma source(%dma_start3A_142 : memref<112x128xf32, #tpu.memory_space<vmem>>) target(%dma_start3A_139 : memref<112x128xf32, #tpu.memory_space<vmem_shared>>) target_semaphore(%run_scoped3A_132 : memref<!tpu.dma_semaphore, #tpu.memory_space<semaphore_mem>>)
        %dma_wait3A_143 = arith.constant 0 : i32
        %dma_wait3A_144 = arith.constant 0 : i32
        %dma_wait3A_145 = tpu.memref_slice %arg6[%dma_wait3A_143, %dma_wait3A_144] : memref<128x128xf32, #tpu.memory_space<vmem>> -> memref<112x128xf32, #tpu.memory_space<vmem>>
        %dma_wait3A_146 = arith.constant 0 : i32
        %dma_wait3A_147 = tpu.memref_slice %arg10[%add3A_126, %dma_wait3A_146] : memref<10000x128xf32, #tpu.memory_space<vmem_shared>> -> memref<112x128xf32, #tpu.memory_space<vmem_shared>>
        %dma_wait3A_148 = arith.constant 0 : i32
        %dma_wait3A_149 = tpu.memref_slice %arg10[%add3A_126, %dma_wait3A_148] : memref<10000x128xf32, #tpu.memory_space<vmem_shared>> -> memref<112x128xf32, #tpu.memory_space<vmem_shared>>
        %dma_wait3A_150 = arith.constant 0 : i32
        %dma_wait3A_151 = arith.constant 0 : i32
        %dma_wait3A_152 = tpu.memref_slice %arg6[%dma_wait3A_150, %dma_wait3A_151] : memref<128x128xf32, #tpu.memory_space<vmem>> -> memref<112x128xf32, #tpu.memory_space<vmem>>
        tpu.wait_dma2 semaphore(%run_scoped3A_132 : memref<!tpu.dma_semaphore, #tpu.memory_space<semaphore_mem>>) src(%dma_wait3A_152 : memref<112x128xf32, #tpu.memory_space<vmem>>) dst(%dma_wait3A_149 : memref<112x128xf32, #tpu.memory_space<vmem_shared>>)
        tpu.yield
      }) : () -> ()
      %eq3A_127 = arith.constant 15 : i32
      %eq3A_128 = arith.cmpi eq, %arg1, %eq3A_127 : i32
      %convert_element_type3A_129 = arith.extui %eq3A_128 : i1 to i32
      %cond3A_130 = arith.constant 0 : i32
      %cond3A_131 = arith.cmpi ne, %convert_element_type3A_129, %cond3A_130 : i32
      scf.if %cond3A_131 {
        "tpu.region"() ({
          %run_scoped3A_132 = tpu.sem_alloc : memref<!tpu.dma_semaphore, #tpu.memory_space<semaphore_mem>>
          %dma_start3A_133 = arith.constant 0 : i32
          %dma_start3A_134 = arith.constant 0 : i32
          %dma_start3A_135 = tpu.memref_slice %arg6[%dma_start3A_133, %dma_start3A_134] : memref<128x128xf32, #tpu.memory_space<vmem>> -> memref<16x128xf32, #tpu.memory_space<vmem>>
          %dma_start3A_136 = arith.constant 9984 : i32
          %dma_start3A_137 = arith.constant 0 : i32
          %dma_start3A_138 = tpu.memref_slice %arg10[%dma_start3A_136, %dma_start3A_137] : memref<10000x128xf32, #tpu.memory_space<vmem_shared>> -> memref<16x128xf32, #tpu.memory_space<vmem_shared>>
          %dma_start3A_139 = arith.constant 9984 : i32
          %dma_start3A_140 = arith.constant 0 : i32
          %dma_start3A_141 = tpu.memref_slice %arg10[%dma_start3A_139, %dma_start3A_140] : memref<10000x128xf32, #tpu.memory_space<vmem_shared>> -> memref<16x128xf32, #tpu.memory_space<vmem_shared>>
          %dma_start3A_142 = arith.constant 0 : i32
          %dma_start3A_143 = arith.constant 0 : i32
          %dma_start3A_144 = tpu.memref_slice %arg6[%dma_start3A_142, %dma_start3A_143] : memref<128x128xf32, #tpu.memory_space<vmem>> -> memref<16x128xf32, #tpu.memory_space<vmem>>
          tpu.enqueue_dma source(%dma_start3A_144 : memref<16x128xf32, #tpu.memory_space<vmem>>) target(%dma_start3A_141 : memref<16x128xf32, #tpu.memory_space<vmem_shared>>) target_semaphore(%run_scoped3A_132 : memref<!tpu.dma_semaphore, #tpu.memory_space<semaphore_mem>>)
          %dma_wait3A_145 = arith.constant 0 : i32
          %dma_wait3A_146 = arith.constant 0 : i32
          %dma_wait3A_147 = tpu.memref_slice %arg6[%dma_wait3A_145, %dma_wait3A_146] : memref<128x128xf32, #tpu.memory_space<vmem>> -> memref<16x128xf32, #tpu.memory_space<vmem>>
          %dma_wait3A_148 = arith.constant 9984 : i32
          %dma_wait3A_149 = arith.constant 0 : i32
          %dma_wait3A_150 = tpu.memref_slice %arg10[%dma_wait3A_148, %dma_wait3A_149] : memref<10000x128xf32, #tpu.memory_space<vmem_shared>> -> memref<16x128xf32, #tpu.memory_space<vmem_shared>>
          %dma_wait3A_151 = arith.constant 9984 : i32
          %dma_wait3A_152 = arith.constant 0 : i32
          %dma_wait3A_153 = tpu.memref_slice %arg10[%dma_wait3A_151, %dma_wait3A_152] : memref<10000x128xf32, #tpu.memory_space<vmem_shared>> -> memref<16x128xf32, #tpu.memory_space<vmem_shared>>
          %dma_wait3A_154 = arith.constant 0 : i32
          %dma_wait3A_155 = arith.constant 0 : i32
          %dma_wait3A_156 = tpu.memref_slice %arg6[%dma_wait3A_154, %dma_wait3A_155] : memref<128x128xf32, #tpu.memory_space<vmem>> -> memref<16x128xf32, #tpu.memory_space<vmem>>
          tpu.wait_dma2 semaphore(%run_scoped3A_132 : memref<!tpu.dma_semaphore, #tpu.memory_space<semaphore_mem>>) src(%dma_wait3A_156 : memref<16x128xf32, #tpu.memory_space<vmem>>) dst(%dma_wait3A_153 : memref<16x128xf32, #tpu.memory_space<vmem_shared>>)
          tpu.yield
        }) : () -> ()
      } else {
      }
    } else {
    }
    %dma_wait3A = arith.constant 0 : i32
    %dma_wait3A_16 = tpu.memref_slice %arg3[%dma_wait3A, %multiple_of3A] : memref<2x320000xi32, #tpu.memory_space<hbm>> -> memref<2x5120xi32, #tpu.memory_space<hbm>>
    %dma_wait3A_17 = arith.constant 0 : i32
    %dma_wait3A_18 = tpu.memref_slice %arg3[%dma_wait3A_17, %multiple_of3A] : memref<2x320000xi32, #tpu.memory_space<hbm>> -> memref<2x5120xi32, #tpu.memory_space<hbm>>
    tpu.wait_dma2 semaphore(%arg13 : memref<!tpu.dma_semaphore, #tpu.memory_space<semaphore_mem>>) src(%dma_wait3A_18 : memref<2x5120xi32, #tpu.memory_space<hbm>>) dst(%arg5 : memref<2x5120xi32, #tpu.memory_space<vmem>>)
    %barrier3A = arith.constant 0 : index
    tpu.barrier barrier_id(%barrier3A)
    %multiple_of3A_19 = arith.constant 0 : i32
    %multiple_of3A_20 = tpu.assume_multiple %multiple_of3A_19, 128 : i32
    %dma_start3A_21 = arith.constant 0 : i32
    %dma_start3A_22 = tpu.memref_slice %arg5[%dma_start3A_21, %multiple_of3A_20] : memref<2x5120xi32, #tpu.memory_space<vmem>> -> memref<1x128xi32, #tpu.memory_space<vmem>>
    %dma_start3A_23 = tpu.memref_squeeze %dma_start3A_22 : memref<1x128xi32, #tpu.memory_space<vmem>> -> memref<128xi32, #tpu.memory_space<vmem>>
    %dma_start3A_24 = arith.constant 0 : i32
    %dma_start3A_25 = arith.constant 0 : i32
    %dma_start3A_26 = tpu.memref_slice %arg2[%dma_start3A_24, %dma_start3A_25] : memref<10000x128xf32, #tpu.memory_space<hbm>> -> memref<10000x128xf32, #tpu.memory_space<hbm>>
    tpu.enqueue_indirect_dma source(%dma_start3A_26 : memref<10000x128xf32, #tpu.memory_space<hbm>>) target(%arg6 : memref<128x128xf32, #tpu.memory_space<vmem>>) offsets(%dma_start3A_23 : memref<128xi32, #tpu.memory_space<vmem>>) semaphore(%arg11 : memref<!tpu.dma_semaphore, #tpu.memory_space<semaphore_mem>>)
    %scan3A = arith.constant 0 : i32
    %scan3A_27 = arith.constant 19 : i32
    %scan3A_28 = arith.addi %scan3A, %scan3A_27 : i32
    %scan3A_29 = arith.constant 1 : i32
    scf.for %scan3A_115 = %scan3A to %scan3A_28 step %scan3A_29  : i32 {
      %mul3A_116 = arith.constant 2 : i32
      %mul3A_117 = arith.muli %scan3A_115, %mul3A_116 : i32
      %add3A_118 = arith.constant 0 : i32
      %add3A_119 = arith.addi %add3A_118, %mul3A_117 : i32
      %add3A_120 = arith.constant 1 : i32
      %add3A_121 = arith.addi %add3A_119, %add3A_120 : i32
      %mul3A_122 = arith.constant 128 : i32
      %mul3A_123 = arith.muli %add3A_121, %mul3A_122 : i32
      %multiple_of3A_124 = tpu.assume_multiple %mul3A_123, 128 : i32
      %dma_start3A_125 = arith.constant 0 : i32
      %dma_start3A_126 = tpu.memref_slice %arg5[%dma_start3A_125, %multiple_of3A_124] : memref<2x5120xi32, #tpu.memory_space<vmem>> -> memref<1x128xi32, #tpu.memory_space<vmem>>
      %dma_start3A_127 = tpu.memref_squeeze %dma_start3A_126 : memref<1x128xi32, #tpu.memory_space<vmem>> -> memref<128xi32, #tpu.memory_space<vmem>>
      %dma_start3A_128 = arith.constant 0 : i32
      %dma_start3A_129 = arith.constant 0 : i32
      %dma_start3A_130 = tpu.memref_slice %arg2[%dma_start3A_128, %dma_start3A_129] : memref<10000x128xf32, #tpu.memory_space<hbm>> -> memref<10000x128xf32, #tpu.memory_space<hbm>>
      tpu.enqueue_indirect_dma source(%dma_start3A_130 : memref<10000x128xf32, #tpu.memory_space<hbm>>) target(%arg7 : memref<128x128xf32, #tpu.memory_space<vmem>>) offsets(%dma_start3A_127 : memref<128xi32, #tpu.memory_space<vmem>>) semaphore(%arg12 : memref<!tpu.dma_semaphore, #tpu.memory_space<semaphore_mem>>)
      %mul3A_131 = arith.constant 128 : i32
      %mul3A_132 = arith.muli %add3A_119, %mul3A_131 : i32
      %multiple_of3A_133 = tpu.assume_multiple %mul3A_132, 128 : i32
      %dma_wait3A_134 = arith.constant 0 : i32
      %dma_wait3A_135 = tpu.memref_slice %arg5[%dma_wait3A_134, %multiple_of3A_133] : memref<2x5120xi32, #tpu.memory_space<vmem>> -> memref<1x128xi32, #tpu.memory_space<vmem>>
      %dma_wait3A_136 = tpu.memref_squeeze %dma_wait3A_135 : memref<1x128xi32, #tpu.memory_space<vmem>> -> memref<128xi32, #tpu.memory_space<vmem>>
      %dma_wait3A_137 = arith.constant 0 : i32
      %dma_wait3A_138 = arith.constant 0 : i32
      %dma_wait3A_139 = tpu.memref_slice %arg2[%dma_wait3A_137, %dma_wait3A_138] : memref<10000x128xf32, #tpu.memory_space<hbm>> -> memref<10000x128xf32, #tpu.memory_space<hbm>>
      tpu.wait_indirect_dma semaphore(%arg11 : memref<!tpu.dma_semaphore, #tpu.memory_space<semaphore_mem>>) src(%dma_wait3A_139 : memref<10000x128xf32, #tpu.memory_space<hbm>>) dst(%arg6 : memref<128x128xf32, #tpu.memory_space<vmem>>)
      %mul3A_140 = arith.constant 128 : i32
      %mul3A_141 = arith.muli %add3A_119, %mul3A_140 : i32
      %multiple_of3A_142 = tpu.assume_multiple %mul3A_141, 128 : i32
      %run_scoped3A_143 = arith.constant 1 : i32
      "tpu.region"() ({
        %run_scoped3A_172 = tpu.sem_alloc : memref<!tpu.dma_semaphore, #tpu.memory_space<semaphore_mem>>
        %dma_start3A_173 = tpu.memref_slice %arg5[%run_scoped3A_143, %multiple_of3A_142] : memref<2x5120xi32, #tpu.memory_space<vmem>> -> memref<1x128xi32, #tpu.memory_space<vmem>>
        %dma_start3A_174 = tpu.memref_squeeze %dma_start3A_173 : memref<1x128xi32, #tpu.memory_space<vmem>> -> memref<128xi32, #tpu.memory_space<vmem>>
        %dma_start3A_175 = arith.constant 0 : i32
        %dma_start3A_176 = arith.constant 0 : i32
        %dma_start3A_177 = tpu.memref_slice %arg10[%dma_start3A_175, %dma_start3A_176] : memref<10000x128xf32, #tpu.memory_space<vmem_shared>> -> memref<10000x128xf32, #tpu.memory_space<vmem_shared>>
        tpu.enqueue_indirect_dma source(%arg6 : memref<128x128xf32, #tpu.memory_space<vmem>>) target(%dma_start3A_177 : memref<10000x128xf32, #tpu.memory_space<vmem_shared>>) offsets(%dma_start3A_174 : memref<128xi32, #tpu.memory_space<vmem>>) semaphore(%run_scoped3A_172 : memref<!tpu.dma_semaphore, #tpu.memory_space<semaphore_mem>>) {add = true}
        %dma_wait3A_178 = tpu.memref_slice %arg5[%run_scoped3A_143, %multiple_of3A_142] : memref<2x5120xi32, #tpu.memory_space<vmem>> -> memref<1x128xi32, #tpu.memory_space<vmem>>
        %dma_wait3A_179 = tpu.memref_squeeze %dma_wait3A_178 : memref<1x128xi32, #tpu.memory_space<vmem>> -> memref<128xi32, #tpu.memory_space<vmem>>
        %dma_wait3A_180 = arith.constant 0 : i32
        %dma_wait3A_181 = arith.constant 0 : i32
        %dma_wait3A_182 = tpu.memref_slice %arg10[%dma_wait3A_180, %dma_wait3A_181] : memref<10000x128xf32, #tpu.memory_space<vmem_shared>> -> memref<10000x128xf32, #tpu.memory_space<vmem_shared>>
        tpu.wait_indirect_dma semaphore(%run_scoped3A_172 : memref<!tpu.dma_semaphore, #tpu.memory_space<semaphore_mem>>) src(%arg6 : memref<128x128xf32, #tpu.memory_space<vmem>>) dst(%dma_wait3A_182 : memref<10000x128xf32, #tpu.memory_space<vmem_shared>>)
        tpu.yield
      }) : () -> ()
      %add3A_144 = arith.constant 2 : i32
      %add3A_145 = arith.addi %add3A_119, %add3A_144 : i32
      %mul3A_146 = arith.constant 128 : i32
      %mul3A_147 = arith.muli %add3A_145, %mul3A_146 : i32
      %multiple_of3A_148 = tpu.assume_multiple %mul3A_147, 128 : i32
      %dma_start3A_149 = arith.constant 0 : i32
      %dma_start3A_150 = tpu.memref_slice %arg5[%dma_start3A_149, %multiple_of3A_148] : memref<2x5120xi32, #tpu.memory_space<vmem>> -> memref<1x128xi32, #tpu.memory_space<vmem>>
      %dma_start3A_151 = tpu.memref_squeeze %dma_start3A_150 : memref<1x128xi32, #tpu.memory_space<vmem>> -> memref<128xi32, #tpu.memory_space<vmem>>
      %dma_start3A_152 = arith.constant 0 : i32
      %dma_start3A_153 = arith.constant 0 : i32
      %dma_start3A_154 = tpu.memref_slice %arg2[%dma_start3A_152, %dma_start3A_153] : memref<10000x128xf32, #tpu.memory_space<hbm>> -> memref<10000x128xf32, #tpu.memory_space<hbm>>
      tpu.enqueue_indirect_dma source(%dma_start3A_154 : memref<10000x128xf32, #tpu.memory_space<hbm>>) target(%arg6 : memref<128x128xf32, #tpu.memory_space<vmem>>) offsets(%dma_start3A_151 : memref<128xi32, #tpu.memory_space<vmem>>) semaphore(%arg11 : memref<!tpu.dma_semaphore, #tpu.memory_space<semaphore_mem>>)
      %add3A_155 = arith.constant 1 : i32
      %add3A_156 = arith.addi %add3A_119, %add3A_155 : i32
      %mul3A_157 = arith.constant 128 : i32
      %mul3A_158 = arith.muli %add3A_156, %mul3A_157 : i32
      %multiple_of3A_159 = tpu.assume_multiple %mul3A_158, 128 : i32
      %dma_wait3A_160 = arith.constant 0 : i32
      %dma_wait3A_161 = tpu.memref_slice %arg5[%dma_wait3A_160, %multiple_of3A_159] : memref<2x5120xi32, #tpu.memory_space<vmem>> -> memref<1x128xi32, #tpu.memory_space<vmem>>
      %dma_wait3A_162 = tpu.memref_squeeze %dma_wait3A_161 : memref<1x128xi32, #tpu.memory_space<vmem>> -> memref<128xi32, #tpu.memory_space<vmem>>
      %dma_wait3A_163 = arith.constant 0 : i32
      %dma_wait3A_164 = arith.constant 0 : i32
      %dma_wait3A_165 = tpu.memref_slice %arg2[%dma_wait3A_163, %dma_wait3A_164] : memref<10000x128xf32, #tpu.memory_space<hbm>> -> memref<10000x128xf32, #tpu.memory_space<hbm>>
      tpu.wait_indirect_dma semaphore(%arg12 : memref<!tpu.dma_semaphore, #tpu.memory_space<semaphore_mem>>) src(%dma_wait3A_165 : memref<10000x128xf32, #tpu.memory_space<hbm>>) dst(%arg7 : memref<128x128xf32, #tpu.memory_space<vmem>>)
      %add3A_166 = arith.constant 1 : i32
      %add3A_167 = arith.addi %add3A_119, %add3A_166 : i32
      %mul3A_168 = arith.constant 128 : i32
      %mul3A_169 = arith.muli %add3A_167, %mul3A_168 : i32
      %multiple_of3A_170 = tpu.assume_multiple %mul3A_169, 128 : i32
      %run_scoped3A_171 = arith.constant 1 : i32
      "tpu.region"() ({
        %run_scoped3A_172 = tpu.sem_alloc : memref<!tpu.dma_semaphore, #tpu.memory_space<semaphore_mem>>
        %dma_start3A_173 = tpu.memref_slice %arg5[%run_scoped3A_171, %multiple_of3A_170] : memref<2x5120xi32, #tpu.memory_space<vmem>> -> memref<1x128xi32, #tpu.memory_space<vmem>>
        %dma_start3A_174 = tpu.memref_squeeze %dma_start3A_173 : memref<1x128xi32, #tpu.memory_space<vmem>> -> memref<128xi32, #tpu.memory_space<vmem>>
        %dma_start3A_175 = arith.constant 0 : i32
        %dma_start3A_176 = arith.constant 0 : i32
        %dma_start3A_177 = tpu.memref_slice %arg10[%dma_start3A_175, %dma_start3A_176] : memref<10000x128xf32, #tpu.memory_space<vmem_shared>> -> memref<10000x128xf32, #tpu.memory_space<vmem_shared>>
        tpu.enqueue_indirect_dma source(%arg7 : memref<128x128xf32, #tpu.memory_space<vmem>>) target(%dma_start3A_177 : memref<10000x128xf32, #tpu.memory_space<vmem_shared>>) offsets(%dma_start3A_174 : memref<128xi32, #tpu.memory_space<vmem>>) semaphore(%run_scoped3A_172 : memref<!tpu.dma_semaphore, #tpu.memory_space<semaphore_mem>>) {add = true}
        %dma_wait3A_178 = tpu.memref_slice %arg5[%run_scoped3A_171, %multiple_of3A_170] : memref<2x5120xi32, #tpu.memory_space<vmem>> -> memref<1x128xi32, #tpu.memory_space<vmem>>
        %dma_wait3A_179 = tpu.memref_squeeze %dma_wait3A_178 : memref<1x128xi32, #tpu.memory_space<vmem>> -> memref<128xi32, #tpu.memory_space<vmem>>
        %dma_wait3A_180 = arith.constant 0 : i32
        %dma_wait3A_181 = arith.constant 0 : i32
        %dma_wait3A_182 = tpu.memref_slice %arg10[%dma_wait3A_180, %dma_wait3A_181] : memref<10000x128xf32, #tpu.memory_space<vmem_shared>> -> memref<10000x128xf32, #tpu.memory_space<vmem_shared>>
        tpu.wait_indirect_dma semaphore(%run_scoped3A_172 : memref<!tpu.dma_semaphore, #tpu.memory_space<semaphore_mem>>) src(%arg7 : memref<128x128xf32, #tpu.memory_space<vmem>>) dst(%dma_wait3A_182 : memref<10000x128xf32, #tpu.memory_space<vmem_shared>>)
        tpu.yield
      }) : () -> ()
    }
    %scan3A_30 = arith.constant 19 : i32
    %multiple_of3A_31 = arith.constant 4992 : i32
    %multiple_of3A_32 = tpu.assume_multiple %multiple_of3A_31, 128 : i32
    %dma_start3A_33 = arith.constant 0 : i32
    %dma_start3A_34 = tpu.memref_slice %arg5[%dma_start3A_33, %multiple_of3A_32] : memref<2x5120xi32, #tpu.memory_space<vmem>> -> memref<1x128xi32, #tpu.memory_space<vmem>>
    %dma_start3A_35 = tpu.memref_squeeze %dma_start3A_34 : memref<1x128xi32, #tpu.memory_space<vmem>> -> memref<128xi32, #tpu.memory_space<vmem>>
    %dma_start3A_36 = arith.constant 0 : i32
    %dma_start3A_37 = arith.constant 0 : i32
    %dma_start3A_38 = tpu.memref_slice %arg2[%dma_start3A_36, %dma_start3A_37] : memref<10000x128xf32, #tpu.memory_space<hbm>> -> memref<10000x128xf32, #tpu.memory_space<hbm>>
    tpu.enqueue_indirect_dma source(%dma_start3A_38 : memref<10000x128xf32, #tpu.memory_space<hbm>>) target(%arg7 : memref<128x128xf32, #tpu.memory_space<vmem>>) offsets(%dma_start3A_35 : memref<128xi32, #tpu.memory_space<vmem>>) semaphore(%arg12 : memref<!tpu.dma_semaphore, #tpu.memory_space<semaphore_mem>>)
    %multiple_of3A_39 = arith.constant 4864 : i32
    %multiple_of3A_40 = tpu.assume_multiple %multiple_of3A_39, 128 : i32
    %dma_wait3A_41 = arith.constant 0 : i32
    %dma_wait3A_42 = tpu.memref_slice %arg5[%dma_wait3A_41, %multiple_of3A_40] : memref<2x5120xi32, #tpu.memory_space<vmem>> -> memref<1x128xi32, #tpu.memory_space<vmem>>
    %dma_wait3A_43 = tpu.memref_squeeze %dma_wait3A_42 : memref<1x128xi32, #tpu.memory_space<vmem>> -> memref<128xi32, #tpu.memory_space<vmem>>
    %dma_wait3A_44 = arith.constant 0 : i32
    %dma_wait3A_45 = arith.constant 0 : i32
    %dma_wait3A_46 = tpu.memref_slice %arg2[%dma_wait3A_44, %dma_wait3A_45] : memref<10000x128xf32, #tpu.memory_space<hbm>> -> memref<10000x128xf32, #tpu.memory_space<hbm>>
    tpu.wait_indirect_dma semaphore(%arg11 : memref<!tpu.dma_semaphore, #tpu.memory_space<semaphore_mem>>) src(%dma_wait3A_46 : memref<10000x128xf32, #tpu.memory_space<hbm>>) dst(%arg6 : memref<128x128xf32, #tpu.memory_space<vmem>>)
    %multiple_of3A_47 = arith.constant 4864 : i32
    %multiple_of3A_48 = tpu.assume_multiple %multiple_of3A_47, 128 : i32
    %run_scoped3A = arith.constant 1 : i32
    "tpu.region"() ({
      %run_scoped3A_115 = tpu.sem_alloc : memref<!tpu.dma_semaphore, #tpu.memory_space<semaphore_mem>>
      %dma_start3A_116 = tpu.memref_slice %arg5[%run_scoped3A, %multiple_of3A_48] : memref<2x5120xi32, #tpu.memory_space<vmem>> -> memref<1x128xi32, #tpu.memory_space<vmem>>
      %dma_start3A_117 = tpu.memref_squeeze %dma_start3A_116 : memref<1x128xi32, #tpu.memory_space<vmem>> -> memref<128xi32, #tpu.memory_space<vmem>>
      %dma_start3A_118 = arith.constant 0 : i32
      %dma_start3A_119 = arith.constant 0 : i32
      %dma_start3A_120 = tpu.memref_slice %arg10[%dma_start3A_118, %dma_start3A_119] : memref<10000x128xf32, #tpu.memory_space<vmem_shared>> -> memref<10000x128xf32, #tpu.memory_space<vmem_shared>>
      tpu.enqueue_indirect_dma source(%arg6 : memref<128x128xf32, #tpu.memory_space<vmem>>) target(%dma_start3A_120 : memref<10000x128xf32, #tpu.memory_space<vmem_shared>>) offsets(%dma_start3A_117 : memref<128xi32, #tpu.memory_space<vmem>>) semaphore(%run_scoped3A_115 : memref<!tpu.dma_semaphore, #tpu.memory_space<semaphore_mem>>) {add = true}
      %dma_wait3A_121 = tpu.memref_slice %arg5[%run_scoped3A, %multiple_of3A_48] : memref<2x5120xi32, #tpu.memory_space<vmem>> -> memref<1x128xi32, #tpu.memory_space<vmem>>
      %dma_wait3A_122 = tpu.memref_squeeze %dma_wait3A_121 : memref<1x128xi32, #tpu.memory_space<vmem>> -> memref<128xi32, #tpu.memory_space<vmem>>
      %dma_wait3A_123 = arith.constant 0 : i32
      %dma_wait3A_124 = arith.constant 0 : i32
      %dma_wait3A_125 = tpu.memref_slice %arg10[%dma_wait3A_123, %dma_wait3A_124] : memref<10000x128xf32, #tpu.memory_space<vmem_shared>> -> memref<10000x128xf32, #tpu.memory_space<vmem_shared>>
      tpu.wait_indirect_dma semaphore(%run_scoped3A_115 : memref<!tpu.dma_semaphore, #tpu.memory_space<semaphore_mem>>) src(%arg6 : memref<128x128xf32, #tpu.memory_space<vmem>>) dst(%dma_wait3A_125 : memref<10000x128xf32, #tpu.memory_space<vmem_shared>>)
      tpu.yield
    }) : () -> ()
    %multiple_of3A_49 = arith.constant 4992 : i32
    %multiple_of3A_50 = tpu.assume_multiple %multiple_of3A_49, 128 : i32
    %dma_wait3A_51 = arith.constant 0 : i32
    %dma_wait3A_52 = tpu.memref_slice %arg5[%dma_wait3A_51, %multiple_of3A_50] : memref<2x5120xi32, #tpu.memory_space<vmem>> -> memref<1x128xi32, #tpu.memory_space<vmem>>
    %dma_wait3A_53 = tpu.memref_squeeze %dma_wait3A_52 : memref<1x128xi32, #tpu.memory_space<vmem>> -> memref<128xi32, #tpu.memory_space<vmem>>
    %dma_wait3A_54 = arith.constant 0 : i32
    %dma_wait3A_55 = arith.constant 0 : i32
    %dma_wait3A_56 = tpu.memref_slice %arg2[%dma_wait3A_54, %dma_wait3A_55] : memref<10000x128xf32, #tpu.memory_space<hbm>> -> memref<10000x128xf32, #tpu.memory_space<hbm>>
    tpu.wait_indirect_dma semaphore(%arg12 : memref<!tpu.dma_semaphore, #tpu.memory_space<semaphore_mem>>) src(%dma_wait3A_56 : memref<10000x128xf32, #tpu.memory_space<hbm>>) dst(%arg7 : memref<128x128xf32, #tpu.memory_space<vmem>>)
    %multiple_of3A_57 = arith.constant 4992 : i32
    %multiple_of3A_58 = tpu.assume_multiple %multiple_of3A_57, 128 : i32
    %run_scoped3A_59 = arith.constant 1 : i32
    "tpu.region"() ({
      %run_scoped3A_115 = tpu.sem_alloc : memref<!tpu.dma_semaphore, #tpu.memory_space<semaphore_mem>>
      %dma_start3A_116 = tpu.memref_slice %arg5[%run_scoped3A_59, %multiple_of3A_58] : memref<2x5120xi32, #tpu.memory_space<vmem>> -> memref<1x128xi32, #tpu.memory_space<vmem>>
      %dma_start3A_117 = tpu.memref_squeeze %dma_start3A_116 : memref<1x128xi32, #tpu.memory_space<vmem>> -> memref<128xi32, #tpu.memory_space<vmem>>
      %dma_start3A_118 = arith.constant 0 : i32
      %dma_start3A_119 = arith.constant 0 : i32
      %dma_start3A_120 = tpu.memref_slice %arg10[%dma_start3A_118, %dma_start3A_119] : memref<10000x128xf32, #tpu.memory_space<vmem_shared>> -> memref<10000x128xf32, #tpu.memory_space<vmem_shared>>
      tpu.enqueue_indirect_dma source(%arg7 : memref<128x128xf32, #tpu.memory_space<vmem>>) target(%dma_start3A_120 : memref<10000x128xf32, #tpu.memory_space<vmem_shared>>) offsets(%dma_start3A_117 : memref<128xi32, #tpu.memory_space<vmem>>) semaphore(%run_scoped3A_115 : memref<!tpu.dma_semaphore, #tpu.memory_space<semaphore_mem>>) {add = true}
      %dma_wait3A_121 = tpu.memref_slice %arg5[%run_scoped3A_59, %multiple_of3A_58] : memref<2x5120xi32, #tpu.memory_space<vmem>> -> memref<1x128xi32, #tpu.memory_space<vmem>>
      %dma_wait3A_122 = tpu.memref_squeeze %dma_wait3A_121 : memref<1x128xi32, #tpu.memory_space<vmem>> -> memref<128xi32, #tpu.memory_space<vmem>>
      %dma_wait3A_123 = arith.constant 0 : i32
      %dma_wait3A_124 = arith.constant 0 : i32
      %dma_wait3A_125 = tpu.memref_slice %arg10[%dma_wait3A_123, %dma_wait3A_124] : memref<10000x128xf32, #tpu.memory_space<vmem_shared>> -> memref<10000x128xf32, #tpu.memory_space<vmem_shared>>
      tpu.wait_indirect_dma semaphore(%run_scoped3A_115 : memref<!tpu.dma_semaphore, #tpu.memory_space<semaphore_mem>>) src(%arg7 : memref<128x128xf32, #tpu.memory_space<vmem>>) dst(%dma_wait3A_125 : memref<10000x128xf32, #tpu.memory_space<vmem_shared>>)
      tpu.yield
    }) : () -> ()
    %add3A_60 = arith.constant 5120 : i32
    %add3A_61 = arith.addi %multiple_of3A, %add3A_60 : i32
    "tpu.region"() ({
      %run_scoped3A_115 = tpu.sem_alloc : memref<!tpu.dma_semaphore, #tpu.memory_space<semaphore_mem>>
      %dma_start3A_116 = arith.constant 0 : i32
      %dma_start3A_117 = arith.constant 0 : i32
      %dma_start3A_118 = tpu.memref_slice %arg5[%dma_start3A_116, %dma_start3A_117] : memref<2x5120xi32, #tpu.memory_space<vmem>> -> memref<2x4864xi32, #tpu.memory_space<vmem>>
      %dma_start3A_119 = arith.constant 0 : i32
      %dma_start3A_120 = tpu.memref_slice %arg3[%dma_start3A_119, %add3A_61] : memref<2x320000xi32, #tpu.memory_space<hbm>> -> memref<2x4864xi32, #tpu.memory_space<hbm>>
      %dma_start3A_121 = arith.constant 0 : i32
      %dma_start3A_122 = arith.constant 0 : i32
      %dma_start3A_123 = tpu.memref_slice %arg5[%dma_start3A_121, %dma_start3A_122] : memref<2x5120xi32, #tpu.memory_space<vmem>> -> memref<2x4864xi32, #tpu.memory_space<vmem>>
      %dma_start3A_124 = arith.constant 0 : i32
      %dma_start3A_125 = tpu.memref_slice %arg3[%dma_start3A_124, %add3A_61] : memref<2x320000xi32, #tpu.memory_space<hbm>> -> memref<2x4864xi32, #tpu.memory_space<hbm>>
      tpu.enqueue_dma source(%dma_start3A_125 : memref<2x4864xi32, #tpu.memory_space<hbm>>) target(%dma_start3A_123 : memref<2x4864xi32, #tpu.memory_space<vmem>>) target_semaphore(%run_scoped3A_115 : memref<!tpu.dma_semaphore, #tpu.memory_space<semaphore_mem>>)
      %dma_wait3A_126 = arith.constant 0 : i32
      %dma_wait3A_127 = arith.constant 0 : i32
      %dma_wait3A_128 = tpu.memref_slice %arg5[%dma_wait3A_126, %dma_wait3A_127] : memref<2x5120xi32, #tpu.memory_space<vmem>> -> memref<2x4864xi32, #tpu.memory_space<vmem>>
      %dma_wait3A_129 = arith.constant 0 : i32
      %dma_wait3A_130 = tpu.memref_slice %arg3[%dma_wait3A_129, %add3A_61] : memref<2x320000xi32, #tpu.memory_space<hbm>> -> memref<2x4864xi32, #tpu.memory_space<hbm>>
      %dma_wait3A_131 = arith.constant 0 : i32
      %dma_wait3A_132 = arith.constant 0 : i32
      %dma_wait3A_133 = tpu.memref_slice %arg5[%dma_wait3A_131, %dma_wait3A_132] : memref<2x5120xi32, #tpu.memory_space<vmem>> -> memref<2x4864xi32, #tpu.memory_space<vmem>>
      %dma_wait3A_134 = arith.constant 0 : i32
      %dma_wait3A_135 = tpu.memref_slice %arg3[%dma_wait3A_134, %add3A_61] : memref<2x320000xi32, #tpu.memory_space<hbm>> -> memref<2x4864xi32, #tpu.memory_space<hbm>>
      tpu.wait_dma2 semaphore(%run_scoped3A_115 : memref<!tpu.dma_semaphore, #tpu.memory_space<semaphore_mem>>) src(%dma_wait3A_135 : memref<2x4864xi32, #tpu.memory_space<hbm>>) dst(%dma_wait3A_133 : memref<2x4864xi32, #tpu.memory_space<vmem>>)
      tpu.yield
    }) : () -> ()
    %multiple_of3A_62 = arith.constant 0 : i32
    %multiple_of3A_63 = tpu.assume_multiple %multiple_of3A_62, 128 : i32
    %dma_start3A_64 = arith.constant 0 : i32
    %dma_start3A_65 = tpu.memref_slice %arg5[%dma_start3A_64, %multiple_of3A_63] : memref<2x5120xi32, #tpu.memory_space<vmem>> -> memref<1x128xi32, #tpu.memory_space<vmem>>
    %dma_start3A_66 = tpu.memref_squeeze %dma_start3A_65 : memref<1x128xi32, #tpu.memory_space<vmem>> -> memref<128xi32, #tpu.memory_space<vmem>>
    %dma_start3A_67 = arith.constant 0 : i32
    %dma_start3A_68 = arith.constant 0 : i32
    %dma_start3A_69 = tpu.memref_slice %arg2[%dma_start3A_67, %dma_start3A_68] : memref<10000x128xf32, #tpu.memory_space<hbm>> -> memref<10000x128xf32, #tpu.memory_space<hbm>>
    tpu.enqueue_indirect_dma source(%dma_start3A_69 : memref<10000x128xf32, #tpu.memory_space<hbm>>) target(%arg6 : memref<128x128xf32, #tpu.memory_space<vmem>>) offsets(%dma_start3A_66 : memref<128xi32, #tpu.memory_space<vmem>>) semaphore(%arg11 : memref<!tpu.dma_semaphore, #tpu.memory_space<semaphore_mem>>)
    %scan3A_70 = arith.constant 0 : i32
    %scan3A_71 = arith.constant 18 : i32
    %scan3A_72 = arith.addi %scan3A_70, %scan3A_71 : i32
    %scan3A_73 = arith.constant 1 : i32
    scf.for %scan3A_115 = %scan3A_70 to %scan3A_72 step %scan3A_73  : i32 {
      %mul3A_116 = arith.constant 2 : i32
      %mul3A_117 = arith.muli %scan3A_115, %mul3A_116 : i32
      %add3A_118 = arith.constant 0 : i32
      %add3A_119 = arith.addi %add3A_118, %mul3A_117 : i32
      %add3A_120 = arith.constant 1 : i32
      %add3A_121 = arith.addi %add3A_119, %add3A_120 : i32
      %mul3A_122 = arith.constant 128 : i32
      %mul3A_123 = arith.muli %add3A_121, %mul3A_122 : i32
      %multiple_of3A_124 = tpu.assume_multiple %mul3A_123, 128 : i32
      %dma_start3A_125 = arith.constant 0 : i32
      %dma_start3A_126 = tpu.memref_slice %arg5[%dma_start3A_125, %multiple_of3A_124] : memref<2x5120xi32, #tpu.memory_space<vmem>> -> memref<1x128xi32, #tpu.memory_space<vmem>>
      %dma_start3A_127 = tpu.memref_squeeze %dma_start3A_126 : memref<1x128xi32, #tpu.memory_space<vmem>> -> memref<128xi32, #tpu.memory_space<vmem>>
      %dma_start3A_128 = arith.constant 0 : i32
      %dma_start3A_129 = arith.constant 0 : i32
      %dma_start3A_130 = tpu.memref_slice %arg2[%dma_start3A_128, %dma_start3A_129] : memref<10000x128xf32, #tpu.memory_space<hbm>> -> memref<10000x128xf32, #tpu.memory_space<hbm>>
      tpu.enqueue_indirect_dma source(%dma_start3A_130 : memref<10000x128xf32, #tpu.memory_space<hbm>>) target(%arg7 : memref<128x128xf32, #tpu.memory_space<vmem>>) offsets(%dma_start3A_127 : memref<128xi32, #tpu.memory_space<vmem>>) semaphore(%arg12 : memref<!tpu.dma_semaphore, #tpu.memory_space<semaphore_mem>>)
      %mul3A_131 = arith.constant 128 : i32
      %mul3A_132 = arith.muli %add3A_119, %mul3A_131 : i32
      %multiple_of3A_133 = tpu.assume_multiple %mul3A_132, 128 : i32
      %dma_wait3A_134 = arith.constant 0 : i32
      %dma_wait3A_135 = tpu.memref_slice %arg5[%dma_wait3A_134, %multiple_of3A_133] : memref<2x5120xi32, #tpu.memory_space<vmem>> -> memref<1x128xi32, #tpu.memory_space<vmem>>
      %dma_wait3A_136 = tpu.memref_squeeze %dma_wait3A_135 : memref<1x128xi32, #tpu.memory_space<vmem>> -> memref<128xi32, #tpu.memory_space<vmem>>
      %dma_wait3A_137 = arith.constant 0 : i32
      %dma_wait3A_138 = arith.constant 0 : i32
      %dma_wait3A_139 = tpu.memref_slice %arg2[%dma_wait3A_137, %dma_wait3A_138] : memref<10000x128xf32, #tpu.memory_space<hbm>> -> memref<10000x128xf32, #tpu.memory_space<hbm>>
      tpu.wait_indirect_dma semaphore(%arg11 : memref<!tpu.dma_semaphore, #tpu.memory_space<semaphore_mem>>) src(%dma_wait3A_139 : memref<10000x128xf32, #tpu.memory_space<hbm>>) dst(%arg6 : memref<128x128xf32, #tpu.memory_space<vmem>>)
      %mul3A_140 = arith.constant 128 : i32
      %mul3A_141 = arith.muli %add3A_119, %mul3A_140 : i32
      %multiple_of3A_142 = tpu.assume_multiple %mul3A_141, 128 : i32
      %run_scoped3A_143 = arith.constant 1 : i32
      "tpu.region"() ({
        %run_scoped3A_172 = tpu.sem_alloc : memref<!tpu.dma_semaphore, #tpu.memory_space<semaphore_mem>>
        %dma_start3A_173 = tpu.memref_slice %arg5[%run_scoped3A_143, %multiple_of3A_142] : memref<2x5120xi32, #tpu.memory_space<vmem>> -> memref<1x128xi32, #tpu.memory_space<vmem>>
        %dma_start3A_174 = tpu.memref_squeeze %dma_start3A_173 : memref<1x128xi32, #tpu.memory_space<vmem>> -> memref<128xi32, #tpu.memory_space<vmem>>
        %dma_start3A_175 = arith.constant 0 : i32
        %dma_start3A_176 = arith.constant 0 : i32
        %dma_start3A_177 = tpu.memref_slice %arg10[%dma_start3A_175, %dma_start3A_176] : memref<10000x128xf32, #tpu.memory_space<vmem_shared>> -> memref<10000x128xf32, #tpu.memory_space<vmem_shared>>
        tpu.enqueue_indirect_dma source(%arg6 : memref<128x128xf32, #tpu.memory_space<vmem>>) target(%dma_start3A_177 : memref<10000x128xf32, #tpu.memory_space<vmem_shared>>) offsets(%dma_start3A_174 : memref<128xi32, #tpu.memory_space<vmem>>) semaphore(%run_scoped3A_172 : memref<!tpu.dma_semaphore, #tpu.memory_space<semaphore_mem>>) {add = true}
        %dma_wait3A_178 = tpu.memref_slice %arg5[%run_scoped3A_143, %multiple_of3A_142] : memref<2x5120xi32, #tpu.memory_space<vmem>> -> memref<1x128xi32, #tpu.memory_space<vmem>>
        %dma_wait3A_179 = tpu.memref_squeeze %dma_wait3A_178 : memref<1x128xi32, #tpu.memory_space<vmem>> -> memref<128xi32, #tpu.memory_space<vmem>>
        %dma_wait3A_180 = arith.constant 0 : i32
        %dma_wait3A_181 = arith.constant 0 : i32
        %dma_wait3A_182 = tpu.memref_slice %arg10[%dma_wait3A_180, %dma_wait3A_181] : memref<10000x128xf32, #tpu.memory_space<vmem_shared>> -> memref<10000x128xf32, #tpu.memory_space<vmem_shared>>
        tpu.wait_indirect_dma semaphore(%run_scoped3A_172 : memref<!tpu.dma_semaphore, #tpu.memory_space<semaphore_mem>>) src(%arg6 : memref<128x128xf32, #tpu.memory_space<vmem>>) dst(%dma_wait3A_182 : memref<10000x128xf32, #tpu.memory_space<vmem_shared>>)
        tpu.yield
      }) : () -> ()
      %add3A_144 = arith.constant 2 : i32
      %add3A_145 = arith.addi %add3A_119, %add3A_144 : i32
      %mul3A_146 = arith.constant 128 : i32
      %mul3A_147 = arith.muli %add3A_145, %mul3A_146 : i32
      %multiple_of3A_148 = tpu.assume_multiple %mul3A_147, 128 : i32
      %dma_start3A_149 = arith.constant 0 : i32
      %dma_start3A_150 = tpu.memref_slice %arg5[%dma_start3A_149, %multiple_of3A_148] : memref<2x5120xi32, #tpu.memory_space<vmem>> -> memref<1x128xi32, #tpu.memory_space<vmem>>
      %dma_start3A_151 = tpu.memref_squeeze %dma_start3A_150 : memref<1x128xi32, #tpu.memory_space<vmem>> -> memref<128xi32, #tpu.memory_space<vmem>>
      %dma_start3A_152 = arith.constant 0 : i32
      %dma_start3A_153 = arith.constant 0 : i32
      %dma_start3A_154 = tpu.memref_slice %arg2[%dma_start3A_152, %dma_start3A_153] : memref<10000x128xf32, #tpu.memory_space<hbm>> -> memref<10000x128xf32, #tpu.memory_space<hbm>>
      tpu.enqueue_indirect_dma source(%dma_start3A_154 : memref<10000x128xf32, #tpu.memory_space<hbm>>) target(%arg6 : memref<128x128xf32, #tpu.memory_space<vmem>>) offsets(%dma_start3A_151 : memref<128xi32, #tpu.memory_space<vmem>>) semaphore(%arg11 : memref<!tpu.dma_semaphore, #tpu.memory_space<semaphore_mem>>)
      %add3A_155 = arith.constant 1 : i32
      %add3A_156 = arith.addi %add3A_119, %add3A_155 : i32
      %mul3A_157 = arith.constant 128 : i32
      %mul3A_158 = arith.muli %add3A_156, %mul3A_157 : i32
      %multiple_of3A_159 = tpu.assume_multiple %mul3A_158, 128 : i32
      %dma_wait3A_160 = arith.constant 0 : i32
      %dma_wait3A_161 = tpu.memref_slice %arg5[%dma_wait3A_160, %multiple_of3A_159] : memref<2x5120xi32, #tpu.memory_space<vmem>> -> memref<1x128xi32, #tpu.memory_space<vmem>>
      %dma_wait3A_162 = tpu.memref_squeeze %dma_wait3A_161 : memref<1x128xi32, #tpu.memory_space<vmem>> -> memref<128xi32, #tpu.memory_space<vmem>>
      %dma_wait3A_163 = arith.constant 0 : i32
      %dma_wait3A_164 = arith.constant 0 : i32
      %dma_wait3A_165 = tpu.memref_slice %arg2[%dma_wait3A_163, %dma_wait3A_164] : memref<10000x128xf32, #tpu.memory_space<hbm>> -> memref<10000x128xf32, #tpu.memory_space<hbm>>
      tpu.wait_indirect_dma semaphore(%arg12 : memref<!tpu.dma_semaphore, #tpu.memory_space<semaphore_mem>>) src(%dma_wait3A_165 : memref<10000x128xf32, #tpu.memory_space<hbm>>) dst(%arg7 : memref<128x128xf32, #tpu.memory_space<vmem>>)
      %add3A_166 = arith.constant 1 : i32
      %add3A_167 = arith.addi %add3A_119, %add3A_166 : i32
      %mul3A_168 = arith.constant 128 : i32
      %mul3A_169 = arith.muli %add3A_167, %mul3A_168 : i32
      %multiple_of3A_170 = tpu.assume_multiple %mul3A_169, 128 : i32
      %run_scoped3A_171 = arith.constant 1 : i32
      "tpu.region"() ({
        %run_scoped3A_172 = tpu.sem_alloc : memref<!tpu.dma_semaphore, #tpu.memory_space<semaphore_mem>>
        %dma_start3A_173 = tpu.memref_slice %arg5[%run_scoped3A_171, %multiple_of3A_170] : memref<2x5120xi32, #tpu.memory_space<vmem>> -> memref<1x128xi32, #tpu.memory_space<vmem>>
        %dma_start3A_174 = tpu.memref_squeeze %dma_start3A_173 : memref<1x128xi32, #tpu.memory_space<vmem>> -> memref<128xi32, #tpu.memory_space<vmem>>
        %dma_start3A_175 = arith.constant 0 : i32
        %dma_start3A_176 = arith.constant 0 : i32
        %dma_start3A_177 = tpu.memref_slice %arg10[%dma_start3A_175, %dma_start3A_176] : memref<10000x128xf32, #tpu.memory_space<vmem_shared>> -> memref<10000x128xf32, #tpu.memory_space<vmem_shared>>
        tpu.enqueue_indirect_dma source(%arg7 : memref<128x128xf32, #tpu.memory_space<vmem>>) target(%dma_start3A_177 : memref<10000x128xf32, #tpu.memory_space<vmem_shared>>) offsets(%dma_start3A_174 : memref<128xi32, #tpu.memory_space<vmem>>) semaphore(%run_scoped3A_172 : memref<!tpu.dma_semaphore, #tpu.memory_space<semaphore_mem>>) {add = true}
        %dma_wait3A_178 = tpu.memref_slice %arg5[%run_scoped3A_171, %multiple_of3A_170] : memref<2x5120xi32, #tpu.memory_space<vmem>> -> memref<1x128xi32, #tpu.memory_space<vmem>>
        %dma_wait3A_179 = tpu.memref_squeeze %dma_wait3A_178 : memref<1x128xi32, #tpu.memory_space<vmem>> -> memref<128xi32, #tpu.memory_space<vmem>>
        %dma_wait3A_180 = arith.constant 0 : i32
        %dma_wait3A_181 = arith.constant 0 : i32
        %dma_wait3A_182 = tpu.memref_slice %arg10[%dma_wait3A_180, %dma_wait3A_181] : memref<10000x128xf32, #tpu.memory_space<vmem_shared>> -> memref<10000x128xf32, #tpu.memory_space<vmem_shared>>
        tpu.wait_indirect_dma semaphore(%run_scoped3A_172 : memref<!tpu.dma_semaphore, #tpu.memory_space<semaphore_mem>>) src(%arg7 : memref<128x128xf32, #tpu.memory_space<vmem>>) dst(%dma_wait3A_182 : memref<10000x128xf32, #tpu.memory_space<vmem_shared>>)
        tpu.yield
      }) : () -> ()
    }
    %scan3A_74 = arith.constant 18 : i32
    %multiple_of3A_75 = arith.constant 4736 : i32
    %multiple_of3A_76 = tpu.assume_multiple %multiple_of3A_75, 128 : i32
    %dma_start3A_77 = arith.constant 0 : i32
    %dma_start3A_78 = tpu.memref_slice %arg5[%dma_start3A_77, %multiple_of3A_76] : memref<2x5120xi32, #tpu.memory_space<vmem>> -> memref<1x128xi32, #tpu.memory_space<vmem>>
    %dma_start3A_79 = tpu.memref_squeeze %dma_start3A_78 : memref<1x128xi32, #tpu.memory_space<vmem>> -> memref<128xi32, #tpu.memory_space<vmem>>
    %dma_start3A_80 = arith.constant 0 : i32
    %dma_start3A_81 = arith.constant 0 : i32
    %dma_start3A_82 = tpu.memref_slice %arg2[%dma_start3A_80, %dma_start3A_81] : memref<10000x128xf32, #tpu.memory_space<hbm>> -> memref<10000x128xf32, #tpu.memory_space<hbm>>
    tpu.enqueue_indirect_dma source(%dma_start3A_82 : memref<10000x128xf32, #tpu.memory_space<hbm>>) target(%arg7 : memref<128x128xf32, #tpu.memory_space<vmem>>) offsets(%dma_start3A_79 : memref<128xi32, #tpu.memory_space<vmem>>) semaphore(%arg12 : memref<!tpu.dma_semaphore, #tpu.memory_space<semaphore_mem>>)
    %multiple_of3A_83 = arith.constant 4608 : i32
    %multiple_of3A_84 = tpu.assume_multiple %multiple_of3A_83, 128 : i32
    %dma_wait3A_85 = arith.constant 0 : i32
    %dma_wait3A_86 = tpu.memref_slice %arg5[%dma_wait3A_85, %multiple_of3A_84] : memref<2x5120xi32, #tpu.memory_space<vmem>> -> memref<1x128xi32, #tpu.memory_space<vmem>>
    %dma_wait3A_87 = tpu.memref_squeeze %dma_wait3A_86 : memref<1x128xi32, #tpu.memory_space<vmem>> -> memref<128xi32, #tpu.memory_space<vmem>>
    %dma_wait3A_88 = arith.constant 0 : i32
    %dma_wait3A_89 = arith.constant 0 : i32
    %dma_wait3A_90 = tpu.memref_slice %arg2[%dma_wait3A_88, %dma_wait3A_89] : memref<10000x128xf32, #tpu.memory_space<hbm>> -> memref<10000x128xf32, #tpu.memory_space<hbm>>
    tpu.wait_indirect_dma semaphore(%arg11 : memref<!tpu.dma_semaphore, #tpu.memory_space<semaphore_mem>>) src(%dma_wait3A_90 : memref<10000x128xf32, #tpu.memory_space<hbm>>) dst(%arg6 : memref<128x128xf32, #tpu.memory_space<vmem>>)
    %multiple_of3A_91 = arith.constant 4608 : i32
    %multiple_of3A_92 = tpu.assume_multiple %multiple_of3A_91, 128 : i32
    %run_scoped3A_93 = arith.constant 1 : i32
    "tpu.region"() ({
      %run_scoped3A_115 = tpu.sem_alloc : memref<!tpu.dma_semaphore, #tpu.memory_space<semaphore_mem>>
      %dma_start3A_116 = tpu.memref_slice %arg5[%run_scoped3A_93, %multiple_of3A_92] : memref<2x5120xi32, #tpu.memory_space<vmem>> -> memref<1x128xi32, #tpu.memory_space<vmem>>
      %dma_start3A_117 = tpu.memref_squeeze %dma_start3A_116 : memref<1x128xi32, #tpu.memory_space<vmem>> -> memref<128xi32, #tpu.memory_space<vmem>>
      %dma_start3A_118 = arith.constant 0 : i32
      %dma_start3A_119 = arith.constant 0 : i32
      %dma_start3A_120 = tpu.memref_slice %arg10[%dma_start3A_118, %dma_start3A_119] : memref<10000x128xf32, #tpu.memory_space<vmem_shared>> -> memref<10000x128xf32, #tpu.memory_space<vmem_shared>>
      tpu.enqueue_indirect_dma source(%arg6 : memref<128x128xf32, #tpu.memory_space<vmem>>) target(%dma_start3A_120 : memref<10000x128xf32, #tpu.memory_space<vmem_shared>>) offsets(%dma_start3A_117 : memref<128xi32, #tpu.memory_space<vmem>>) semaphore(%run_scoped3A_115 : memref<!tpu.dma_semaphore, #tpu.memory_space<semaphore_mem>>) {add = true}
      %dma_wait3A_121 = tpu.memref_slice %arg5[%run_scoped3A_93, %multiple_of3A_92] : memref<2x5120xi32, #tpu.memory_space<vmem>> -> memref<1x128xi32, #tpu.memory_space<vmem>>
      %dma_wait3A_122 = tpu.memref_squeeze %dma_wait3A_121 : memref<1x128xi32, #tpu.memory_space<vmem>> -> memref<128xi32, #tpu.memory_space<vmem>>
      %dma_wait3A_123 = arith.constant 0 : i32
      %dma_wait3A_124 = arith.constant 0 : i32
      %dma_wait3A_125 = tpu.memref_slice %arg10[%dma_wait3A_123, %dma_wait3A_124] : memref<10000x128xf32, #tpu.memory_space<vmem_shared>> -> memref<10000x128xf32, #tpu.memory_space<vmem_shared>>
      tpu.wait_indirect_dma semaphore(%run_scoped3A_115 : memref<!tpu.dma_semaphore, #tpu.memory_space<semaphore_mem>>) src(%arg6 : memref<128x128xf32, #tpu.memory_space<vmem>>) dst(%dma_wait3A_125 : memref<10000x128xf32, #tpu.memory_space<vmem_shared>>)
      tpu.yield
    }) : () -> ()
    %multiple_of3A_94 = arith.constant 4736 : i32
    %multiple_of3A_95 = tpu.assume_multiple %multiple_of3A_94, 128 : i32
    %dma_wait3A_96 = arith.constant 0 : i32
    %dma_wait3A_97 = tpu.memref_slice %arg5[%dma_wait3A_96, %multiple_of3A_95] : memref<2x5120xi32, #tpu.memory_space<vmem>> -> memref<1x128xi32, #tpu.memory_space<vmem>>
    %dma_wait3A_98 = tpu.memref_squeeze %dma_wait3A_97 : memref<1x128xi32, #tpu.memory_space<vmem>> -> memref<128xi32, #tpu.memory_space<vmem>>
    %dma_wait3A_99 = arith.constant 0 : i32
    %dma_wait3A_100 = arith.constant 0 : i32
    %dma_wait3A_101 = tpu.memref_slice %arg2[%dma_wait3A_99, %dma_wait3A_100] : memref<10000x128xf32, #tpu.memory_space<hbm>> -> memref<10000x128xf32, #tpu.memory_space<hbm>>
    tpu.wait_indirect_dma semaphore(%arg12 : memref<!tpu.dma_semaphore, #tpu.memory_space<semaphore_mem>>) src(%dma_wait3A_101 : memref<10000x128xf32, #tpu.memory_space<hbm>>) dst(%arg7 : memref<128x128xf32, #tpu.memory_space<vmem>>)
    %multiple_of3A_102 = arith.constant 4736 : i32
    %multiple_of3A_103 = tpu.assume_multiple %multiple_of3A_102, 128 : i32
    %run_scoped3A_104 = arith.constant 1 : i32
    "tpu.region"() ({
      %run_scoped3A_115 = tpu.sem_alloc : memref<!tpu.dma_semaphore, #tpu.memory_space<semaphore_mem>>
      %dma_start3A_116 = tpu.memref_slice %arg5[%run_scoped3A_104, %multiple_of3A_103] : memref<2x5120xi32, #tpu.memory_space<vmem>> -> memref<1x128xi32, #tpu.memory_space<vmem>>
      %dma_start3A_117 = tpu.memref_squeeze %dma_start3A_116 : memref<1x128xi32, #tpu.memory_space<vmem>> -> memref<128xi32, #tpu.memory_space<vmem>>
      %dma_start3A_118 = arith.constant 0 : i32
      %dma_start3A_119 = arith.constant 0 : i32
      %dma_start3A_120 = tpu.memref_slice %arg10[%dma_start3A_118, %dma_start3A_119] : memref<10000x128xf32, #tpu.memory_space<vmem_shared>> -> memref<10000x128xf32, #tpu.memory_space<vmem_shared>>
      tpu.enqueue_indirect_dma source(%arg7 : memref<128x128xf32, #tpu.memory_space<vmem>>) target(%dma_start3A_120 : memref<10000x128xf32, #tpu.memory_space<vmem_shared>>) offsets(%dma_start3A_117 : memref<128xi32, #tpu.memory_space<vmem>>) semaphore(%run_scoped3A_115 : memref<!tpu.dma_semaphore, #tpu.memory_space<semaphore_mem>>) {add = true}
      %dma_wait3A_121 = tpu.memref_slice %arg5[%run_scoped3A_104, %multiple_of3A_103] : memref<2x5120xi32, #tpu.memory_space<vmem>> -> memref<1x128xi32, #tpu.memory_space<vmem>>
      %dma_wait3A_122 = tpu.memref_squeeze %dma_wait3A_121 : memref<1x128xi32, #tpu.memory_space<vmem>> -> memref<128xi32, #tpu.memory_space<vmem>>
      %dma_wait3A_123 = arith.constant 0 : i32
      %dma_wait3A_124 = arith.constant 0 : i32
      %dma_wait3A_125 = tpu.memref_slice %arg10[%dma_wait3A_123, %dma_wait3A_124] : memref<10000x128xf32, #tpu.memory_space<vmem_shared>> -> memref<10000x128xf32, #tpu.memory_space<vmem_shared>>
      tpu.wait_indirect_dma semaphore(%run_scoped3A_115 : memref<!tpu.dma_semaphore, #tpu.memory_space<semaphore_mem>>) src(%arg7 : memref<128x128xf32, #tpu.memory_space<vmem>>) dst(%dma_wait3A_125 : memref<10000x128xf32, #tpu.memory_space<vmem_shared>>)
      tpu.yield
    }) : () -> ()
    %lt3A = arith.constant 4 : i32
    %lt3A_105 = arith.cmpi slt, %add3A, %lt3A : i32
    %convert_element_type3A_106 = arith.extui %lt3A_105 : i1 to i32
    %cond3A_107 = arith.constant 0 : i32
    %cond3A_108 = arith.cmpi ne, %convert_element_type3A_106, %cond3A_107 : i32
    scf.if %cond3A_108 {
      %add3A_115 = arith.constant 2496 : i32
      %add3A_116 = arith.addi %add3A_115, %add3A : i32
      %mul3A_117 = arith.constant 128 : i32
      %mul3A_118 = arith.muli %add3A_116, %mul3A_117 : i32
      %multiple_of3A_119 = tpu.assume_multiple %mul3A_118, 128 : i32
      %run_scoped3A_120 = arith.constant 0 : i32
      "tpu.region"() ({
        %run_scoped3A_128 = tpu.sem_alloc : memref<!tpu.dma_semaphore, #tpu.memory_space<semaphore_mem>>
        %dma_start3A_129 = tpu.memref_slice %arg3[%run_scoped3A_120, %multiple_of3A_119] : memref<2x320000xi32, #tpu.memory_space<hbm>> -> memref<1x128xi32, #tpu.memory_space<hbm>>
        %dma_start3A_130 = tpu.memref_squeeze %dma_start3A_129 : memref<1x128xi32, #tpu.memory_space<hbm>> -> memref<128xi32, #tpu.memory_space<hbm>>
        %dma_start3A_131 = tpu.memref_slice %arg3[%run_scoped3A_120, %multiple_of3A_119] : memref<2x320000xi32, #tpu.memory_space<hbm>> -> memref<1x128xi32, #tpu.memory_space<hbm>>
        %dma_start3A_132 = tpu.memref_squeeze %dma_start3A_131 : memref<1x128xi32, #tpu.memory_space<hbm>> -> memref<128xi32, #tpu.memory_space<hbm>>
        tpu.enqueue_dma source(%dma_start3A_132 : memref<128xi32, #tpu.memory_space<hbm>>) target(%arg8 : memref<128xi32, #tpu.memory_space<vmem>>) target_semaphore(%run_scoped3A_128 : memref<!tpu.dma_semaphore, #tpu.memory_space<semaphore_mem>>)
        %dma_wait3A_133 = tpu.memref_slice %arg3[%run_scoped3A_120, %multiple_of3A_119] : memref<2x320000xi32, #tpu.memory_space<hbm>> -> memref<1x128xi32, #tpu.memory_space<hbm>>
        %dma_wait3A_134 = tpu.memref_squeeze %dma_wait3A_133 : memref<1x128xi32, #tpu.memory_space<hbm>> -> memref<128xi32, #tpu.memory_space<hbm>>
        %dma_wait3A_135 = tpu.memref_slice %arg3[%run_scoped3A_120, %multiple_of3A_119] : memref<2x320000xi32, #tpu.memory_space<hbm>> -> memref<1x128xi32, #tpu.memory_space<hbm>>
        %dma_wait3A_136 = tpu.memref_squeeze %dma_wait3A_135 : memref<1x128xi32, #tpu.memory_space<hbm>> -> memref<128xi32, #tpu.memory_space<hbm>>
        tpu.wait_dma2 semaphore(%run_scoped3A_128 : memref<!tpu.dma_semaphore, #tpu.memory_space<semaphore_mem>>) src(%dma_wait3A_136 : memref<128xi32, #tpu.memory_space<hbm>>) dst(%arg8 : memref<128xi32, #tpu.memory_space<vmem>>)
        tpu.yield
      }) : () -> ()
      %run_scoped3A_121 = arith.constant 1 : i32
      "tpu.region"() ({
        %run_scoped3A_128 = tpu.sem_alloc : memref<!tpu.dma_semaphore, #tpu.memory_space<semaphore_mem>>
        %dma_start3A_129 = tpu.memref_slice %arg3[%run_scoped3A_121, %multiple_of3A_119] : memref<2x320000xi32, #tpu.memory_space<hbm>> -> memref<1x128xi32, #tpu.memory_space<hbm>>
        %dma_start3A_130 = tpu.memref_squeeze %dma_start3A_129 : memref<1x128xi32, #tpu.memory_space<hbm>> -> memref<128xi32, #tpu.memory_space<hbm>>
        %dma_start3A_131 = tpu.memref_slice %arg3[%run_scoped3A_121, %multiple_of3A_119] : memref<2x320000xi32, #tpu.memory_space<hbm>> -> memref<1x128xi32, #tpu.memory_space<hbm>>
        %dma_start3A_132 = tpu.memref_squeeze %dma_start3A_131 : memref<1x128xi32, #tpu.memory_space<hbm>> -> memref<128xi32, #tpu.memory_space<hbm>>
        tpu.enqueue_dma source(%dma_start3A_132 : memref<128xi32, #tpu.memory_space<hbm>>) target(%arg9 : memref<128xi32, #tpu.memory_space<vmem>>) target_semaphore(%run_scoped3A_128 : memref<!tpu.dma_semaphore, #tpu.memory_space<semaphore_mem>>)
        %dma_wait3A_133 = tpu.memref_slice %arg3[%run_scoped3A_121, %multiple_of3A_119] : memref<2x320000xi32, #tpu.memory_space<hbm>> -> memref<1x128xi32, #tpu.memory_space<hbm>>
        %dma_wait3A_134 = tpu.memref_squeeze %dma_wait3A_133 : memref<1x128xi32, #tpu.memory_space<hbm>> -> memref<128xi32, #tpu.memory_space<hbm>>
        %dma_wait3A_135 = tpu.memref_slice %arg3[%run_scoped3A_121, %multiple_of3A_119] : memref<2x320000xi32, #tpu.memory_space<hbm>> -> memref<1x128xi32, #tpu.memory_space<hbm>>
        %dma_wait3A_136 = tpu.memref_squeeze %dma_wait3A_135 : memref<1x128xi32, #tpu.memory_space<hbm>> -> memref<128xi32, #tpu.memory_space<hbm>>
        tpu.wait_dma2 semaphore(%run_scoped3A_128 : memref<!tpu.dma_semaphore, #tpu.memory_space<semaphore_mem>>) src(%dma_wait3A_136 : memref<128xi32, #tpu.memory_space<hbm>>) dst(%arg9 : memref<128xi32, #tpu.memory_space<vmem>>)
        tpu.yield
      }) : () -> ()
      %dma_start3A_122 = arith.constant 0 : i32
      %dma_start3A_123 = arith.constant 0 : i32
      %dma_start3A_124 = tpu.memref_slice %arg2[%dma_start3A_122, %dma_start3A_123] : memref<10000x128xf32, #tpu.memory_space<hbm>> -> memref<10000x128xf32, #tpu.memory_space<hbm>>
      tpu.enqueue_indirect_dma source(%dma_start3A_124 : memref<10000x128xf32, #tpu.memory_space<hbm>>) target(%arg6 : memref<128x128xf32, #tpu.memory_space<vmem>>) offsets(%arg8 : memref<128xi32, #tpu.memory_space<vmem>>) semaphore(%arg11 : memref<!tpu.dma_semaphore, #tpu.memory_space<semaphore_mem>>)
      %dma_wait3A_125 = arith.constant 0 : i32
      %dma_wait3A_126 = arith.constant 0 : i32
      %dma_wait3A_127 = tpu.memref_slice %arg2[%dma_wait3A_125, %dma_wait3A_126] : memref<10000x128xf32, #tpu.memory_space<hbm>> -> memref<10000x128xf32, #tpu.memory_space<hbm>>
      tpu.wait_indirect_dma semaphore(%arg11 : memref<!tpu.dma_semaphore, #tpu.memory_space<semaphore_mem>>) src(%dma_wait3A_127 : memref<10000x128xf32, #tpu.memory_space<hbm>>) dst(%arg6 : memref<128x128xf32, #tpu.memory_space<vmem>>)
      "tpu.region"() ({
        %run_scoped3A_128 = tpu.sem_alloc : memref<!tpu.dma_semaphore, #tpu.memory_space<semaphore_mem>>
        %dma_start3A_129 = arith.constant 0 : i32
        %dma_start3A_130 = arith.constant 0 : i32
        %dma_start3A_131 = tpu.memref_slice %arg10[%dma_start3A_129, %dma_start3A_130] : memref<10000x128xf32, #tpu.memory_space<vmem_shared>> -> memref<10000x128xf32, #tpu.memory_space<vmem_shared>>
        tpu.enqueue_indirect_dma source(%arg6 : memref<128x128xf32, #tpu.memory_space<vmem>>) target(%dma_start3A_131 : memref<10000x128xf32, #tpu.memory_space<vmem_shared>>) offsets(%arg9 : memref<128xi32, #tpu.memory_space<vmem>>) semaphore(%run_scoped3A_128 : memref<!tpu.dma_semaphore, #tpu.memory_space<semaphore_mem>>) {add = true}
        %dma_wait3A_132 = arith.constant 0 : i32
        %dma_wait3A_133 = arith.constant 0 : i32
        %dma_wait3A_134 = tpu.memref_slice %arg10[%dma_wait3A_132, %dma_wait3A_133] : memref<10000x128xf32, #tpu.memory_space<vmem_shared>> -> memref<10000x128xf32, #tpu.memory_space<vmem_shared>>
        tpu.wait_indirect_dma semaphore(%run_scoped3A_128 : memref<!tpu.dma_semaphore, #tpu.memory_space<semaphore_mem>>) src(%arg6 : memref<128x128xf32, #tpu.memory_space<vmem>>) dst(%dma_wait3A_134 : memref<10000x128xf32, #tpu.memory_space<vmem_shared>>)
        tpu.yield
      }) : () -> ()
    } else {
    }
    %barrier3A_109 = arith.constant 0 : index
    tpu.barrier barrier_id(%barrier3A_109)
    "tpu.region"() ({
      %run_scoped3A_115 = tpu.sem_alloc : memref<!tpu.dma_semaphore, #tpu.memory_space<semaphore_mem>>
      %dma_start3A_116 = arith.constant 0 : i32
      %dma_start3A_117 = tpu.memref_slice %arg4[%arg0, %multiple_of3A_8, %dma_start3A_116] : memref<2x10000x128xf32, #tpu.memory_space<hbm>> -> memref<1x624x128xf32, #tpu.memory_space<hbm>>
      %dma_start3A_118 = tpu.memref_squeeze %dma_start3A_117 : memref<1x624x128xf32, #tpu.memory_space<hbm>> -> memref<624x128xf32, #tpu.memory_space<hbm>>
      %dma_start3A_119 = arith.constant 0 : i32
      %dma_start3A_120 = tpu.memref_slice %arg10[%multiple_of3A_8, %dma_start3A_119] : memref<10000x128xf32, #tpu.memory_space<vmem_shared>> -> memref<624x128xf32, #tpu.memory_space<vmem_shared>>
      tpu.enqueue_dma source(%dma_start3A_120 : memref<624x128xf32, #tpu.memory_space<vmem_shared>>) target(%dma_start3A_118 : memref<624x128xf32, #tpu.memory_space<hbm>>) target_semaphore(%run_scoped3A_115 : memref<!tpu.dma_semaphore, #tpu.memory_space<semaphore_mem>>)
      %dma_wait3A_121 = arith.constant 0 : i32
      %dma_wait3A_122 = tpu.memref_slice %arg4[%arg0, %multiple_of3A_8, %dma_wait3A_121] : memref<2x10000x128xf32, #tpu.memory_space<hbm>> -> memref<1x624x128xf32, #tpu.memory_space<hbm>>
      %dma_wait3A_123 = tpu.memref_squeeze %dma_wait3A_122 : memref<1x624x128xf32, #tpu.memory_space<hbm>> -> memref<624x128xf32, #tpu.memory_space<hbm>>
      %dma_wait3A_124 = arith.constant 0 : i32
      %dma_wait3A_125 = tpu.memref_slice %arg10[%multiple_of3A_8, %dma_wait3A_124] : memref<10000x128xf32, #tpu.memory_space<vmem_shared>> -> memref<624x128xf32, #tpu.memory_space<vmem_shared>>
      tpu.wait_dma2 semaphore(%run_scoped3A_115 : memref<!tpu.dma_semaphore, #tpu.memory_space<semaphore_mem>>) src(%dma_wait3A_125 : memref<624x128xf32, #tpu.memory_space<vmem_shared>>) dst(%dma_wait3A_123 : memref<624x128xf32, #tpu.memory_space<hbm>>)
      tpu.yield
    }) : () -> ()
    %eq3A_110 = arith.constant 15 : i32
    %eq3A_111 = arith.cmpi eq, %arg1, %eq3A_110 : i32
    %convert_element_type3A_112 = arith.extui %eq3A_111 : i1 to i32
    %cond3A_113 = arith.constant 0 : i32
    %cond3A_114 = arith.cmpi ne, %convert_element_type3A_112, %cond3A_113 : i32
    scf.if %cond3A_114 {
      "tpu.region"() ({
        %run_scoped3A_115 = tpu.sem_alloc : memref<!tpu.dma_semaphore, #tpu.memory_space<semaphore_mem>>
        %dma_start3A_116 = arith.constant 9984 : i32
        %dma_start3A_117 = arith.constant 0 : i32
        %dma_start3A_118 = tpu.memref_slice %arg4[%arg0, %dma_start3A_116, %dma_start3A_117] : memref<2x10000x128xf32, #tpu.memory_space<hbm>> -> memref<1x16x128xf32, #tpu.memory_space<hbm>>
        %dma_start3A_119 = tpu.memref_squeeze %dma_start3A_118 : memref<1x16x128xf32, #tpu.memory_space<hbm>> -> memref<16x128xf32, #tpu.memory_space<hbm>>
        %dma_start3A_120 = arith.constant 9984 : i32
        %dma_start3A_121 = arith.constant 0 : i32
        %dma_start3A_122 = tpu.memref_slice %arg10[%dma_start3A_120, %dma_start3A_121] : memref<10000x128xf32, #tpu.memory_space<vmem_shared>> -> memref<16x128xf32, #tpu.memory_space<vmem_shared>>
        tpu.enqueue_dma source(%dma_start3A_122 : memref<16x128xf32, #tpu.memory_space<vmem_shared>>) target(%dma_start3A_119 : memref<16x128xf32, #tpu.memory_space<hbm>>) target_semaphore(%run_scoped3A_115 : memref<!tpu.dma_semaphore, #tpu.memory_space<semaphore_mem>>)
        %dma_wait3A_123 = arith.constant 9984 : i32
        %dma_wait3A_124 = arith.constant 0 : i32
        %dma_wait3A_125 = tpu.memref_slice %arg4[%arg0, %dma_wait3A_123, %dma_wait3A_124] : memref<2x10000x128xf32, #tpu.memory_space<hbm>> -> memref<1x16x128xf32, #tpu.memory_space<hbm>>
        %dma_wait3A_126 = tpu.memref_squeeze %dma_wait3A_125 : memref<1x16x128xf32, #tpu.memory_space<hbm>> -> memref<16x128xf32, #tpu.memory_space<hbm>>
        %dma_wait3A_127 = arith.constant 9984 : i32
        %dma_wait3A_128 = arith.constant 0 : i32
        %dma_wait3A_129 = tpu.memref_slice %arg10[%dma_wait3A_127, %dma_wait3A_128] : memref<10000x128xf32, #tpu.memory_space<vmem_shared>> -> memref<16x128xf32, #tpu.memory_space<vmem_shared>>
        tpu.wait_dma2 semaphore(%run_scoped3A_115 : memref<!tpu.dma_semaphore, #tpu.memory_space<semaphore_mem>>) src(%dma_wait3A_129 : memref<16x128xf32, #tpu.memory_space<vmem_shared>>) dst(%dma_wait3A_126 : memref<16x128xf32, #tpu.memory_space<hbm>>)
        tpu.yield
      }) : () -> ()
    } else {
    }
    return
  }
}

#map = affine_map<(d0, d1) -> (0, 0)>
#map1 = affine_map<(d0, d1) -> (0, 0, 0)>
module attributes {stable_mosaic.version = 14 : i64} {
  func.func @deg_kernel(%arg0: i32, %arg1: i32, %arg2: memref<2x320000xi32, #tpu.memory_space<hbm>>, %arg3: memref<2x10000x16xf32, #tpu.memory_space<hbm>>, %arg4: memref<2x9984xi32, #tpu.memory_space<vmem>>, %arg5: memref<128xi32, #tpu.memory_space<vmem>>, %arg6: memref<128x16xf32, #tpu.memory_space<vmem>>, %arg7: memref<10000x16xf32, #tpu.memory_space<vmem_shared>>, %arg8: memref<!tpu.dma_semaphore, #tpu.memory_space<semaphore_mem>>, %arg9: memref<!tpu.dma_semaphore, #tpu.memory_space<semaphore_mem>>) attributes {dimension_semantics = [#tpu.dimension_semantics<core_parallel>, #tpu.dimension_semantics<subcore_parallel>], iteration_bounds = array<i64: 2, 16>, scalar_prefetch = 0 : i64, scratch_operands = 6 : i64, tpu.core_type = #tpu.core_type<sc_vector_subcore>, window_params = [{transform_indices = #map}, {transform_indices = #map1}]} {
    %mul3A = arith.constant 2 : i32
    %mul3A_0 = arith.muli %arg1, %mul3A : i32
    %add3A = arith.addi %mul3A_0, %arg0 : i32
    %mul3A_1 = arith.constant 9984 : i32
    %mul3A_2 = arith.muli %add3A, %mul3A_1 : i32
    %multiple_of3A = tpu.assume_multiple %mul3A_2, 128 : i32
    %dma_start3A = arith.constant 0 : i32
    %dma_start3A_3 = tpu.memref_slice %arg2[%dma_start3A, %multiple_of3A] : memref<2x320000xi32, #tpu.memory_space<hbm>> -> memref<2x9984xi32, #tpu.memory_space<hbm>>
    %dma_start3A_4 = arith.constant 0 : i32
    %dma_start3A_5 = tpu.memref_slice %arg2[%dma_start3A_4, %multiple_of3A] : memref<2x320000xi32, #tpu.memory_space<hbm>> -> memref<2x9984xi32, #tpu.memory_space<hbm>>
    tpu.enqueue_dma source(%dma_start3A_5 : memref<2x9984xi32, #tpu.memory_space<hbm>>) target(%arg4 : memref<2x9984xi32, #tpu.memory_space<vmem>>) target_semaphore(%arg9 : memref<!tpu.dma_semaphore, #tpu.memory_space<semaphore_mem>>)
    %scan3A = arith.constant 0 : i32
    %scan3A_6 = arith.constant 128 : i32
    %scan3A_7 = arith.addi %scan3A, %scan3A_6 : i32
    %scan3A_8 = arith.constant 1 : i32
    scf.for %scan3A_48 = %scan3A to %scan3A_7 step %scan3A_8  : i32 {
      %mul3A_49 = arith.constant 1 : i32
      %mul3A_50 = arith.muli %scan3A_48, %mul3A_49 : i32
      %add3A_51 = arith.constant 0 : i32
      %add3A_52 = arith.addi %add3A_51, %mul3A_50 : i32
      %broadcast_in_dim3A = arith.constant 1.000000e+00 : f32
      %broadcast_in_dim3A_53 = vector.broadcast %broadcast_in_dim3A : f32 to vector<16xf32>
      %swap3A = arith.index_cast %add3A_52 : i32 to index
      %swap3A_54 = arith.constant 0 : index
      %swap3A_55 = tpu.vector_load %arg6[%swap3A, %swap3A_54] {strides = array<i32>} : memref<128x16xf32, #tpu.memory_space<vmem>>, vector<1x16xf32>,
      %swap3A_56 = vector.shape_cast %swap3A_55 : vector<1x16xf32> to vector<16xf32>
      %swap3A_57 = vector.shape_cast %broadcast_in_dim3A_53 : vector<16xf32> to vector<1x16xf32>
      tpu.vector_store %arg6[%swap3A, %swap3A_54], %swap3A_57 {strides = array<i32>} : memref<128x16xf32, #tpu.memory_space<vmem>>, vector<1x16xf32>,
    }
    %scan3A_9 = arith.constant 128 : i32
    %mul3A_10 = arith.constant 624 : i32
    %mul3A_11 = arith.muli %arg1, %mul3A_10 : i32
    %multiple_of3A_12 = tpu.assume_multiple %mul3A_11, 8 : i32
    %add3A_13 = arith.constant 0 : i32
    %add3A_14 = arith.addi %multiple_of3A_12, %add3A_13 : i32
    "tpu.region"() ({
      %run_scoped3A = tpu.sem_alloc : memref<!tpu.dma_semaphore, #tpu.memory_space<semaphore_mem>>
      %dma_start3A_48 = arith.constant 0 : i32
      %dma_start3A_49 = arith.constant 0 : i32
      %dma_start3A_50 = tpu.memref_slice %arg6[%dma_start3A_48, %dma_start3A_49] : memref<128x16xf32, #tpu.memory_space<vmem>> -> memref<128x16xf32, #tpu.memory_space<vmem>>
      %dma_start3A_51 = arith.constant 0 : i32
      %dma_start3A_52 = tpu.memref_slice %arg7[%add3A_14, %dma_start3A_51] : memref<10000x16xf32, #tpu.memory_space<vmem_shared>> -> memref<128x16xf32, #tpu.memory_space<vmem_shared>>
      %dma_start3A_53 = arith.constant 0 : i32
      %dma_start3A_54 = tpu.memref_slice %arg7[%add3A_14, %dma_start3A_53] : memref<10000x16xf32, #tpu.memory_space<vmem_shared>> -> memref<128x16xf32, #tpu.memory_space<vmem_shared>>
      %dma_start3A_55 = arith.constant 0 : i32
      %dma_start3A_56 = arith.constant 0 : i32
      %dma_start3A_57 = tpu.memref_slice %arg6[%dma_start3A_55, %dma_start3A_56] : memref<128x16xf32, #tpu.memory_space<vmem>> -> memref<128x16xf32, #tpu.memory_space<vmem>>
      tpu.enqueue_dma source(%dma_start3A_57 : memref<128x16xf32, #tpu.memory_space<vmem>>) target(%dma_start3A_54 : memref<128x16xf32, #tpu.memory_space<vmem_shared>>) target_semaphore(%run_scoped3A : memref<!tpu.dma_semaphore, #tpu.memory_space<semaphore_mem>>)
      %dma_wait3A_58 = arith.constant 0 : i32
      %dma_wait3A_59 = arith.constant 0 : i32
      %dma_wait3A_60 = tpu.memref_slice %arg6[%dma_wait3A_58, %dma_wait3A_59] : memref<128x16xf32, #tpu.memory_space<vmem>> -> memref<128x16xf32, #tpu.memory_space<vmem>>
      %dma_wait3A_61 = arith.constant 0 : i32
      %dma_wait3A_62 = tpu.memref_slice %arg7[%add3A_14, %dma_wait3A_61] : memref<10000x16xf32, #tpu.memory_space<vmem_shared>> -> memref<128x16xf32, #tpu.memory_space<vmem_shared>>
      %dma_wait3A_63 = arith.constant 0 : i32
      %dma_wait3A_64 = tpu.memref_slice %arg7[%add3A_14, %dma_wait3A_63] : memref<10000x16xf32, #tpu.memory_space<vmem_shared>> -> memref<128x16xf32, #tpu.memory_space<vmem_shared>>
      %dma_wait3A_65 = arith.constant 0 : i32
      %dma_wait3A_66 = arith.constant 0 : i32
      %dma_wait3A_67 = tpu.memref_slice %arg6[%dma_wait3A_65, %dma_wait3A_66] : memref<128x16xf32, #tpu.memory_space<vmem>> -> memref<128x16xf32, #tpu.memory_space<vmem>>
      tpu.wait_dma2 semaphore(%run_scoped3A : memref<!tpu.dma_semaphore, #tpu.memory_space<semaphore_mem>>) src(%dma_wait3A_67 : memref<128x16xf32, #tpu.memory_space<vmem>>) dst(%dma_wait3A_64 : memref<128x16xf32, #tpu.memory_space<vmem_shared>>)
      tpu.yield
    }) : () -> ()
    %add3A_15 = arith.constant 128 : i32
    %add3A_16 = arith.addi %multiple_of3A_12, %add3A_15 : i32
    "tpu.region"() ({
      %run_scoped3A = tpu.sem_alloc : memref<!tpu.dma_semaphore, #tpu.memory_space<semaphore_mem>>
      %dma_start3A_48 = arith.constant 0 : i32
      %dma_start3A_49 = arith.constant 0 : i32
      %dma_start3A_50 = tpu.memref_slice %arg6[%dma_start3A_48, %dma_start3A_49] : memref<128x16xf32, #tpu.memory_space<vmem>> -> memref<128x16xf32, #tpu.memory_space<vmem>>
      %dma_start3A_51 = arith.constant 0 : i32
      %dma_start3A_52 = tpu.memref_slice %arg7[%add3A_16, %dma_start3A_51] : memref<10000x16xf32, #tpu.memory_space<vmem_shared>> -> memref<128x16xf32, #tpu.memory_space<vmem_shared>>
      %dma_start3A_53 = arith.constant 0 : i32
      %dma_start3A_54 = tpu.memref_slice %arg7[%add3A_16, %dma_start3A_53] : memref<10000x16xf32, #tpu.memory_space<vmem_shared>> -> memref<128x16xf32, #tpu.memory_space<vmem_shared>>
      %dma_start3A_55 = arith.constant 0 : i32
      %dma_start3A_56 = arith.constant 0 : i32
      %dma_start3A_57 = tpu.memref_slice %arg6[%dma_start3A_55, %dma_start3A_56] : memref<128x16xf32, #tpu.memory_space<vmem>> -> memref<128x16xf32, #tpu.memory_space<vmem>>
      tpu.enqueue_dma source(%dma_start3A_57 : memref<128x16xf32, #tpu.memory_space<vmem>>) target(%dma_start3A_54 : memref<128x16xf32, #tpu.memory_space<vmem_shared>>) target_semaphore(%run_scoped3A : memref<!tpu.dma_semaphore, #tpu.memory_space<semaphore_mem>>)
      %dma_wait3A_58 = arith.constant 0 : i32
      %dma_wait3A_59 = arith.constant 0 : i32
      %dma_wait3A_60 = tpu.memref_slice %arg6[%dma_wait3A_58, %dma_wait3A_59] : memref<128x16xf32, #tpu.memory_space<vmem>> -> memref<128x16xf32, #tpu.memory_space<vmem>>
      %dma_wait3A_61 = arith.constant 0 : i32
      %dma_wait3A_62 = tpu.memref_slice %arg7[%add3A_16, %dma_wait3A_61] : memref<10000x16xf32, #tpu.memory_space<vmem_shared>> -> memref<128x16xf32, #tpu.memory_space<vmem_shared>>
      %dma_wait3A_63 = arith.constant 0 : i32
      %dma_wait3A_64 = tpu.memref_slice %arg7[%add3A_16, %dma_wait3A_63] : memref<10000x16xf32, #tpu.memory_space<vmem_shared>> -> memref<128x16xf32, #tpu.memory_space<vmem_shared>>
      %dma_wait3A_65 = arith.constant 0 : i32
      %dma_wait3A_66 = arith.constant 0 : i32
      %dma_wait3A_67 = tpu.memref_slice %arg6[%dma_wait3A_65, %dma_wait3A_66] : memref<128x16xf32, #tpu.memory_space<vmem>> -> memref<128x16xf32, #tpu.memory_space<vmem>>
      tpu.wait_dma2 semaphore(%run_scoped3A : memref<!tpu.dma_semaphore, #tpu.memory_space<semaphore_mem>>) src(%dma_wait3A_67 : memref<128x16xf32, #tpu.memory_space<vmem>>) dst(%dma_wait3A_64 : memref<128x16xf32, #tpu.memory_space<vmem_shared>>)
      tpu.yield
    }) : () -> ()
    %add3A_17 = arith.constant 256 : i32
    %add3A_18 = arith.addi %multiple_of3A_12, %add3A_17 : i32
    "tpu.region"() ({
      %run_scoped3A = tpu.sem_alloc : memref<!tpu.dma_semaphore, #tpu.memory_space<semaphore_mem>>
      %dma_start3A_48 = arith.constant 0 : i32
      %dma_start3A_49 = arith.constant 0 : i32
      %dma_start3A_50 = tpu.memref_slice %arg6[%dma_start3A_48, %dma_start3A_49] : memref<128x16xf32, #tpu.memory_space<vmem>> -> memref<128x16xf32, #tpu.memory_space<vmem>>
      %dma_start3A_51 = arith.constant 0 : i32
      %dma_start3A_52 = tpu.memref_slice %arg7[%add3A_18, %dma_start3A_51] : memref<10000x16xf32, #tpu.memory_space<vmem_shared>> -> memref<128x16xf32, #tpu.memory_space<vmem_shared>>
      %dma_start3A_53 = arith.constant 0 : i32
      %dma_start3A_54 = tpu.memref_slice %arg7[%add3A_18, %dma_start3A_53] : memref<10000x16xf32, #tpu.memory_space<vmem_shared>> -> memref<128x16xf32, #tpu.memory_space<vmem_shared>>
      %dma_start3A_55 = arith.constant 0 : i32
      %dma_start3A_56 = arith.constant 0 : i32
      %dma_start3A_57 = tpu.memref_slice %arg6[%dma_start3A_55, %dma_start3A_56] : memref<128x16xf32, #tpu.memory_space<vmem>> -> memref<128x16xf32, #tpu.memory_space<vmem>>
      tpu.enqueue_dma source(%dma_start3A_57 : memref<128x16xf32, #tpu.memory_space<vmem>>) target(%dma_start3A_54 : memref<128x16xf32, #tpu.memory_space<vmem_shared>>) target_semaphore(%run_scoped3A : memref<!tpu.dma_semaphore, #tpu.memory_space<semaphore_mem>>)
      %dma_wait3A_58 = arith.constant 0 : i32
      %dma_wait3A_59 = arith.constant 0 : i32
      %dma_wait3A_60 = tpu.memref_slice %arg6[%dma_wait3A_58, %dma_wait3A_59] : memref<128x16xf32, #tpu.memory_space<vmem>> -> memref<128x16xf32, #tpu.memory_space<vmem>>
      %dma_wait3A_61 = arith.constant 0 : i32
      %dma_wait3A_62 = tpu.memref_slice %arg7[%add3A_18, %dma_wait3A_61] : memref<10000x16xf32, #tpu.memory_space<vmem_shared>> -> memref<128x16xf32, #tpu.memory_space<vmem_shared>>
      %dma_wait3A_63 = arith.constant 0 : i32
      %dma_wait3A_64 = tpu.memref_slice %arg7[%add3A_18, %dma_wait3A_63] : memref<10000x16xf32, #tpu.memory_space<vmem_shared>> -> memref<128x16xf32, #tpu.memory_space<vmem_shared>>
      %dma_wait3A_65 = arith.constant 0 : i32
      %dma_wait3A_66 = arith.constant 0 : i32
      %dma_wait3A_67 = tpu.memref_slice %arg6[%dma_wait3A_65, %dma_wait3A_66] : memref<128x16xf32, #tpu.memory_space<vmem>> -> memref<128x16xf32, #tpu.memory_space<vmem>>
      tpu.wait_dma2 semaphore(%run_scoped3A : memref<!tpu.dma_semaphore, #tpu.memory_space<semaphore_mem>>) src(%dma_wait3A_67 : memref<128x16xf32, #tpu.memory_space<vmem>>) dst(%dma_wait3A_64 : memref<128x16xf32, #tpu.memory_space<vmem_shared>>)
      tpu.yield
    }) : () -> ()
    %add3A_19 = arith.constant 384 : i32
    %add3A_20 = arith.addi %multiple_of3A_12, %add3A_19 : i32
    "tpu.region"() ({
      %run_scoped3A = tpu.sem_alloc : memref<!tpu.dma_semaphore, #tpu.memory_space<semaphore_mem>>
      %dma_start3A_48 = arith.constant 0 : i32
      %dma_start3A_49 = arith.constant 0 : i32
      %dma_start3A_50 = tpu.memref_slice %arg6[%dma_start3A_48, %dma_start3A_49] : memref<128x16xf32, #tpu.memory_space<vmem>> -> memref<128x16xf32, #tpu.memory_space<vmem>>
      %dma_start3A_51 = arith.constant 0 : i32
      %dma_start3A_52 = tpu.memref_slice %arg7[%add3A_20, %dma_start3A_51] : memref<10000x16xf32, #tpu.memory_space<vmem_shared>> -> memref<128x16xf32, #tpu.memory_space<vmem_shared>>
      %dma_start3A_53 = arith.constant 0 : i32
      %dma_start3A_54 = tpu.memref_slice %arg7[%add3A_20, %dma_start3A_53] : memref<10000x16xf32, #tpu.memory_space<vmem_shared>> -> memref<128x16xf32, #tpu.memory_space<vmem_shared>>
      %dma_start3A_55 = arith.constant 0 : i32
      %dma_start3A_56 = arith.constant 0 : i32
      %dma_start3A_57 = tpu.memref_slice %arg6[%dma_start3A_55, %dma_start3A_56] : memref<128x16xf32, #tpu.memory_space<vmem>> -> memref<128x16xf32, #tpu.memory_space<vmem>>
      tpu.enqueue_dma source(%dma_start3A_57 : memref<128x16xf32, #tpu.memory_space<vmem>>) target(%dma_start3A_54 : memref<128x16xf32, #tpu.memory_space<vmem_shared>>) target_semaphore(%run_scoped3A : memref<!tpu.dma_semaphore, #tpu.memory_space<semaphore_mem>>)
      %dma_wait3A_58 = arith.constant 0 : i32
      %dma_wait3A_59 = arith.constant 0 : i32
      %dma_wait3A_60 = tpu.memref_slice %arg6[%dma_wait3A_58, %dma_wait3A_59] : memref<128x16xf32, #tpu.memory_space<vmem>> -> memref<128x16xf32, #tpu.memory_space<vmem>>
      %dma_wait3A_61 = arith.constant 0 : i32
      %dma_wait3A_62 = tpu.memref_slice %arg7[%add3A_20, %dma_wait3A_61] : memref<10000x16xf32, #tpu.memory_space<vmem_shared>> -> memref<128x16xf32, #tpu.memory_space<vmem_shared>>
      %dma_wait3A_63 = arith.constant 0 : i32
      %dma_wait3A_64 = tpu.memref_slice %arg7[%add3A_20, %dma_wait3A_63] : memref<10000x16xf32, #tpu.memory_space<vmem_shared>> -> memref<128x16xf32, #tpu.memory_space<vmem_shared>>
      %dma_wait3A_65 = arith.constant 0 : i32
      %dma_wait3A_66 = arith.constant 0 : i32
      %dma_wait3A_67 = tpu.memref_slice %arg6[%dma_wait3A_65, %dma_wait3A_66] : memref<128x16xf32, #tpu.memory_space<vmem>> -> memref<128x16xf32, #tpu.memory_space<vmem>>
      tpu.wait_dma2 semaphore(%run_scoped3A : memref<!tpu.dma_semaphore, #tpu.memory_space<semaphore_mem>>) src(%dma_wait3A_67 : memref<128x16xf32, #tpu.memory_space<vmem>>) dst(%dma_wait3A_64 : memref<128x16xf32, #tpu.memory_space<vmem_shared>>)
      tpu.yield
    }) : () -> ()
    %add3A_21 = arith.constant 512 : i32
    %add3A_22 = arith.addi %multiple_of3A_12, %add3A_21 : i32
    "tpu.region"() ({
      %run_scoped3A = tpu.sem_alloc : memref<!tpu.dma_semaphore, #tpu.memory_space<semaphore_mem>>
      %dma_start3A_48 = arith.constant 0 : i32
      %dma_start3A_49 = arith.constant 0 : i32
      %dma_start3A_50 = tpu.memref_slice %arg6[%dma_start3A_48, %dma_start3A_49] : memref<128x16xf32, #tpu.memory_space<vmem>> -> memref<112x16xf32, #tpu.memory_space<vmem>>
      %dma_start3A_51 = arith.constant 0 : i32
      %dma_start3A_52 = tpu.memref_slice %arg7[%add3A_22, %dma_start3A_51] : memref<10000x16xf32, #tpu.memory_space<vmem_shared>> -> memref<112x16xf32, #tpu.memory_space<vmem_shared>>
      %dma_start3A_53 = arith.constant 0 : i32
      %dma_start3A_54 = tpu.memref_slice %arg7[%add3A_22, %dma_start3A_53] : memref<10000x16xf32, #tpu.memory_space<vmem_shared>> -> memref<112x16xf32, #tpu.memory_space<vmem_shared>>
      %dma_start3A_55 = arith.constant 0 : i32
      %dma_start3A_56 = arith.constant 0 : i32
      %dma_start3A_57 = tpu.memref_slice %arg6[%dma_start3A_55, %dma_start3A_56] : memref<128x16xf32, #tpu.memory_space<vmem>> -> memref<112x16xf32, #tpu.memory_space<vmem>>
      tpu.enqueue_dma source(%dma_start3A_57 : memref<112x16xf32, #tpu.memory_space<vmem>>) target(%dma_start3A_54 : memref<112x16xf32, #tpu.memory_space<vmem_shared>>) target_semaphore(%run_scoped3A : memref<!tpu.dma_semaphore, #tpu.memory_space<semaphore_mem>>)
      %dma_wait3A_58 = arith.constant 0 : i32
      %dma_wait3A_59 = arith.constant 0 : i32
      %dma_wait3A_60 = tpu.memref_slice %arg6[%dma_wait3A_58, %dma_wait3A_59] : memref<128x16xf32, #tpu.memory_space<vmem>> -> memref<112x16xf32, #tpu.memory_space<vmem>>
      %dma_wait3A_61 = arith.constant 0 : i32
      %dma_wait3A_62 = tpu.memref_slice %arg7[%add3A_22, %dma_wait3A_61] : memref<10000x16xf32, #tpu.memory_space<vmem_shared>> -> memref<112x16xf32, #tpu.memory_space<vmem_shared>>
      %dma_wait3A_63 = arith.constant 0 : i32
      %dma_wait3A_64 = tpu.memref_slice %arg7[%add3A_22, %dma_wait3A_63] : memref<10000x16xf32, #tpu.memory_space<vmem_shared>> -> memref<112x16xf32, #tpu.memory_space<vmem_shared>>
      %dma_wait3A_65 = arith.constant 0 : i32
      %dma_wait3A_66 = arith.constant 0 : i32
      %dma_wait3A_67 = tpu.memref_slice %arg6[%dma_wait3A_65, %dma_wait3A_66] : memref<128x16xf32, #tpu.memory_space<vmem>> -> memref<112x16xf32, #tpu.memory_space<vmem>>
      tpu.wait_dma2 semaphore(%run_scoped3A : memref<!tpu.dma_semaphore, #tpu.memory_space<semaphore_mem>>) src(%dma_wait3A_67 : memref<112x16xf32, #tpu.memory_space<vmem>>) dst(%dma_wait3A_64 : memref<112x16xf32, #tpu.memory_space<vmem_shared>>)
      tpu.yield
    }) : () -> ()
    %eq3A = arith.constant 15 : i32
    %eq3A_23 = arith.cmpi eq, %arg1, %eq3A : i32
    %convert_element_type3A = arith.extui %eq3A_23 : i1 to i32
    %cond3A = arith.constant 0 : i32
    %cond3A_24 = arith.cmpi ne, %convert_element_type3A, %cond3A : i32
    scf.if %cond3A_24 {
      "tpu.region"() ({
        %run_scoped3A = tpu.sem_alloc : memref<!tpu.dma_semaphore, #tpu.memory_space<semaphore_mem>>
        %dma_start3A_48 = arith.constant 0 : i32
        %dma_start3A_49 = arith.constant 0 : i32
        %dma_start3A_50 = tpu.memref_slice %arg6[%dma_start3A_48, %dma_start3A_49] : memref<128x16xf32, #tpu.memory_space<vmem>> -> memref<16x16xf32, #tpu.memory_space<vmem>>
        %dma_start3A_51 = arith.constant 9984 : i32
        %dma_start3A_52 = arith.constant 0 : i32
        %dma_start3A_53 = tpu.memref_slice %arg7[%dma_start3A_51, %dma_start3A_52] : memref<10000x16xf32, #tpu.memory_space<vmem_shared>> -> memref<16x16xf32, #tpu.memory_space<vmem_shared>>
        %dma_start3A_54 = arith.constant 9984 : i32
        %dma_start3A_55 = arith.constant 0 : i32
        %dma_start3A_56 = tpu.memref_slice %arg7[%dma_start3A_54, %dma_start3A_55] : memref<10000x16xf32, #tpu.memory_space<vmem_shared>> -> memref<16x16xf32, #tpu.memory_space<vmem_shared>>
        %dma_start3A_57 = arith.constant 0 : i32
        %dma_start3A_58 = arith.constant 0 : i32
        %dma_start3A_59 = tpu.memref_slice %arg6[%dma_start3A_57, %dma_start3A_58] : memref<128x16xf32, #tpu.memory_space<vmem>> -> memref<16x16xf32, #tpu.memory_space<vmem>>
        tpu.enqueue_dma source(%dma_start3A_59 : memref<16x16xf32, #tpu.memory_space<vmem>>) target(%dma_start3A_56 : memref<16x16xf32, #tpu.memory_space<vmem_shared>>) target_semaphore(%run_scoped3A : memref<!tpu.dma_semaphore, #tpu.memory_space<semaphore_mem>>)
        %dma_wait3A_60 = arith.constant 0 : i32
        %dma_wait3A_61 = arith.constant 0 : i32
        %dma_wait3A_62 = tpu.memref_slice %arg6[%dma_wait3A_60, %dma_wait3A_61] : memref<128x16xf32, #tpu.memory_space<vmem>> -> memref<16x16xf32, #tpu.memory_space<vmem>>
        %dma_wait3A_63 = arith.constant 9984 : i32
        %dma_wait3A_64 = arith.constant 0 : i32
        %dma_wait3A_65 = tpu.memref_slice %arg7[%dma_wait3A_63, %dma_wait3A_64] : memref<10000x16xf32, #tpu.memory_space<vmem_shared>> -> memref<16x16xf32, #tpu.memory_space<vmem_shared>>
        %dma_wait3A_66 = arith.constant 9984 : i32
        %dma_wait3A_67 = arith.constant 0 : i32
        %dma_wait3A_68 = tpu.memref_slice %arg7[%dma_wait3A_66, %dma_wait3A_67] : memref<10000x16xf32, #tpu.memory_space<vmem_shared>> -> memref<16x16xf32, #tpu.memory_space<vmem_shared>>
        %dma_wait3A_69 = arith.constant 0 : i32
        %dma_wait3A_70 = arith.constant 0 : i32
        %dma_wait3A_71 = tpu.memref_slice %arg6[%dma_wait3A_69, %dma_wait3A_70] : memref<128x16xf32, #tpu.memory_space<vmem>> -> memref<16x16xf32, #tpu.memory_space<vmem>>
        tpu.wait_dma2 semaphore(%run_scoped3A : memref<!tpu.dma_semaphore, #tpu.memory_space<semaphore_mem>>) src(%dma_wait3A_71 : memref<16x16xf32, #tpu.memory_space<vmem>>) dst(%dma_wait3A_68 : memref<16x16xf32, #tpu.memory_space<vmem_shared>>)
        tpu.yield
      }) : () -> ()
    } else {
    }
    %dma_wait3A = arith.constant 0 : i32
    %dma_wait3A_25 = tpu.memref_slice %arg2[%dma_wait3A, %multiple_of3A] : memref<2x320000xi32, #tpu.memory_space<hbm>> -> memref<2x9984xi32, #tpu.memory_space<hbm>>
    %dma_wait3A_26 = arith.constant 0 : i32
    %dma_wait3A_27 = tpu.memref_slice %arg2[%dma_wait3A_26, %multiple_of3A] : memref<2x320000xi32, #tpu.memory_space<hbm>> -> memref<2x9984xi32, #tpu.memory_space<hbm>>
    tpu.wait_dma2 semaphore(%arg9 : memref<!tpu.dma_semaphore, #tpu.memory_space<semaphore_mem>>) src(%dma_wait3A_27 : memref<2x9984xi32, #tpu.memory_space<hbm>>) dst(%arg4 : memref<2x9984xi32, #tpu.memory_space<vmem>>)
    %barrier3A = arith.constant 0 : index
    tpu.barrier barrier_id(%barrier3A)
    %scan3A_28 = arith.constant 0 : i32
    %scan3A_29 = arith.constant 78 : i32
    %scan3A_30 = arith.addi %scan3A_28, %scan3A_29 : i32
    %scan3A_31 = arith.constant 1 : i32
    scf.for %scan3A_48 = %scan3A_28 to %scan3A_30 step %scan3A_31  : i32 {
      %mul3A_49 = arith.constant 1 : i32
      %mul3A_50 = arith.muli %scan3A_48, %mul3A_49 : i32
      %add3A_51 = arith.constant 0 : i32
      %add3A_52 = arith.addi %add3A_51, %mul3A_50 : i32
      %mul3A_53 = arith.constant 128 : i32
      %mul3A_54 = arith.muli %add3A_52, %mul3A_53 : i32
      %multiple_of3A_55 = tpu.assume_multiple %mul3A_54, 128 : i32
      %dma_start3A_56 = arith.constant 1 : i32
      %dma_start3A_57 = tpu.memref_slice %arg4[%dma_start3A_56, %multiple_of3A_55] : memref<2x9984xi32, #tpu.memory_space<vmem>> -> memref<1x128xi32, #tpu.memory_space<vmem>>
      %dma_start3A_58 = tpu.memref_squeeze %dma_start3A_57 : memref<1x128xi32, #tpu.memory_space<vmem>> -> memref<128xi32, #tpu.memory_space<vmem>>
      %dma_start3A_59 = arith.constant 0 : i32
      %dma_start3A_60 = arith.constant 0 : i32
      %dma_start3A_61 = tpu.memref_slice %arg7[%dma_start3A_59, %dma_start3A_60] : memref<10000x16xf32, #tpu.memory_space<vmem_shared>> -> memref<10000x16xf32, #tpu.memory_space<vmem_shared>>
      tpu.enqueue_indirect_dma source(%arg6 : memref<128x16xf32, #tpu.memory_space<vmem>>) target(%dma_start3A_61 : memref<10000x16xf32, #tpu.memory_space<vmem_shared>>) offsets(%dma_start3A_58 : memref<128xi32, #tpu.memory_space<vmem>>) semaphore(%arg8 : memref<!tpu.dma_semaphore, #tpu.memory_space<semaphore_mem>>) {add = true}
    }
    %scan3A_32 = arith.constant 78 : i32
    %scan3A_33 = arith.constant 0 : i32
    %scan3A_34 = arith.constant 78 : i32
    %scan3A_35 = arith.addi %scan3A_33, %scan3A_34 : i32
    %scan3A_36 = arith.constant 1 : i32
    scf.for %scan3A_48 = %scan3A_33 to %scan3A_35 step %scan3A_36  : i32 {
      %mul3A_49 = arith.constant 1 : i32
      %mul3A_50 = arith.muli %scan3A_48, %mul3A_49 : i32
      %add3A_51 = arith.constant 0 : i32
      %add3A_52 = arith.addi %add3A_51, %mul3A_50 : i32
      %mul3A_53 = arith.constant 128 : i32
      %mul3A_54 = arith.muli %add3A_52, %mul3A_53 : i32
      %multiple_of3A_55 = tpu.assume_multiple %mul3A_54, 128 : i32
      %dma_wait3A_56 = arith.constant 1 : i32
      %dma_wait3A_57 = tpu.memref_slice %arg4[%dma_wait3A_56, %multiple_of3A_55] : memref<2x9984xi32, #tpu.memory_space<vmem>> -> memref<1x128xi32, #tpu.memory_space<vmem>>
      %dma_wait3A_58 = tpu.memref_squeeze %dma_wait3A_57 : memref<1x128xi32, #tpu.memory_space<vmem>> -> memref<128xi32, #tpu.memory_space<vmem>>
      %dma_wait3A_59 = arith.constant 0 : i32
      %dma_wait3A_60 = arith.constant 0 : i32
      %dma_wait3A_61 = tpu.memref_slice %arg7[%dma_wait3A_59, %dma_wait3A_60] : memref<10000x16xf32, #tpu.memory_space<vmem_shared>> -> memref<10000x16xf32, #tpu.memory_space<vmem_shared>>
      tpu.wait_indirect_dma semaphore(%arg8 : memref<!tpu.dma_semaphore, #tpu.memory_space<semaphore_mem>>) src(%arg6 : memref<128x16xf32, #tpu.memory_space<vmem>>) dst(%dma_wait3A_61 : memref<10000x16xf32, #tpu.memory_space<vmem_shared>>)
    }
    %scan3A_37 = arith.constant 78 : i32
    %lt3A = arith.constant 4 : i32
    %lt3A_38 = arith.cmpi slt, %add3A, %lt3A : i32
    %convert_element_type3A_39 = arith.extui %lt3A_38 : i1 to i32
    %cond3A_40 = arith.constant 0 : i32
    %cond3A_41 = arith.cmpi ne, %convert_element_type3A_39, %cond3A_40 : i32
    scf.if %cond3A_41 {
      %add3A_48 = arith.constant 2496 : i32
      %add3A_49 = arith.addi %add3A_48, %add3A : i32
      %mul3A_50 = arith.constant 128 : i32
      %mul3A_51 = arith.muli %add3A_49, %mul3A_50 : i32
      %multiple_of3A_52 = tpu.assume_multiple %mul3A_51, 128 : i32
      %run_scoped3A = arith.constant 1 : i32
      "tpu.region"() ({
        %run_scoped3A_53 = tpu.sem_alloc : memref<!tpu.dma_semaphore, #tpu.memory_space<semaphore_mem>>
        %dma_start3A_54 = tpu.memref_slice %arg2[%run_scoped3A, %multiple_of3A_52] : memref<2x320000xi32, #tpu.memory_space<hbm>> -> memref<1x128xi32, #tpu.memory_space<hbm>>
        %dma_start3A_55 = tpu.memref_squeeze %dma_start3A_54 : memref<1x128xi32, #tpu.memory_space<hbm>> -> memref<128xi32, #tpu.memory_space<hbm>>
        %dma_start3A_56 = tpu.memref_slice %arg2[%run_scoped3A, %multiple_of3A_52] : memref<2x320000xi32, #tpu.memory_space<hbm>> -> memref<1x128xi32, #tpu.memory_space<hbm>>
        %dma_start3A_57 = tpu.memref_squeeze %dma_start3A_56 : memref<1x128xi32, #tpu.memory_space<hbm>> -> memref<128xi32, #tpu.memory_space<hbm>>
        tpu.enqueue_dma source(%dma_start3A_57 : memref<128xi32, #tpu.memory_space<hbm>>) target(%arg5 : memref<128xi32, #tpu.memory_space<vmem>>) target_semaphore(%run_scoped3A_53 : memref<!tpu.dma_semaphore, #tpu.memory_space<semaphore_mem>>)
        %dma_wait3A_58 = tpu.memref_slice %arg2[%run_scoped3A, %multiple_of3A_52] : memref<2x320000xi32, #tpu.memory_space<hbm>> -> memref<1x128xi32, #tpu.memory_space<hbm>>
        %dma_wait3A_59 = tpu.memref_squeeze %dma_wait3A_58 : memref<1x128xi32, #tpu.memory_space<hbm>> -> memref<128xi32, #tpu.memory_space<hbm>>
        %dma_wait3A_60 = tpu.memref_slice %arg2[%run_scoped3A, %multiple_of3A_52] : memref<2x320000xi32, #tpu.memory_space<hbm>> -> memref<1x128xi32, #tpu.memory_space<hbm>>
        %dma_wait3A_61 = tpu.memref_squeeze %dma_wait3A_60 : memref<1x128xi32, #tpu.memory_space<hbm>> -> memref<128xi32, #tpu.memory_space<hbm>>
        tpu.wait_dma2 semaphore(%run_scoped3A_53 : memref<!tpu.dma_semaphore, #tpu.memory_space<semaphore_mem>>) src(%dma_wait3A_61 : memref<128xi32, #tpu.memory_space<hbm>>) dst(%arg5 : memref<128xi32, #tpu.memory_space<vmem>>)
        tpu.yield
      }) : () -> ()
      "tpu.region"() ({
        %run_scoped3A_53 = tpu.sem_alloc : memref<!tpu.dma_semaphore, #tpu.memory_space<semaphore_mem>>
        %dma_start3A_54 = arith.constant 0 : i32
        %dma_start3A_55 = arith.constant 0 : i32
        %dma_start3A_56 = tpu.memref_slice %arg7[%dma_start3A_54, %dma_start3A_55] : memref<10000x16xf32, #tpu.memory_space<vmem_shared>> -> memref<10000x16xf32, #tpu.memory_space<vmem_shared>>
        tpu.enqueue_indirect_dma source(%arg6 : memref<128x16xf32, #tpu.memory_space<vmem>>) target(%dma_start3A_56 : memref<10000x16xf32, #tpu.memory_space<vmem_shared>>) offsets(%arg5 : memref<128xi32, #tpu.memory_space<vmem>>) semaphore(%run_scoped3A_53 : memref<!tpu.dma_semaphore, #tpu.memory_space<semaphore_mem>>) {add = true}
        %dma_wait3A_57 = arith.constant 0 : i32
        %dma_wait3A_58 = arith.constant 0 : i32
        %dma_wait3A_59 = tpu.memref_slice %arg7[%dma_wait3A_57, %dma_wait3A_58] : memref<10000x16xf32, #tpu.memory_space<vmem_shared>> -> memref<10000x16xf32, #tpu.memory_space<vmem_shared>>
        tpu.wait_indirect_dma semaphore(%run_scoped3A_53 : memref<!tpu.dma_semaphore, #tpu.memory_space<semaphore_mem>>) src(%arg6 : memref<128x16xf32, #tpu.memory_space<vmem>>) dst(%dma_wait3A_59 : memref<10000x16xf32, #tpu.memory_space<vmem_shared>>)
        tpu.yield
      }) : () -> ()
    } else {
    }
    %barrier3A_42 = arith.constant 0 : index
    tpu.barrier barrier_id(%barrier3A_42)
    "tpu.region"() ({
      %run_scoped3A = tpu.sem_alloc : memref<!tpu.dma_semaphore, #tpu.memory_space<semaphore_mem>>
      %dma_start3A_48 = arith.constant 0 : i32
      %dma_start3A_49 = tpu.memref_slice %arg3[%arg0, %multiple_of3A_12, %dma_start3A_48] : memref<2x10000x16xf32, #tpu.memory_space<hbm>> -> memref<1x624x16xf32, #tpu.memory_space<hbm>>
      %dma_start3A_50 = tpu.memref_squeeze %dma_start3A_49 : memref<1x624x16xf32, #tpu.memory_space<hbm>> -> memref<624x16xf32, #tpu.memory_space<hbm>>
      %dma_start3A_51 = arith.constant 0 : i32
      %dma_start3A_52 = tpu.memref_slice %arg7[%multiple_of3A_12, %dma_start3A_51] : memref<10000x16xf32, #tpu.memory_space<vmem_shared>> -> memref<624x16xf32, #tpu.memory_space<vmem_shared>>
      tpu.enqueue_dma source(%dma_start3A_52 : memref<624x16xf32, #tpu.memory_space<vmem_shared>>) target(%dma_start3A_50 : memref<624x16xf32, #tpu.memory_space<hbm>>) target_semaphore(%run_scoped3A : memref<!tpu.dma_semaphore, #tpu.memory_space<semaphore_mem>>)
      %dma_wait3A_53 = arith.constant 0 : i32
      %dma_wait3A_54 = tpu.memref_slice %arg3[%arg0, %multiple_of3A_12, %dma_wait3A_53] : memref<2x10000x16xf32, #tpu.memory_space<hbm>> -> memref<1x624x16xf32, #tpu.memory_space<hbm>>
      %dma_wait3A_55 = tpu.memref_squeeze %dma_wait3A_54 : memref<1x624x16xf32, #tpu.memory_space<hbm>> -> memref<624x16xf32, #tpu.memory_space<hbm>>
      %dma_wait3A_56 = arith.constant 0 : i32
      %dma_wait3A_57 = tpu.memref_slice %arg7[%multiple_of3A_12, %dma_wait3A_56] : memref<10000x16xf32, #tpu.memory_space<vmem_shared>> -> memref<624x16xf32, #tpu.memory_space<vmem_shared>>
      tpu.wait_dma2 semaphore(%run_scoped3A : memref<!tpu.dma_semaphore, #tpu.memory_space<semaphore_mem>>) src(%dma_wait3A_57 : memref<624x16xf32, #tpu.memory_space<vmem_shared>>) dst(%dma_wait3A_55 : memref<624x16xf32, #tpu.memory_space<hbm>>)
      tpu.yield
    }) : () -> ()
    %eq3A_43 = arith.constant 15 : i32
    %eq3A_44 = arith.cmpi eq, %arg1, %eq3A_43 : i32
    %convert_element_type3A_45 = arith.extui %eq3A_44 : i1 to i32
    %cond3A_46 = arith.constant 0 : i32
    %cond3A_47 = arith.cmpi ne, %convert_element_type3A_45, %cond3A_46 : i32
    scf.if %cond3A_47 {
      "tpu.region"() ({
        %run_scoped3A = tpu.sem_alloc : memref<!tpu.dma_semaphore, #tpu.memory_space<semaphore_mem>>
        %dma_start3A_48 = arith.constant 9984 : i32
        %dma_start3A_49 = arith.constant 0 : i32
        %dma_start3A_50 = tpu.memref_slice %arg3[%arg0, %dma_start3A_48, %dma_start3A_49] : memref<2x10000x16xf32, #tpu.memory_space<hbm>> -> memref<1x16x16xf32, #tpu.memory_space<hbm>>
        %dma_start3A_51 = tpu.memref_squeeze %dma_start3A_50 : memref<1x16x16xf32, #tpu.memory_space<hbm>> -> memref<16x16xf32, #tpu.memory_space<hbm>>
        %dma_start3A_52 = arith.constant 9984 : i32
        %dma_start3A_53 = arith.constant 0 : i32
        %dma_start3A_54 = tpu.memref_slice %arg7[%dma_start3A_52, %dma_start3A_53] : memref<10000x16xf32, #tpu.memory_space<vmem_shared>> -> memref<16x16xf32, #tpu.memory_space<vmem_shared>>
        tpu.enqueue_dma source(%dma_start3A_54 : memref<16x16xf32, #tpu.memory_space<vmem_shared>>) target(%dma_start3A_51 : memref<16x16xf32, #tpu.memory_space<hbm>>) target_semaphore(%run_scoped3A : memref<!tpu.dma_semaphore, #tpu.memory_space<semaphore_mem>>)
        %dma_wait3A_55 = arith.constant 9984 : i32
        %dma_wait3A_56 = arith.constant 0 : i32
        %dma_wait3A_57 = tpu.memref_slice %arg3[%arg0, %dma_wait3A_55, %dma_wait3A_56] : memref<2x10000x16xf32, #tpu.memory_space<hbm>> -> memref<1x16x16xf32, #tpu.memory_space<hbm>>
        %dma_wait3A_58 = tpu.memref_squeeze %dma_wait3A_57 : memref<1x16x16xf32, #tpu.memory_space<hbm>> -> memref<16x16xf32, #tpu.memory_space<hbm>>
        %dma_wait3A_59 = arith.constant 9984 : i32
        %dma_wait3A_60 = arith.constant 0 : i32
        %dma_wait3A_61 = tpu.memref_slice %arg7[%dma_wait3A_59, %dma_wait3A_60] : memref<10000x16xf32, #tpu.memory_space<vmem_shared>> -> memref<16x16xf32, #tpu.memory_space<vmem_shared>>
        tpu.wait_dma2 semaphore(%run_scoped3A : memref<!tpu.dma_semaphore, #tpu.memory_space<semaphore_mem>>) src(%dma_wait3A_61 : memref<16x16xf32, #tpu.memory_space<vmem_shared>>) dst(%dma_wait3A_58 : memref<16x16xf32, #tpu.memory_space<hbm>>)
        tpu.yield
      }) : () -> ()
    } else {
    }
    return
  }
}

#map = affine_map<(d0, d1) -> (0, 0)>
#map1 = affine_map<(d0, d1) -> (0, 0, 0)>
module attributes {stable_mosaic.version = 14 : i64} {
  func.func @agg_kernel(%arg0: i32, %arg1: i32, %arg2: memref<10000x128xf32, #tpu.memory_space<hbm>>, %arg3: memref<2x320000xi32, #tpu.memory_space<hbm>>, %arg4: memref<2x10000x128xf32, #tpu.memory_space<hbm>>, %arg5: memref<2x5120xi32, #tpu.memory_space<vmem>>, %arg6: memref<128x128xf32, #tpu.memory_space<vmem>>, %arg7: memref<128x128xf32, #tpu.memory_space<vmem>>, %arg8: memref<128xi32, #tpu.memory_space<vmem>>, %arg9: memref<128xi32, #tpu.memory_space<vmem>>, %arg10: memref<10000x128xf32, #tpu.memory_space<vmem_shared>>, %arg11: memref<!tpu.dma_semaphore, #tpu.memory_space<semaphore_mem>>, %arg12: memref<!tpu.dma_semaphore, #tpu.memory_space<semaphore_mem>>, %arg13: memref<!tpu.dma_semaphore, #tpu.memory_space<semaphore_mem>>) attributes {dimension_semantics = [#tpu.dimension_semantics<core_parallel>, #tpu.dimension_semantics<subcore_parallel>], iteration_bounds = array<i64: 2, 16>, scalar_prefetch = 0 : i64, scratch_operands = 9 : i64, tpu.core_type = #tpu.core_type<sc_vector_subcore>, window_params = [{transform_indices = #map}, {transform_indices = #map}, {transform_indices = #map1}]} {
    %mul3A = arith.constant 2 : i32
    %mul3A_0 = arith.muli %arg1, %mul3A : i32
    %add3A = arith.addi %mul3A_0, %arg0 : i32
    %mul3A_1 = arith.constant 9984 : i32
    %mul3A_2 = arith.muli %add3A, %mul3A_1 : i32
    %multiple_of3A = tpu.assume_multiple %mul3A_2, 128 : i32
    %dma_start3A = arith.constant 0 : i32
    %dma_start3A_3 = tpu.memref_slice %arg3[%dma_start3A, %multiple_of3A] : memref<2x320000xi32, #tpu.memory_space<hbm>> -> memref<2x5120xi32, #tpu.memory_space<hbm>>
    %dma_start3A_4 = arith.constant 0 : i32
    %dma_start3A_5 = tpu.memref_slice %arg3[%dma_start3A_4, %multiple_of3A] : memref<2x320000xi32, #tpu.memory_space<hbm>> -> memref<2x5120xi32, #tpu.memory_space<hbm>>
    tpu.enqueue_dma source(%dma_start3A_5 : memref<2x5120xi32, #tpu.memory_space<hbm>>) target(%arg5 : memref<2x5120xi32, #tpu.memory_space<vmem>>) target_semaphore(%arg13 : memref<!tpu.dma_semaphore, #tpu.memory_space<semaphore_mem>>)
    %mul3A_6 = arith.constant 624 : i32
    %mul3A_7 = arith.muli %arg1, %mul3A_6 : i32
    %multiple_of3A_8 = tpu.assume_multiple %mul3A_7, 8 : i32
    %eq3A = arith.constant 0 : i32
    %eq3A_9 = arith.cmpi eq, %arg0, %eq3A : i32
    %convert_element_type3A = arith.extui %eq3A_9 : i1 to i32
    %cond3A = arith.constant 0 : i32
    %cond3A_10 = arith.cmpi ne, %convert_element_type3A, %cond3A : i32
    scf.if %cond3A_10 {
      "tpu.region"() ({
        %run_scoped3A_120 = tpu.sem_alloc : memref<!tpu.dma_semaphore, #tpu.memory_space<semaphore_mem>>
        %dma_start3A_121 = arith.constant 0 : i32
        %dma_start3A_122 = tpu.memref_slice %arg10[%multiple_of3A_8, %dma_start3A_121] : memref<10000x128xf32, #tpu.memory_space<vmem_shared>> -> memref<624x128xf32, #tpu.memory_space<vmem_shared>>
        %dma_start3A_123 = arith.constant 0 : i32
        %dma_start3A_124 = tpu.memref_slice %arg2[%multiple_of3A_8, %dma_start3A_123] : memref<10000x128xf32, #tpu.memory_space<hbm>> -> memref<624x128xf32, #tpu.memory_space<hbm>>
        tpu.enqueue_dma source(%dma_start3A_124 : memref<624x128xf32, #tpu.memory_space<hbm>>) target(%dma_start3A_122 : memref<624x128xf32, #tpu.memory_space<vmem_shared>>) target_semaphore(%run_scoped3A_120 : memref<!tpu.dma_semaphore, #tpu.memory_space<semaphore_mem>>)
        %dma_wait3A_125 = arith.constant 0 : i32
        %dma_wait3A_126 = tpu.memref_slice %arg10[%multiple_of3A_8, %dma_wait3A_125] : memref<10000x128xf32, #tpu.memory_space<vmem_shared>> -> memref<624x128xf32, #tpu.memory_space<vmem_shared>>
        %dma_wait3A_127 = arith.constant 0 : i32
        %dma_wait3A_128 = tpu.memref_slice %arg2[%multiple_of3A_8, %dma_wait3A_127] : memref<10000x128xf32, #tpu.memory_space<hbm>> -> memref<624x128xf32, #tpu.memory_space<hbm>>
        tpu.wait_dma2 semaphore(%run_scoped3A_120 : memref<!tpu.dma_semaphore, #tpu.memory_space<semaphore_mem>>) src(%dma_wait3A_128 : memref<624x128xf32, #tpu.memory_space<hbm>>) dst(%dma_wait3A_126 : memref<624x128xf32, #tpu.memory_space<vmem_shared>>)
        tpu.yield
      }) : () -> ()
      %eq3A_115 = arith.constant 15 : i32
      %eq3A_116 = arith.cmpi eq, %arg1, %eq3A_115 : i32
      %convert_element_type3A_117 = arith.extui %eq3A_116 : i1 to i32
      %cond3A_118 = arith.constant 0 : i32
      %cond3A_119 = arith.cmpi ne, %convert_element_type3A_117, %cond3A_118 : i32
      scf.if %cond3A_119 {
        "tpu.region"() ({
          %run_scoped3A_120 = tpu.sem_alloc : memref<!tpu.dma_semaphore, #tpu.memory_space<semaphore_mem>>
          %dma_start3A_121 = arith.constant 9984 : i32
          %dma_start3A_122 = arith.constant 0 : i32
          %dma_start3A_123 = tpu.memref_slice %arg10[%dma_start3A_121, %dma_start3A_122] : memref<10000x128xf32, #tpu.memory_space<vmem_shared>> -> memref<16x128xf32, #tpu.memory_space<vmem_shared>>
          %dma_start3A_124 = arith.constant 9984 : i32
          %dma_start3A_125 = arith.constant 0 : i32
          %dma_start3A_126 = tpu.memref_slice %arg2[%dma_start3A_124, %dma_start3A_125] : memref<10000x128xf32, #tpu.memory_space<hbm>> -> memref<16x128xf32, #tpu.memory_space<hbm>>
          tpu.enqueue_dma source(%dma_start3A_126 : memref<16x128xf32, #tpu.memory_space<hbm>>) target(%dma_start3A_123 : memref<16x128xf32, #tpu.memory_space<vmem_shared>>) target_semaphore(%run_scoped3A_120 : memref<!tpu.dma_semaphore, #tpu.memory_space<semaphore_mem>>)
          %dma_wait3A_127 = arith.constant 9984 : i32
          %dma_wait3A_128 = arith.constant 0 : i32
          %dma_wait3A_129 = tpu.memref_slice %arg10[%dma_wait3A_127, %dma_wait3A_128] : memref<10000x128xf32, #tpu.memory_space<vmem_shared>> -> memref<16x128xf32, #tpu.memory_space<vmem_shared>>
          %dma_wait3A_130 = arith.constant 9984 : i32
          %dma_wait3A_131 = arith.constant 0 : i32
          %dma_wait3A_132 = tpu.memref_slice %arg2[%dma_wait3A_130, %dma_wait3A_131] : memref<10000x128xf32, #tpu.memory_space<hbm>> -> memref<16x128xf32, #tpu.memory_space<hbm>>
          tpu.wait_dma2 semaphore(%run_scoped3A_120 : memref<!tpu.dma_semaphore, #tpu.memory_space<semaphore_mem>>) src(%dma_wait3A_132 : memref<16x128xf32, #tpu.memory_space<hbm>>) dst(%dma_wait3A_129 : memref<16x128xf32, #tpu.memory_space<vmem_shared>>)
          tpu.yield
        }) : () -> ()
      } else {
      }
    } else {
    }
    %eq3A_11 = arith.constant 1 : i32
    %eq3A_12 = arith.cmpi eq, %arg0, %eq3A_11 : i32
    %convert_element_type3A_13 = arith.extui %eq3A_12 : i1 to i32
    %cond3A_14 = arith.constant 0 : i32
    %cond3A_15 = arith.cmpi ne, %convert_element_type3A_13, %cond3A_14 : i32
    scf.if %cond3A_15 {
      %scan3A_115 = arith.constant 0 : i32
      %scan3A_116 = arith.constant 128 : i32
      %scan3A_117 = arith.addi %scan3A_115, %scan3A_116 : i32
      %scan3A_118 = arith.constant 1 : i32
      scf.for %scan3A_132 = %scan3A_115 to %scan3A_117 step %scan3A_118  : i32 {
        %mul3A_133 = arith.constant 1 : i32
        %mul3A_134 = arith.muli %scan3A_132, %mul3A_133 : i32
        %add3A_135 = arith.constant 0 : i32
        %add3A_136 = arith.addi %add3A_135, %mul3A_134 : i32
        %broadcast_in_dim3A = arith.constant 0.000000e+00 : f32
        %broadcast_in_dim3A_137 = vector.broadcast %broadcast_in_dim3A : f32 to vector<16xf32>
        %swap3A = arith.index_cast %add3A_136 : i32 to index
        %swap3A_138 = arith.constant 0 : index
        %swap3A_139 = tpu.vector_load %arg6[%swap3A, %swap3A_138] {strides = array<i32>} : memref<128x128xf32, #tpu.memory_space<vmem>>, vector<1x16xf32>,
        %swap3A_140 = vector.shape_cast %swap3A_139 : vector<1x16xf32> to vector<16xf32>
        %swap3A_141 = vector.shape_cast %broadcast_in_dim3A_137 : vector<16xf32> to vector<1x16xf32>
        tpu.vector_store %arg6[%swap3A, %swap3A_138], %swap3A_141 {strides = array<i32>} : memref<128x128xf32, #tpu.memory_space<vmem>>, vector<1x16xf32>,
        %broadcast_in_dim3A_142 = arith.constant 0.000000e+00 : f32
        %broadcast_in_dim3A_143 = vector.broadcast %broadcast_in_dim3A_142 : f32 to vector<16xf32>
        %swap3A_144 = arith.index_cast %add3A_136 : i32 to index
        %swap3A_145 = arith.constant 16 : index
        %swap3A_146 = tpu.vector_load %arg6[%swap3A_144, %swap3A_145] {strides = array<i32>} : memref<128x128xf32, #tpu.memory_space<vmem>>, vector<1x16xf32>,
        %swap3A_147 = vector.shape_cast %swap3A_146 : vector<1x16xf32> to vector<16xf32>
        %swap3A_148 = vector.shape_cast %broadcast_in_dim3A_143 : vector<16xf32> to vector<1x16xf32>
        tpu.vector_store %arg6[%swap3A_144, %swap3A_145], %swap3A_148 {strides = array<i32>} : memref<128x128xf32, #tpu.memory_space<vmem>>, vector<1x16xf32>,
        %broadcast_in_dim3A_149 = arith.constant 0.000000e+00 : f32
        %broadcast_in_dim3A_150 = vector.broadcast %broadcast_in_dim3A_149 : f32 to vector<16xf32>
        %swap3A_151 = arith.index_cast %add3A_136 : i32 to index
        %swap3A_152 = arith.constant 32 : index
        %swap3A_153 = tpu.vector_load %arg6[%swap3A_151, %swap3A_152] {strides = array<i32>} : memref<128x128xf32, #tpu.memory_space<vmem>>, vector<1x16xf32>,
        %swap3A_154 = vector.shape_cast %swap3A_153 : vector<1x16xf32> to vector<16xf32>
        %swap3A_155 = vector.shape_cast %broadcast_in_dim3A_150 : vector<16xf32> to vector<1x16xf32>
        tpu.vector_store %arg6[%swap3A_151, %swap3A_152], %swap3A_155 {strides = array<i32>} : memref<128x128xf32, #tpu.memory_space<vmem>>, vector<1x16xf32>,
        %broadcast_in_dim3A_156 = arith.constant 0.000000e+00 : f32
        %broadcast_in_dim3A_157 = vector.broadcast %broadcast_in_dim3A_156 : f32 to vector<16xf32>
        %swap3A_158 = arith.index_cast %add3A_136 : i32 to index
        %swap3A_159 = arith.constant 48 : index
        %swap3A_160 = tpu.vector_load %arg6[%swap3A_158, %swap3A_159] {strides = array<i32>} : memref<128x128xf32, #tpu.memory_space<vmem>>, vector<1x16xf32>,
        %swap3A_161 = vector.shape_cast %swap3A_160 : vector<1x16xf32> to vector<16xf32>
        %swap3A_162 = vector.shape_cast %broadcast_in_dim3A_157 : vector<16xf32> to vector<1x16xf32>
        tpu.vector_store %arg6[%swap3A_158, %swap3A_159], %swap3A_162 {strides = array<i32>} : memref<128x128xf32, #tpu.memory_space<vmem>>, vector<1x16xf32>,
        %broadcast_in_dim3A_163 = arith.constant 0.000000e+00 : f32
        %broadcast_in_dim3A_164 = vector.broadcast %broadcast_in_dim3A_163 : f32 to vector<16xf32>
        %swap3A_165 = arith.index_cast %add3A_136 : i32 to index
        %swap3A_166 = arith.constant 64 : index
        %swap3A_167 = tpu.vector_load %arg6[%swap3A_165, %swap3A_166] {strides = array<i32>} : memref<128x128xf32, #tpu.memory_space<vmem>>, vector<1x16xf32>,
        %swap3A_168 = vector.shape_cast %swap3A_167 : vector<1x16xf32> to vector<16xf32>
        %swap3A_169 = vector.shape_cast %broadcast_in_dim3A_164 : vector<16xf32> to vector<1x16xf32>
        tpu.vector_store %arg6[%swap3A_165, %swap3A_166], %swap3A_169 {strides = array<i32>} : memref<128x128xf32, #tpu.memory_space<vmem>>, vector<1x16xf32>,
        %broadcast_in_dim3A_170 = arith.constant 0.000000e+00 : f32
        %broadcast_in_dim3A_171 = vector.broadcast %broadcast_in_dim3A_170 : f32 to vector<16xf32>
        %swap3A_172 = arith.index_cast %add3A_136 : i32 to index
        %swap3A_173 = arith.constant 80 : index
        %swap3A_174 = tpu.vector_load %arg6[%swap3A_172, %swap3A_173] {strides = array<i32>} : memref<128x128xf32, #tpu.memory_space<vmem>>, vector<1x16xf32>,
        %swap3A_175 = vector.shape_cast %swap3A_174 : vector<1x16xf32> to vector<16xf32>
        %swap3A_176 = vector.shape_cast %broadcast_in_dim3A_171 : vector<16xf32> to vector<1x16xf32>
        tpu.vector_store %arg6[%swap3A_172, %swap3A_173], %swap3A_176 {strides = array<i32>} : memref<128x128xf32, #tpu.memory_space<vmem>>, vector<1x16xf32>,
        %broadcast_in_dim3A_177 = arith.constant 0.000000e+00 : f32
        %broadcast_in_dim3A_178 = vector.broadcast %broadcast_in_dim3A_177 : f32 to vector<16xf32>
        %swap3A_179 = arith.index_cast %add3A_136 : i32 to index
        %swap3A_180 = arith.constant 96 : index
        %swap3A_181 = tpu.vector_load %arg6[%swap3A_179, %swap3A_180] {strides = array<i32>} : memref<128x128xf32, #tpu.memory_space<vmem>>, vector<1x16xf32>,
        %swap3A_182 = vector.shape_cast %swap3A_181 : vector<1x16xf32> to vector<16xf32>
        %swap3A_183 = vector.shape_cast %broadcast_in_dim3A_178 : vector<16xf32> to vector<1x16xf32>
        tpu.vector_store %arg6[%swap3A_179, %swap3A_180], %swap3A_183 {strides = array<i32>} : memref<128x128xf32, #tpu.memory_space<vmem>>, vector<1x16xf32>,
        %broadcast_in_dim3A_184 = arith.constant 0.000000e+00 : f32
        %broadcast_in_dim3A_185 = vector.broadcast %broadcast_in_dim3A_184 : f32 to vector<16xf32>
        %swap3A_186 = arith.index_cast %add3A_136 : i32 to index
        %swap3A_187 = arith.constant 112 : index
        %swap3A_188 = tpu.vector_load %arg6[%swap3A_186, %swap3A_187] {strides = array<i32>} : memref<128x128xf32, #tpu.memory_space<vmem>>, vector<1x16xf32>,
        %swap3A_189 = vector.shape_cast %swap3A_188 : vector<1x16xf32> to vector<16xf32>
        %swap3A_190 = vector.shape_cast %broadcast_in_dim3A_185 : vector<16xf32> to vector<1x16xf32>
        tpu.vector_store %arg6[%swap3A_186, %swap3A_187], %swap3A_190 {strides = array<i32>} : memref<128x128xf32, #tpu.memory_space<vmem>>, vector<1x16xf32>,
      }
      %scan3A_119 = arith.constant 128 : i32
      %scan3A_120 = arith.constant 0 : i32
      %scan3A_121 = arith.constant 4 : i32
      %scan3A_122 = arith.addi %scan3A_120, %scan3A_121 : i32
      %scan3A_123 = arith.constant 1 : i32
      scf.for %scan3A_132 = %scan3A_120 to %scan3A_122 step %scan3A_123  : i32 {
        %mul3A_133 = arith.constant 1 : i32
        %mul3A_134 = arith.muli %scan3A_132, %mul3A_133 : i32
        %add3A_135 = arith.constant 0 : i32
        %add3A_136 = arith.addi %add3A_135, %mul3A_134 : i32
        %mul3A_137 = arith.constant 128 : i32
        %mul3A_138 = arith.muli %add3A_136, %mul3A_137 : i32
        %add3A_139 = arith.addi %multiple_of3A_8, %mul3A_138 : i32
        "tpu.region"() ({
          %run_scoped3A_140 = tpu.sem_alloc : memref<!tpu.dma_semaphore, #tpu.memory_space<semaphore_mem>>
          %dma_start3A_141 = arith.constant 0 : i32
          %dma_start3A_142 = tpu.memref_slice %arg10[%add3A_139, %dma_start3A_141] : memref<10000x128xf32, #tpu.memory_space<vmem_shared>> -> memref<128x128xf32, #tpu.memory_space<vmem_shared>>
          %dma_start3A_143 = arith.constant 0 : i32
          %dma_start3A_144 = tpu.memref_slice %arg10[%add3A_139, %dma_start3A_143] : memref<10000x128xf32, #tpu.memory_space<vmem_shared>> -> memref<128x128xf32, #tpu.memory_space<vmem_shared>>
          tpu.enqueue_dma source(%arg6 : memref<128x128xf32, #tpu.memory_space<vmem>>) target(%dma_start3A_144 : memref<128x128xf32, #tpu.memory_space<vmem_shared>>) target_semaphore(%run_scoped3A_140 : memref<!tpu.dma_semaphore, #tpu.memory_space<semaphore_mem>>)
          %dma_wait3A_145 = arith.constant 0 : i32
          %dma_wait3A_146 = tpu.memref_slice %arg10[%add3A_139, %dma_wait3A_145] : memref<10000x128xf32, #tpu.memory_space<vmem_shared>> -> memref<128x128xf32, #tpu.memory_space<vmem_shared>>
          %dma_wait3A_147 = arith.constant 0 : i32
          %dma_wait3A_148 = tpu.memref_slice %arg10[%add3A_139, %dma_wait3A_147] : memref<10000x128xf32, #tpu.memory_space<vmem_shared>> -> memref<128x128xf32, #tpu.memory_space<vmem_shared>>
          tpu.wait_dma2 semaphore(%run_scoped3A_140 : memref<!tpu.dma_semaphore, #tpu.memory_space<semaphore_mem>>) src(%arg6 : memref<128x128xf32, #tpu.memory_space<vmem>>) dst(%dma_wait3A_148 : memref<128x128xf32, #tpu.memory_space<vmem_shared>>)
          tpu.yield
        }) : () -> ()
      }
      %scan3A_124 = arith.constant 4 : i32
      %add3A_125 = arith.constant 512 : i32
      %add3A_126 = arith.addi %multiple_of3A_8, %add3A_125 : i32
      "tpu.region"() ({
        %run_scoped3A_132 = tpu.sem_alloc : memref<!tpu.dma_semaphore, #tpu.memory_space<semaphore_mem>>
        %dma_start3A_133 = arith.constant 0 : i32
        %dma_start3A_134 = arith.constant 0 : i32
        %dma_start3A_135 = tpu.memref_slice %arg6[%dma_start3A_133, %dma_start3A_134] : memref<128x128xf32, #tpu.memory_space<vmem>> -> memref<112x128xf32, #tpu.memory_space<vmem>>
        %dma_start3A_136 = arith.constant 0 : i32
        %dma_start3A_137 = tpu.memref_slice %arg10[%add3A_126, %dma_start3A_136] : memref<10000x128xf32, #tpu.memory_space<vmem_shared>> -> memref<112x128xf32, #tpu.memory_space<vmem_shared>>
        %dma_start3A_138 = arith.constant 0 : i32
        %dma_start3A_139 = tpu.memref_slice %arg10[%add3A_126, %dma_start3A_138] : memref<10000x128xf32, #tpu.memory_space<vmem_shared>> -> memref<112x128xf32, #tpu.memory_space<vmem_shared>>
        %dma_start3A_140 = arith.constant 0 : i32
        %dma_start3A_141 = arith.constant 0 : i32
        %dma_start3A_142 = tpu.memref_slice %arg6[%dma_start3A_140, %dma_start3A_141] : memref<128x128xf32, #tpu.memory_space<vmem>> -> memref<112x128xf32, #tpu.memory_space<vmem>>
        tpu.enqueue_dma source(%dma_start3A_142 : memref<112x128xf32, #tpu.memory_space<vmem>>) target(%dma_start3A_139 : memref<112x128xf32, #tpu.memory_space<vmem_shared>>) target_semaphore(%run_scoped3A_132 : memref<!tpu.dma_semaphore, #tpu.memory_space<semaphore_mem>>)
        %dma_wait3A_143 = arith.constant 0 : i32
        %dma_wait3A_144 = arith.constant 0 : i32
        %dma_wait3A_145 = tpu.memref_slice %arg6[%dma_wait3A_143, %dma_wait3A_144] : memref<128x128xf32, #tpu.memory_space<vmem>> -> memref<112x128xf32, #tpu.memory_space<vmem>>
        %dma_wait3A_146 = arith.constant 0 : i32
        %dma_wait3A_147 = tpu.memref_slice %arg10[%add3A_126, %dma_wait3A_146] : memref<10000x128xf32, #tpu.memory_space<vmem_shared>> -> memref<112x128xf32, #tpu.memory_space<vmem_shared>>
        %dma_wait3A_148 = arith.constant 0 : i32
        %dma_wait3A_149 = tpu.memref_slice %arg10[%add3A_126, %dma_wait3A_148] : memref<10000x128xf32, #tpu.memory_space<vmem_shared>> -> memref<112x128xf32, #tpu.memory_space<vmem_shared>>
        %dma_wait3A_150 = arith.constant 0 : i32
        %dma_wait3A_151 = arith.constant 0 : i32
        %dma_wait3A_152 = tpu.memref_slice %arg6[%dma_wait3A_150, %dma_wait3A_151] : memref<128x128xf32, #tpu.memory_space<vmem>> -> memref<112x128xf32, #tpu.memory_space<vmem>>
        tpu.wait_dma2 semaphore(%run_scoped3A_132 : memref<!tpu.dma_semaphore, #tpu.memory_space<semaphore_mem>>) src(%dma_wait3A_152 : memref<112x128xf32, #tpu.memory_space<vmem>>) dst(%dma_wait3A_149 : memref<112x128xf32, #tpu.memory_space<vmem_shared>>)
        tpu.yield
      }) : () -> ()
      %eq3A_127 = arith.constant 15 : i32
      %eq3A_128 = arith.cmpi eq, %arg1, %eq3A_127 : i32
      %convert_element_type3A_129 = arith.extui %eq3A_128 : i1 to i32
      %cond3A_130 = arith.constant 0 : i32
      %cond3A_131 = arith.cmpi ne, %convert_element_type3A_129, %cond3A_130 : i32
      scf.if %cond3A_131 {
        "tpu.region"() ({
          %run_scoped3A_132 = tpu.sem_alloc : memref<!tpu.dma_semaphore, #tpu.memory_space<semaphore_mem>>
          %dma_start3A_133 = arith.constant 0 : i32
          %dma_start3A_134 = arith.constant 0 : i32
          %dma_start3A_135 = tpu.memref_slice %arg6[%dma_start3A_133, %dma_start3A_134] : memref<128x128xf32, #tpu.memory_space<vmem>> -> memref<16x128xf32, #tpu.memory_space<vmem>>
          %dma_start3A_136 = arith.constant 9984 : i32
          %dma_start3A_137 = arith.constant 0 : i32
          %dma_start3A_138 = tpu.memref_slice %arg10[%dma_start3A_136, %dma_start3A_137] : memref<10000x128xf32, #tpu.memory_space<vmem_shared>> -> memref<16x128xf32, #tpu.memory_space<vmem_shared>>
          %dma_start3A_139 = arith.constant 9984 : i32
          %dma_start3A_140 = arith.constant 0 : i32
          %dma_start3A_141 = tpu.memref_slice %arg10[%dma_start3A_139, %dma_start3A_140] : memref<10000x128xf32, #tpu.memory_space<vmem_shared>> -> memref<16x128xf32, #tpu.memory_space<vmem_shared>>
          %dma_start3A_142 = arith.constant 0 : i32
          %dma_start3A_143 = arith.constant 0 : i32
          %dma_start3A_144 = tpu.memref_slice %arg6[%dma_start3A_142, %dma_start3A_143] : memref<128x128xf32, #tpu.memory_space<vmem>> -> memref<16x128xf32, #tpu.memory_space<vmem>>
          tpu.enqueue_dma source(%dma_start3A_144 : memref<16x128xf32, #tpu.memory_space<vmem>>) target(%dma_start3A_141 : memref<16x128xf32, #tpu.memory_space<vmem_shared>>) target_semaphore(%run_scoped3A_132 : memref<!tpu.dma_semaphore, #tpu.memory_space<semaphore_mem>>)
          %dma_wait3A_145 = arith.constant 0 : i32
          %dma_wait3A_146 = arith.constant 0 : i32
          %dma_wait3A_147 = tpu.memref_slice %arg6[%dma_wait3A_145, %dma_wait3A_146] : memref<128x128xf32, #tpu.memory_space<vmem>> -> memref<16x128xf32, #tpu.memory_space<vmem>>
          %dma_wait3A_148 = arith.constant 9984 : i32
          %dma_wait3A_149 = arith.constant 0 : i32
          %dma_wait3A_150 = tpu.memref_slice %arg10[%dma_wait3A_148, %dma_wait3A_149] : memref<10000x128xf32, #tpu.memory_space<vmem_shared>> -> memref<16x128xf32, #tpu.memory_space<vmem_shared>>
          %dma_wait3A_151 = arith.constant 9984 : i32
          %dma_wait3A_152 = arith.constant 0 : i32
          %dma_wait3A_153 = tpu.memref_slice %arg10[%dma_wait3A_151, %dma_wait3A_152] : memref<10000x128xf32, #tpu.memory_space<vmem_shared>> -> memref<16x128xf32, #tpu.memory_space<vmem_shared>>
          %dma_wait3A_154 = arith.constant 0 : i32
          %dma_wait3A_155 = arith.constant 0 : i32
          %dma_wait3A_156 = tpu.memref_slice %arg6[%dma_wait3A_154, %dma_wait3A_155] : memref<128x128xf32, #tpu.memory_space<vmem>> -> memref<16x128xf32, #tpu.memory_space<vmem>>
          tpu.wait_dma2 semaphore(%run_scoped3A_132 : memref<!tpu.dma_semaphore, #tpu.memory_space<semaphore_mem>>) src(%dma_wait3A_156 : memref<16x128xf32, #tpu.memory_space<vmem>>) dst(%dma_wait3A_153 : memref<16x128xf32, #tpu.memory_space<vmem_shared>>)
          tpu.yield
        }) : () -> ()
      } else {
      }
    } else {
    }
    %dma_wait3A = arith.constant 0 : i32
    %dma_wait3A_16 = tpu.memref_slice %arg3[%dma_wait3A, %multiple_of3A] : memref<2x320000xi32, #tpu.memory_space<hbm>> -> memref<2x5120xi32, #tpu.memory_space<hbm>>
    %dma_wait3A_17 = arith.constant 0 : i32
    %dma_wait3A_18 = tpu.memref_slice %arg3[%dma_wait3A_17, %multiple_of3A] : memref<2x320000xi32, #tpu.memory_space<hbm>> -> memref<2x5120xi32, #tpu.memory_space<hbm>>
    tpu.wait_dma2 semaphore(%arg13 : memref<!tpu.dma_semaphore, #tpu.memory_space<semaphore_mem>>) src(%dma_wait3A_18 : memref<2x5120xi32, #tpu.memory_space<hbm>>) dst(%arg5 : memref<2x5120xi32, #tpu.memory_space<vmem>>)
    %barrier3A = arith.constant 0 : index
    tpu.barrier barrier_id(%barrier3A)
    %multiple_of3A_19 = arith.constant 0 : i32
    %multiple_of3A_20 = tpu.assume_multiple %multiple_of3A_19, 128 : i32
    %dma_start3A_21 = arith.constant 0 : i32
    %dma_start3A_22 = tpu.memref_slice %arg5[%dma_start3A_21, %multiple_of3A_20] : memref<2x5120xi32, #tpu.memory_space<vmem>> -> memref<1x128xi32, #tpu.memory_space<vmem>>
    %dma_start3A_23 = tpu.memref_squeeze %dma_start3A_22 : memref<1x128xi32, #tpu.memory_space<vmem>> -> memref<128xi32, #tpu.memory_space<vmem>>
    %dma_start3A_24 = arith.constant 0 : i32
    %dma_start3A_25 = arith.constant 0 : i32
    %dma_start3A_26 = tpu.memref_slice %arg2[%dma_start3A_24, %dma_start3A_25] : memref<10000x128xf32, #tpu.memory_space<hbm>> -> memref<10000x128xf32, #tpu.memory_space<hbm>>
    tpu.enqueue_indirect_dma source(%dma_start3A_26 : memref<10000x128xf32, #tpu.memory_space<hbm>>) target(%arg6 : memref<128x128xf32, #tpu.memory_space<vmem>>) offsets(%dma_start3A_23 : memref<128xi32, #tpu.memory_space<vmem>>) semaphore(%arg11 : memref<!tpu.dma_semaphore, #tpu.memory_space<semaphore_mem>>)
    %scan3A = arith.constant 0 : i32
    %scan3A_27 = arith.constant 19 : i32
    %scan3A_28 = arith.addi %scan3A, %scan3A_27 : i32
    %scan3A_29 = arith.constant 1 : i32
    scf.for %scan3A_115 = %scan3A to %scan3A_28 step %scan3A_29  : i32 {
      %mul3A_116 = arith.constant 2 : i32
      %mul3A_117 = arith.muli %scan3A_115, %mul3A_116 : i32
      %add3A_118 = arith.constant 0 : i32
      %add3A_119 = arith.addi %add3A_118, %mul3A_117 : i32
      %add3A_120 = arith.constant 1 : i32
      %add3A_121 = arith.addi %add3A_119, %add3A_120 : i32
      %mul3A_122 = arith.constant 128 : i32
      %mul3A_123 = arith.muli %add3A_121, %mul3A_122 : i32
      %multiple_of3A_124 = tpu.assume_multiple %mul3A_123, 128 : i32
      %dma_start3A_125 = arith.constant 0 : i32
      %dma_start3A_126 = tpu.memref_slice %arg5[%dma_start3A_125, %multiple_of3A_124] : memref<2x5120xi32, #tpu.memory_space<vmem>> -> memref<1x128xi32, #tpu.memory_space<vmem>>
      %dma_start3A_127 = tpu.memref_squeeze %dma_start3A_126 : memref<1x128xi32, #tpu.memory_space<vmem>> -> memref<128xi32, #tpu.memory_space<vmem>>
      %dma_start3A_128 = arith.constant 0 : i32
      %dma_start3A_129 = arith.constant 0 : i32
      %dma_start3A_130 = tpu.memref_slice %arg2[%dma_start3A_128, %dma_start3A_129] : memref<10000x128xf32, #tpu.memory_space<hbm>> -> memref<10000x128xf32, #tpu.memory_space<hbm>>
      tpu.enqueue_indirect_dma source(%dma_start3A_130 : memref<10000x128xf32, #tpu.memory_space<hbm>>) target(%arg7 : memref<128x128xf32, #tpu.memory_space<vmem>>) offsets(%dma_start3A_127 : memref<128xi32, #tpu.memory_space<vmem>>) semaphore(%arg12 : memref<!tpu.dma_semaphore, #tpu.memory_space<semaphore_mem>>)
      %mul3A_131 = arith.constant 128 : i32
      %mul3A_132 = arith.muli %add3A_119, %mul3A_131 : i32
      %multiple_of3A_133 = tpu.assume_multiple %mul3A_132, 128 : i32
      %dma_wait3A_134 = arith.constant 0 : i32
      %dma_wait3A_135 = tpu.memref_slice %arg5[%dma_wait3A_134, %multiple_of3A_133] : memref<2x5120xi32, #tpu.memory_space<vmem>> -> memref<1x128xi32, #tpu.memory_space<vmem>>
      %dma_wait3A_136 = tpu.memref_squeeze %dma_wait3A_135 : memref<1x128xi32, #tpu.memory_space<vmem>> -> memref<128xi32, #tpu.memory_space<vmem>>
      %dma_wait3A_137 = arith.constant 0 : i32
      %dma_wait3A_138 = arith.constant 0 : i32
      %dma_wait3A_139 = tpu.memref_slice %arg2[%dma_wait3A_137, %dma_wait3A_138] : memref<10000x128xf32, #tpu.memory_space<hbm>> -> memref<10000x128xf32, #tpu.memory_space<hbm>>
      tpu.wait_indirect_dma semaphore(%arg11 : memref<!tpu.dma_semaphore, #tpu.memory_space<semaphore_mem>>) src(%dma_wait3A_139 : memref<10000x128xf32, #tpu.memory_space<hbm>>) dst(%arg6 : memref<128x128xf32, #tpu.memory_space<vmem>>)
      %mul3A_140 = arith.constant 128 : i32
      %mul3A_141 = arith.muli %add3A_119, %mul3A_140 : i32
      %multiple_of3A_142 = tpu.assume_multiple %mul3A_141, 128 : i32
      %run_scoped3A_143 = arith.constant 1 : i32
      "tpu.region"() ({
        %run_scoped3A_172 = tpu.sem_alloc : memref<!tpu.dma_semaphore, #tpu.memory_space<semaphore_mem>>
        %dma_start3A_173 = tpu.memref_slice %arg5[%run_scoped3A_143, %multiple_of3A_142] : memref<2x5120xi32, #tpu.memory_space<vmem>> -> memref<1x128xi32, #tpu.memory_space<vmem>>
        %dma_start3A_174 = tpu.memref_squeeze %dma_start3A_173 : memref<1x128xi32, #tpu.memory_space<vmem>> -> memref<128xi32, #tpu.memory_space<vmem>>
        %dma_start3A_175 = arith.constant 0 : i32
        %dma_start3A_176 = arith.constant 0 : i32
        %dma_start3A_177 = tpu.memref_slice %arg10[%dma_start3A_175, %dma_start3A_176] : memref<10000x128xf32, #tpu.memory_space<vmem_shared>> -> memref<10000x128xf32, #tpu.memory_space<vmem_shared>>
        tpu.enqueue_indirect_dma source(%arg6 : memref<128x128xf32, #tpu.memory_space<vmem>>) target(%dma_start3A_177 : memref<10000x128xf32, #tpu.memory_space<vmem_shared>>) offsets(%dma_start3A_174 : memref<128xi32, #tpu.memory_space<vmem>>) semaphore(%run_scoped3A_172 : memref<!tpu.dma_semaphore, #tpu.memory_space<semaphore_mem>>) {add = true}
        %dma_wait3A_178 = tpu.memref_slice %arg5[%run_scoped3A_143, %multiple_of3A_142] : memref<2x5120xi32, #tpu.memory_space<vmem>> -> memref<1x128xi32, #tpu.memory_space<vmem>>
        %dma_wait3A_179 = tpu.memref_squeeze %dma_wait3A_178 : memref<1x128xi32, #tpu.memory_space<vmem>> -> memref<128xi32, #tpu.memory_space<vmem>>
        %dma_wait3A_180 = arith.constant 0 : i32
        %dma_wait3A_181 = arith.constant 0 : i32
        %dma_wait3A_182 = tpu.memref_slice %arg10[%dma_wait3A_180, %dma_wait3A_181] : memref<10000x128xf32, #tpu.memory_space<vmem_shared>> -> memref<10000x128xf32, #tpu.memory_space<vmem_shared>>
        tpu.wait_indirect_dma semaphore(%run_scoped3A_172 : memref<!tpu.dma_semaphore, #tpu.memory_space<semaphore_mem>>) src(%arg6 : memref<128x128xf32, #tpu.memory_space<vmem>>) dst(%dma_wait3A_182 : memref<10000x128xf32, #tpu.memory_space<vmem_shared>>)
        tpu.yield
      }) : () -> ()
      %add3A_144 = arith.constant 2 : i32
      %add3A_145 = arith.addi %add3A_119, %add3A_144 : i32
      %mul3A_146 = arith.constant 128 : i32
      %mul3A_147 = arith.muli %add3A_145, %mul3A_146 : i32
      %multiple_of3A_148 = tpu.assume_multiple %mul3A_147, 128 : i32
      %dma_start3A_149 = arith.constant 0 : i32
      %dma_start3A_150 = tpu.memref_slice %arg5[%dma_start3A_149, %multiple_of3A_148] : memref<2x5120xi32, #tpu.memory_space<vmem>> -> memref<1x128xi32, #tpu.memory_space<vmem>>
      %dma_start3A_151 = tpu.memref_squeeze %dma_start3A_150 : memref<1x128xi32, #tpu.memory_space<vmem>> -> memref<128xi32, #tpu.memory_space<vmem>>
      %dma_start3A_152 = arith.constant 0 : i32
      %dma_start3A_153 = arith.constant 0 : i32
      %dma_start3A_154 = tpu.memref_slice %arg2[%dma_start3A_152, %dma_start3A_153] : memref<10000x128xf32, #tpu.memory_space<hbm>> -> memref<10000x128xf32, #tpu.memory_space<hbm>>
      tpu.enqueue_indirect_dma source(%dma_start3A_154 : memref<10000x128xf32, #tpu.memory_space<hbm>>) target(%arg6 : memref<128x128xf32, #tpu.memory_space<vmem>>) offsets(%dma_start3A_151 : memref<128xi32, #tpu.memory_space<vmem>>) semaphore(%arg11 : memref<!tpu.dma_semaphore, #tpu.memory_space<semaphore_mem>>)
      %add3A_155 = arith.constant 1 : i32
      %add3A_156 = arith.addi %add3A_119, %add3A_155 : i32
      %mul3A_157 = arith.constant 128 : i32
      %mul3A_158 = arith.muli %add3A_156, %mul3A_157 : i32
      %multiple_of3A_159 = tpu.assume_multiple %mul3A_158, 128 : i32
      %dma_wait3A_160 = arith.constant 0 : i32
      %dma_wait3A_161 = tpu.memref_slice %arg5[%dma_wait3A_160, %multiple_of3A_159] : memref<2x5120xi32, #tpu.memory_space<vmem>> -> memref<1x128xi32, #tpu.memory_space<vmem>>
      %dma_wait3A_162 = tpu.memref_squeeze %dma_wait3A_161 : memref<1x128xi32, #tpu.memory_space<vmem>> -> memref<128xi32, #tpu.memory_space<vmem>>
      %dma_wait3A_163 = arith.constant 0 : i32
      %dma_wait3A_164 = arith.constant 0 : i32
      %dma_wait3A_165 = tpu.memref_slice %arg2[%dma_wait3A_163, %dma_wait3A_164] : memref<10000x128xf32, #tpu.memory_space<hbm>> -> memref<10000x128xf32, #tpu.memory_space<hbm>>
      tpu.wait_indirect_dma semaphore(%arg12 : memref<!tpu.dma_semaphore, #tpu.memory_space<semaphore_mem>>) src(%dma_wait3A_165 : memref<10000x128xf32, #tpu.memory_space<hbm>>) dst(%arg7 : memref<128x128xf32, #tpu.memory_space<vmem>>)
      %add3A_166 = arith.constant 1 : i32
      %add3A_167 = arith.addi %add3A_119, %add3A_166 : i32
      %mul3A_168 = arith.constant 128 : i32
      %mul3A_169 = arith.muli %add3A_167, %mul3A_168 : i32
      %multiple_of3A_170 = tpu.assume_multiple %mul3A_169, 128 : i32
      %run_scoped3A_171 = arith.constant 1 : i32
      "tpu.region"() ({
        %run_scoped3A_172 = tpu.sem_alloc : memref<!tpu.dma_semaphore, #tpu.memory_space<semaphore_mem>>
        %dma_start3A_173 = tpu.memref_slice %arg5[%run_scoped3A_171, %multiple_of3A_170] : memref<2x5120xi32, #tpu.memory_space<vmem>> -> memref<1x128xi32, #tpu.memory_space<vmem>>
        %dma_start3A_174 = tpu.memref_squeeze %dma_start3A_173 : memref<1x128xi32, #tpu.memory_space<vmem>> -> memref<128xi32, #tpu.memory_space<vmem>>
        %dma_start3A_175 = arith.constant 0 : i32
        %dma_start3A_176 = arith.constant 0 : i32
        %dma_start3A_177 = tpu.memref_slice %arg10[%dma_start3A_175, %dma_start3A_176] : memref<10000x128xf32, #tpu.memory_space<vmem_shared>> -> memref<10000x128xf32, #tpu.memory_space<vmem_shared>>
        tpu.enqueue_indirect_dma source(%arg7 : memref<128x128xf32, #tpu.memory_space<vmem>>) target(%dma_start3A_177 : memref<10000x128xf32, #tpu.memory_space<vmem_shared>>) offsets(%dma_start3A_174 : memref<128xi32, #tpu.memory_space<vmem>>) semaphore(%run_scoped3A_172 : memref<!tpu.dma_semaphore, #tpu.memory_space<semaphore_mem>>) {add = true}
        %dma_wait3A_178 = tpu.memref_slice %arg5[%run_scoped3A_171, %multiple_of3A_170] : memref<2x5120xi32, #tpu.memory_space<vmem>> -> memref<1x128xi32, #tpu.memory_space<vmem>>
        %dma_wait3A_179 = tpu.memref_squeeze %dma_wait3A_178 : memref<1x128xi32, #tpu.memory_space<vmem>> -> memref<128xi32, #tpu.memory_space<vmem>>
        %dma_wait3A_180 = arith.constant 0 : i32
        %dma_wait3A_181 = arith.constant 0 : i32
        %dma_wait3A_182 = tpu.memref_slice %arg10[%dma_wait3A_180, %dma_wait3A_181] : memref<10000x128xf32, #tpu.memory_space<vmem_shared>> -> memref<10000x128xf32, #tpu.memory_space<vmem_shared>>
        tpu.wait_indirect_dma semaphore(%run_scoped3A_172 : memref<!tpu.dma_semaphore, #tpu.memory_space<semaphore_mem>>) src(%arg7 : memref<128x128xf32, #tpu.memory_space<vmem>>) dst(%dma_wait3A_182 : memref<10000x128xf32, #tpu.memory_space<vmem_shared>>)
        tpu.yield
      }) : () -> ()
    }
    %scan3A_30 = arith.constant 19 : i32
    %multiple_of3A_31 = arith.constant 4992 : i32
    %multiple_of3A_32 = tpu.assume_multiple %multiple_of3A_31, 128 : i32
    %dma_start3A_33 = arith.constant 0 : i32
    %dma_start3A_34 = tpu.memref_slice %arg5[%dma_start3A_33, %multiple_of3A_32] : memref<2x5120xi32, #tpu.memory_space<vmem>> -> memref<1x128xi32, #tpu.memory_space<vmem>>
    %dma_start3A_35 = tpu.memref_squeeze %dma_start3A_34 : memref<1x128xi32, #tpu.memory_space<vmem>> -> memref<128xi32, #tpu.memory_space<vmem>>
    %dma_start3A_36 = arith.constant 0 : i32
    %dma_start3A_37 = arith.constant 0 : i32
    %dma_start3A_38 = tpu.memref_slice %arg2[%dma_start3A_36, %dma_start3A_37] : memref<10000x128xf32, #tpu.memory_space<hbm>> -> memref<10000x128xf32, #tpu.memory_space<hbm>>
    tpu.enqueue_indirect_dma source(%dma_start3A_38 : memref<10000x128xf32, #tpu.memory_space<hbm>>) target(%arg7 : memref<128x128xf32, #tpu.memory_space<vmem>>) offsets(%dma_start3A_35 : memref<128xi32, #tpu.memory_space<vmem>>) semaphore(%arg12 : memref<!tpu.dma_semaphore, #tpu.memory_space<semaphore_mem>>)
    %multiple_of3A_39 = arith.constant 4864 : i32
    %multiple_of3A_40 = tpu.assume_multiple %multiple_of3A_39, 128 : i32
    %dma_wait3A_41 = arith.constant 0 : i32
    %dma_wait3A_42 = tpu.memref_slice %arg5[%dma_wait3A_41, %multiple_of3A_40] : memref<2x5120xi32, #tpu.memory_space<vmem>> -> memref<1x128xi32, #tpu.memory_space<vmem>>
    %dma_wait3A_43 = tpu.memref_squeeze %dma_wait3A_42 : memref<1x128xi32, #tpu.memory_space<vmem>> -> memref<128xi32, #tpu.memory_space<vmem>>
    %dma_wait3A_44 = arith.constant 0 : i32
    %dma_wait3A_45 = arith.constant 0 : i32
    %dma_wait3A_46 = tpu.memref_slice %arg2[%dma_wait3A_44, %dma_wait3A_45] : memref<10000x128xf32, #tpu.memory_space<hbm>> -> memref<10000x128xf32, #tpu.memory_space<hbm>>
    tpu.wait_indirect_dma semaphore(%arg11 : memref<!tpu.dma_semaphore, #tpu.memory_space<semaphore_mem>>) src(%dma_wait3A_46 : memref<10000x128xf32, #tpu.memory_space<hbm>>) dst(%arg6 : memref<128x128xf32, #tpu.memory_space<vmem>>)
    %multiple_of3A_47 = arith.constant 4864 : i32
    %multiple_of3A_48 = tpu.assume_multiple %multiple_of3A_47, 128 : i32
    %run_scoped3A = arith.constant 1 : i32
    "tpu.region"() ({
      %run_scoped3A_115 = tpu.sem_alloc : memref<!tpu.dma_semaphore, #tpu.memory_space<semaphore_mem>>
      %dma_start3A_116 = tpu.memref_slice %arg5[%run_scoped3A, %multiple_of3A_48] : memref<2x5120xi32, #tpu.memory_space<vmem>> -> memref<1x128xi32, #tpu.memory_space<vmem>>
      %dma_start3A_117 = tpu.memref_squeeze %dma_start3A_116 : memref<1x128xi32, #tpu.memory_space<vmem>> -> memref<128xi32, #tpu.memory_space<vmem>>
      %dma_start3A_118 = arith.constant 0 : i32
      %dma_start3A_119 = arith.constant 0 : i32
      %dma_start3A_120 = tpu.memref_slice %arg10[%dma_start3A_118, %dma_start3A_119] : memref<10000x128xf32, #tpu.memory_space<vmem_shared>> -> memref<10000x128xf32, #tpu.memory_space<vmem_shared>>
      tpu.enqueue_indirect_dma source(%arg6 : memref<128x128xf32, #tpu.memory_space<vmem>>) target(%dma_start3A_120 : memref<10000x128xf32, #tpu.memory_space<vmem_shared>>) offsets(%dma_start3A_117 : memref<128xi32, #tpu.memory_space<vmem>>) semaphore(%run_scoped3A_115 : memref<!tpu.dma_semaphore, #tpu.memory_space<semaphore_mem>>) {add = true}
      %dma_wait3A_121 = tpu.memref_slice %arg5[%run_scoped3A, %multiple_of3A_48] : memref<2x5120xi32, #tpu.memory_space<vmem>> -> memref<1x128xi32, #tpu.memory_space<vmem>>
      %dma_wait3A_122 = tpu.memref_squeeze %dma_wait3A_121 : memref<1x128xi32, #tpu.memory_space<vmem>> -> memref<128xi32, #tpu.memory_space<vmem>>
      %dma_wait3A_123 = arith.constant 0 : i32
      %dma_wait3A_124 = arith.constant 0 : i32
      %dma_wait3A_125 = tpu.memref_slice %arg10[%dma_wait3A_123, %dma_wait3A_124] : memref<10000x128xf32, #tpu.memory_space<vmem_shared>> -> memref<10000x128xf32, #tpu.memory_space<vmem_shared>>
      tpu.wait_indirect_dma semaphore(%run_scoped3A_115 : memref<!tpu.dma_semaphore, #tpu.memory_space<semaphore_mem>>) src(%arg6 : memref<128x128xf32, #tpu.memory_space<vmem>>) dst(%dma_wait3A_125 : memref<10000x128xf32, #tpu.memory_space<vmem_shared>>)
      tpu.yield
    }) : () -> ()
    %multiple_of3A_49 = arith.constant 4992 : i32
    %multiple_of3A_50 = tpu.assume_multiple %multiple_of3A_49, 128 : i32
    %dma_wait3A_51 = arith.constant 0 : i32
    %dma_wait3A_52 = tpu.memref_slice %arg5[%dma_wait3A_51, %multiple_of3A_50] : memref<2x5120xi32, #tpu.memory_space<vmem>> -> memref<1x128xi32, #tpu.memory_space<vmem>>
    %dma_wait3A_53 = tpu.memref_squeeze %dma_wait3A_52 : memref<1x128xi32, #tpu.memory_space<vmem>> -> memref<128xi32, #tpu.memory_space<vmem>>
    %dma_wait3A_54 = arith.constant 0 : i32
    %dma_wait3A_55 = arith.constant 0 : i32
    %dma_wait3A_56 = tpu.memref_slice %arg2[%dma_wait3A_54, %dma_wait3A_55] : memref<10000x128xf32, #tpu.memory_space<hbm>> -> memref<10000x128xf32, #tpu.memory_space<hbm>>
    tpu.wait_indirect_dma semaphore(%arg12 : memref<!tpu.dma_semaphore, #tpu.memory_space<semaphore_mem>>) src(%dma_wait3A_56 : memref<10000x128xf32, #tpu.memory_space<hbm>>) dst(%arg7 : memref<128x128xf32, #tpu.memory_space<vmem>>)
    %multiple_of3A_57 = arith.constant 4992 : i32
    %multiple_of3A_58 = tpu.assume_multiple %multiple_of3A_57, 128 : i32
    %run_scoped3A_59 = arith.constant 1 : i32
    "tpu.region"() ({
      %run_scoped3A_115 = tpu.sem_alloc : memref<!tpu.dma_semaphore, #tpu.memory_space<semaphore_mem>>
      %dma_start3A_116 = tpu.memref_slice %arg5[%run_scoped3A_59, %multiple_of3A_58] : memref<2x5120xi32, #tpu.memory_space<vmem>> -> memref<1x128xi32, #tpu.memory_space<vmem>>
      %dma_start3A_117 = tpu.memref_squeeze %dma_start3A_116 : memref<1x128xi32, #tpu.memory_space<vmem>> -> memref<128xi32, #tpu.memory_space<vmem>>
      %dma_start3A_118 = arith.constant 0 : i32
      %dma_start3A_119 = arith.constant 0 : i32
      %dma_start3A_120 = tpu.memref_slice %arg10[%dma_start3A_118, %dma_start3A_119] : memref<10000x128xf32, #tpu.memory_space<vmem_shared>> -> memref<10000x128xf32, #tpu.memory_space<vmem_shared>>
      tpu.enqueue_indirect_dma source(%arg7 : memref<128x128xf32, #tpu.memory_space<vmem>>) target(%dma_start3A_120 : memref<10000x128xf32, #tpu.memory_space<vmem_shared>>) offsets(%dma_start3A_117 : memref<128xi32, #tpu.memory_space<vmem>>) semaphore(%run_scoped3A_115 : memref<!tpu.dma_semaphore, #tpu.memory_space<semaphore_mem>>) {add = true}
      %dma_wait3A_121 = tpu.memref_slice %arg5[%run_scoped3A_59, %multiple_of3A_58] : memref<2x5120xi32, #tpu.memory_space<vmem>> -> memref<1x128xi32, #tpu.memory_space<vmem>>
      %dma_wait3A_122 = tpu.memref_squeeze %dma_wait3A_121 : memref<1x128xi32, #tpu.memory_space<vmem>> -> memref<128xi32, #tpu.memory_space<vmem>>
      %dma_wait3A_123 = arith.constant 0 : i32
      %dma_wait3A_124 = arith.constant 0 : i32
      %dma_wait3A_125 = tpu.memref_slice %arg10[%dma_wait3A_123, %dma_wait3A_124] : memref<10000x128xf32, #tpu.memory_space<vmem_shared>> -> memref<10000x128xf32, #tpu.memory_space<vmem_shared>>
      tpu.wait_indirect_dma semaphore(%run_scoped3A_115 : memref<!tpu.dma_semaphore, #tpu.memory_space<semaphore_mem>>) src(%arg7 : memref<128x128xf32, #tpu.memory_space<vmem>>) dst(%dma_wait3A_125 : memref<10000x128xf32, #tpu.memory_space<vmem_shared>>)
      tpu.yield
    }) : () -> ()
    %add3A_60 = arith.constant 5120 : i32
    %add3A_61 = arith.addi %multiple_of3A, %add3A_60 : i32
    "tpu.region"() ({
      %run_scoped3A_115 = tpu.sem_alloc : memref<!tpu.dma_semaphore, #tpu.memory_space<semaphore_mem>>
      %dma_start3A_116 = arith.constant 0 : i32
      %dma_start3A_117 = arith.constant 0 : i32
      %dma_start3A_118 = tpu.memref_slice %arg5[%dma_start3A_116, %dma_start3A_117] : memref<2x5120xi32, #tpu.memory_space<vmem>> -> memref<2x4864xi32, #tpu.memory_space<vmem>>
      %dma_start3A_119 = arith.constant 0 : i32
      %dma_start3A_120 = tpu.memref_slice %arg3[%dma_start3A_119, %add3A_61] : memref<2x320000xi32, #tpu.memory_space<hbm>> -> memref<2x4864xi32, #tpu.memory_space<hbm>>
      %dma_start3A_121 = arith.constant 0 : i32
      %dma_start3A_122 = arith.constant 0 : i32
      %dma_start3A_123 = tpu.memref_slice %arg5[%dma_start3A_121, %dma_start3A_122] : memref<2x5120xi32, #tpu.memory_space<vmem>> -> memref<2x4864xi32, #tpu.memory_space<vmem>>
      %dma_start3A_124 = arith.constant 0 : i32
      %dma_start3A_125 = tpu.memref_slice %arg3[%dma_start3A_124, %add3A_61] : memref<2x320000xi32, #tpu.memory_space<hbm>> -> memref<2x4864xi32, #tpu.memory_space<hbm>>
      tpu.enqueue_dma source(%dma_start3A_125 : memref<2x4864xi32, #tpu.memory_space<hbm>>) target(%dma_start3A_123 : memref<2x4864xi32, #tpu.memory_space<vmem>>) target_semaphore(%run_scoped3A_115 : memref<!tpu.dma_semaphore, #tpu.memory_space<semaphore_mem>>)
      %dma_wait3A_126 = arith.constant 0 : i32
      %dma_wait3A_127 = arith.constant 0 : i32
      %dma_wait3A_128 = tpu.memref_slice %arg5[%dma_wait3A_126, %dma_wait3A_127] : memref<2x5120xi32, #tpu.memory_space<vmem>> -> memref<2x4864xi32, #tpu.memory_space<vmem>>
      %dma_wait3A_129 = arith.constant 0 : i32
      %dma_wait3A_130 = tpu.memref_slice %arg3[%dma_wait3A_129, %add3A_61] : memref<2x320000xi32, #tpu.memory_space<hbm>> -> memref<2x4864xi32, #tpu.memory_space<hbm>>
      %dma_wait3A_131 = arith.constant 0 : i32
      %dma_wait3A_132 = arith.constant 0 : i32
      %dma_wait3A_133 = tpu.memref_slice %arg5[%dma_wait3A_131, %dma_wait3A_132] : memref<2x5120xi32, #tpu.memory_space<vmem>> -> memref<2x4864xi32, #tpu.memory_space<vmem>>
      %dma_wait3A_134 = arith.constant 0 : i32
      %dma_wait3A_135 = tpu.memref_slice %arg3[%dma_wait3A_134, %add3A_61] : memref<2x320000xi32, #tpu.memory_space<hbm>> -> memref<2x4864xi32, #tpu.memory_space<hbm>>
      tpu.wait_dma2 semaphore(%run_scoped3A_115 : memref<!tpu.dma_semaphore, #tpu.memory_space<semaphore_mem>>) src(%dma_wait3A_135 : memref<2x4864xi32, #tpu.memory_space<hbm>>) dst(%dma_wait3A_133 : memref<2x4864xi32, #tpu.memory_space<vmem>>)
      tpu.yield
    }) : () -> ()
    %multiple_of3A_62 = arith.constant 0 : i32
    %multiple_of3A_63 = tpu.assume_multiple %multiple_of3A_62, 128 : i32
    %dma_start3A_64 = arith.constant 0 : i32
    %dma_start3A_65 = tpu.memref_slice %arg5[%dma_start3A_64, %multiple_of3A_63] : memref<2x5120xi32, #tpu.memory_space<vmem>> -> memref<1x128xi32, #tpu.memory_space<vmem>>
    %dma_start3A_66 = tpu.memref_squeeze %dma_start3A_65 : memref<1x128xi32, #tpu.memory_space<vmem>> -> memref<128xi32, #tpu.memory_space<vmem>>
    %dma_start3A_67 = arith.constant 0 : i32
    %dma_start3A_68 = arith.constant 0 : i32
    %dma_start3A_69 = tpu.memref_slice %arg2[%dma_start3A_67, %dma_start3A_68] : memref<10000x128xf32, #tpu.memory_space<hbm>> -> memref<10000x128xf32, #tpu.memory_space<hbm>>
    tpu.enqueue_indirect_dma source(%dma_start3A_69 : memref<10000x128xf32, #tpu.memory_space<hbm>>) target(%arg6 : memref<128x128xf32, #tpu.memory_space<vmem>>) offsets(%dma_start3A_66 : memref<128xi32, #tpu.memory_space<vmem>>) semaphore(%arg11 : memref<!tpu.dma_semaphore, #tpu.memory_space<semaphore_mem>>)
    %scan3A_70 = arith.constant 0 : i32
    %scan3A_71 = arith.constant 18 : i32
    %scan3A_72 = arith.addi %scan3A_70, %scan3A_71 : i32
    %scan3A_73 = arith.constant 1 : i32
    scf.for %scan3A_115 = %scan3A_70 to %scan3A_72 step %scan3A_73  : i32 {
      %mul3A_116 = arith.constant 2 : i32
      %mul3A_117 = arith.muli %scan3A_115, %mul3A_116 : i32
      %add3A_118 = arith.constant 0 : i32
      %add3A_119 = arith.addi %add3A_118, %mul3A_117 : i32
      %add3A_120 = arith.constant 1 : i32
      %add3A_121 = arith.addi %add3A_119, %add3A_120 : i32
      %mul3A_122 = arith.constant 128 : i32
      %mul3A_123 = arith.muli %add3A_121, %mul3A_122 : i32
      %multiple_of3A_124 = tpu.assume_multiple %mul3A_123, 128 : i32
      %dma_start3A_125 = arith.constant 0 : i32
      %dma_start3A_126 = tpu.memref_slice %arg5[%dma_start3A_125, %multiple_of3A_124] : memref<2x5120xi32, #tpu.memory_space<vmem>> -> memref<1x128xi32, #tpu.memory_space<vmem>>
      %dma_start3A_127 = tpu.memref_squeeze %dma_start3A_126 : memref<1x128xi32, #tpu.memory_space<vmem>> -> memref<128xi32, #tpu.memory_space<vmem>>
      %dma_start3A_128 = arith.constant 0 : i32
      %dma_start3A_129 = arith.constant 0 : i32
      %dma_start3A_130 = tpu.memref_slice %arg2[%dma_start3A_128, %dma_start3A_129] : memref<10000x128xf32, #tpu.memory_space<hbm>> -> memref<10000x128xf32, #tpu.memory_space<hbm>>
      tpu.enqueue_indirect_dma source(%dma_start3A_130 : memref<10000x128xf32, #tpu.memory_space<hbm>>) target(%arg7 : memref<128x128xf32, #tpu.memory_space<vmem>>) offsets(%dma_start3A_127 : memref<128xi32, #tpu.memory_space<vmem>>) semaphore(%arg12 : memref<!tpu.dma_semaphore, #tpu.memory_space<semaphore_mem>>)
      %mul3A_131 = arith.constant 128 : i32
      %mul3A_132 = arith.muli %add3A_119, %mul3A_131 : i32
      %multiple_of3A_133 = tpu.assume_multiple %mul3A_132, 128 : i32
      %dma_wait3A_134 = arith.constant 0 : i32
      %dma_wait3A_135 = tpu.memref_slice %arg5[%dma_wait3A_134, %multiple_of3A_133] : memref<2x5120xi32, #tpu.memory_space<vmem>> -> memref<1x128xi32, #tpu.memory_space<vmem>>
      %dma_wait3A_136 = tpu.memref_squeeze %dma_wait3A_135 : memref<1x128xi32, #tpu.memory_space<vmem>> -> memref<128xi32, #tpu.memory_space<vmem>>
      %dma_wait3A_137 = arith.constant 0 : i32
      %dma_wait3A_138 = arith.constant 0 : i32
      %dma_wait3A_139 = tpu.memref_slice %arg2[%dma_wait3A_137, %dma_wait3A_138] : memref<10000x128xf32, #tpu.memory_space<hbm>> -> memref<10000x128xf32, #tpu.memory_space<hbm>>
      tpu.wait_indirect_dma semaphore(%arg11 : memref<!tpu.dma_semaphore, #tpu.memory_space<semaphore_mem>>) src(%dma_wait3A_139 : memref<10000x128xf32, #tpu.memory_space<hbm>>) dst(%arg6 : memref<128x128xf32, #tpu.memory_space<vmem>>)
      %mul3A_140 = arith.constant 128 : i32
      %mul3A_141 = arith.muli %add3A_119, %mul3A_140 : i32
      %multiple_of3A_142 = tpu.assume_multiple %mul3A_141, 128 : i32
      %run_scoped3A_143 = arith.constant 1 : i32
      "tpu.region"() ({
        %run_scoped3A_172 = tpu.sem_alloc : memref<!tpu.dma_semaphore, #tpu.memory_space<semaphore_mem>>
        %dma_start3A_173 = tpu.memref_slice %arg5[%run_scoped3A_143, %multiple_of3A_142] : memref<2x5120xi32, #tpu.memory_space<vmem>> -> memref<1x128xi32, #tpu.memory_space<vmem>>
        %dma_start3A_174 = tpu.memref_squeeze %dma_start3A_173 : memref<1x128xi32, #tpu.memory_space<vmem>> -> memref<128xi32, #tpu.memory_space<vmem>>
        %dma_start3A_175 = arith.constant 0 : i32
        %dma_start3A_176 = arith.constant 0 : i32
        %dma_start3A_177 = tpu.memref_slice %arg10[%dma_start3A_175, %dma_start3A_176] : memref<10000x128xf32, #tpu.memory_space<vmem_shared>> -> memref<10000x128xf32, #tpu.memory_space<vmem_shared>>
        tpu.enqueue_indirect_dma source(%arg6 : memref<128x128xf32, #tpu.memory_space<vmem>>) target(%dma_start3A_177 : memref<10000x128xf32, #tpu.memory_space<vmem_shared>>) offsets(%dma_start3A_174 : memref<128xi32, #tpu.memory_space<vmem>>) semaphore(%run_scoped3A_172 : memref<!tpu.dma_semaphore, #tpu.memory_space<semaphore_mem>>) {add = true}
        %dma_wait3A_178 = tpu.memref_slice %arg5[%run_scoped3A_143, %multiple_of3A_142] : memref<2x5120xi32, #tpu.memory_space<vmem>> -> memref<1x128xi32, #tpu.memory_space<vmem>>
        %dma_wait3A_179 = tpu.memref_squeeze %dma_wait3A_178 : memref<1x128xi32, #tpu.memory_space<vmem>> -> memref<128xi32, #tpu.memory_space<vmem>>
        %dma_wait3A_180 = arith.constant 0 : i32
        %dma_wait3A_181 = arith.constant 0 : i32
        %dma_wait3A_182 = tpu.memref_slice %arg10[%dma_wait3A_180, %dma_wait3A_181] : memref<10000x128xf32, #tpu.memory_space<vmem_shared>> -> memref<10000x128xf32, #tpu.memory_space<vmem_shared>>
        tpu.wait_indirect_dma semaphore(%run_scoped3A_172 : memref<!tpu.dma_semaphore, #tpu.memory_space<semaphore_mem>>) src(%arg6 : memref<128x128xf32, #tpu.memory_space<vmem>>) dst(%dma_wait3A_182 : memref<10000x128xf32, #tpu.memory_space<vmem_shared>>)
        tpu.yield
      }) : () -> ()
      %add3A_144 = arith.constant 2 : i32
      %add3A_145 = arith.addi %add3A_119, %add3A_144 : i32
      %mul3A_146 = arith.constant 128 : i32
      %mul3A_147 = arith.muli %add3A_145, %mul3A_146 : i32
      %multiple_of3A_148 = tpu.assume_multiple %mul3A_147, 128 : i32
      %dma_start3A_149 = arith.constant 0 : i32
      %dma_start3A_150 = tpu.memref_slice %arg5[%dma_start3A_149, %multiple_of3A_148] : memref<2x5120xi32, #tpu.memory_space<vmem>> -> memref<1x128xi32, #tpu.memory_space<vmem>>
      %dma_start3A_151 = tpu.memref_squeeze %dma_start3A_150 : memref<1x128xi32, #tpu.memory_space<vmem>> -> memref<128xi32, #tpu.memory_space<vmem>>
      %dma_start3A_152 = arith.constant 0 : i32
      %dma_start3A_153 = arith.constant 0 : i32
      %dma_start3A_154 = tpu.memref_slice %arg2[%dma_start3A_152, %dma_start3A_153] : memref<10000x128xf32, #tpu.memory_space<hbm>> -> memref<10000x128xf32, #tpu.memory_space<hbm>>
      tpu.enqueue_indirect_dma source(%dma_start3A_154 : memref<10000x128xf32, #tpu.memory_space<hbm>>) target(%arg6 : memref<128x128xf32, #tpu.memory_space<vmem>>) offsets(%dma_start3A_151 : memref<128xi32, #tpu.memory_space<vmem>>) semaphore(%arg11 : memref<!tpu.dma_semaphore, #tpu.memory_space<semaphore_mem>>)
      %add3A_155 = arith.constant 1 : i32
      %add3A_156 = arith.addi %add3A_119, %add3A_155 : i32
      %mul3A_157 = arith.constant 128 : i32
      %mul3A_158 = arith.muli %add3A_156, %mul3A_157 : i32
      %multiple_of3A_159 = tpu.assume_multiple %mul3A_158, 128 : i32
      %dma_wait3A_160 = arith.constant 0 : i32
      %dma_wait3A_161 = tpu.memref_slice %arg5[%dma_wait3A_160, %multiple_of3A_159] : memref<2x5120xi32, #tpu.memory_space<vmem>> -> memref<1x128xi32, #tpu.memory_space<vmem>>
      %dma_wait3A_162 = tpu.memref_squeeze %dma_wait3A_161 : memref<1x128xi32, #tpu.memory_space<vmem>> -> memref<128xi32, #tpu.memory_space<vmem>>
      %dma_wait3A_163 = arith.constant 0 : i32
      %dma_wait3A_164 = arith.constant 0 : i32
      %dma_wait3A_165 = tpu.memref_slice %arg2[%dma_wait3A_163, %dma_wait3A_164] : memref<10000x128xf32, #tpu.memory_space<hbm>> -> memref<10000x128xf32, #tpu.memory_space<hbm>>
      tpu.wait_indirect_dma semaphore(%arg12 : memref<!tpu.dma_semaphore, #tpu.memory_space<semaphore_mem>>) src(%dma_wait3A_165 : memref<10000x128xf32, #tpu.memory_space<hbm>>) dst(%arg7 : memref<128x128xf32, #tpu.memory_space<vmem>>)
      %add3A_166 = arith.constant 1 : i32
      %add3A_167 = arith.addi %add3A_119, %add3A_166 : i32
      %mul3A_168 = arith.constant 128 : i32
      %mul3A_169 = arith.muli %add3A_167, %mul3A_168 : i32
      %multiple_of3A_170 = tpu.assume_multiple %mul3A_169, 128 : i32
      %run_scoped3A_171 = arith.constant 1 : i32
      "tpu.region"() ({
        %run_scoped3A_172 = tpu.sem_alloc : memref<!tpu.dma_semaphore, #tpu.memory_space<semaphore_mem>>
        %dma_start3A_173 = tpu.memref_slice %arg5[%run_scoped3A_171, %multiple_of3A_170] : memref<2x5120xi32, #tpu.memory_space<vmem>> -> memref<1x128xi32, #tpu.memory_space<vmem>>
        %dma_start3A_174 = tpu.memref_squeeze %dma_start3A_173 : memref<1x128xi32, #tpu.memory_space<vmem>> -> memref<128xi32, #tpu.memory_space<vmem>>
        %dma_start3A_175 = arith.constant 0 : i32
        %dma_start3A_176 = arith.constant 0 : i32
        %dma_start3A_177 = tpu.memref_slice %arg10[%dma_start3A_175, %dma_start3A_176] : memref<10000x128xf32, #tpu.memory_space<vmem_shared>> -> memref<10000x128xf32, #tpu.memory_space<vmem_shared>>
        tpu.enqueue_indirect_dma source(%arg7 : memref<128x128xf32, #tpu.memory_space<vmem>>) target(%dma_start3A_177 : memref<10000x128xf32, #tpu.memory_space<vmem_shared>>) offsets(%dma_start3A_174 : memref<128xi32, #tpu.memory_space<vmem>>) semaphore(%run_scoped3A_172 : memref<!tpu.dma_semaphore, #tpu.memory_space<semaphore_mem>>) {add = true}
        %dma_wait3A_178 = tpu.memref_slice %arg5[%run_scoped3A_171, %multiple_of3A_170] : memref<2x5120xi32, #tpu.memory_space<vmem>> -> memref<1x128xi32, #tpu.memory_space<vmem>>
        %dma_wait3A_179 = tpu.memref_squeeze %dma_wait3A_178 : memref<1x128xi32, #tpu.memory_space<vmem>> -> memref<128xi32, #tpu.memory_space<vmem>>
        %dma_wait3A_180 = arith.constant 0 : i32
        %dma_wait3A_181 = arith.constant 0 : i32
        %dma_wait3A_182 = tpu.memref_slice %arg10[%dma_wait3A_180, %dma_wait3A_181] : memref<10000x128xf32, #tpu.memory_space<vmem_shared>> -> memref<10000x128xf32, #tpu.memory_space<vmem_shared>>
        tpu.wait_indirect_dma semaphore(%run_scoped3A_172 : memref<!tpu.dma_semaphore, #tpu.memory_space<semaphore_mem>>) src(%arg7 : memref<128x128xf32, #tpu.memory_space<vmem>>) dst(%dma_wait3A_182 : memref<10000x128xf32, #tpu.memory_space<vmem_shared>>)
        tpu.yield
      }) : () -> ()
    }
    %scan3A_74 = arith.constant 18 : i32
    %multiple_of3A_75 = arith.constant 4736 : i32
    %multiple_of3A_76 = tpu.assume_multiple %multiple_of3A_75, 128 : i32
    %dma_start3A_77 = arith.constant 0 : i32
    %dma_start3A_78 = tpu.memref_slice %arg5[%dma_start3A_77, %multiple_of3A_76] : memref<2x5120xi32, #tpu.memory_space<vmem>> -> memref<1x128xi32, #tpu.memory_space<vmem>>
    %dma_start3A_79 = tpu.memref_squeeze %dma_start3A_78 : memref<1x128xi32, #tpu.memory_space<vmem>> -> memref<128xi32, #tpu.memory_space<vmem>>
    %dma_start3A_80 = arith.constant 0 : i32
    %dma_start3A_81 = arith.constant 0 : i32
    %dma_start3A_82 = tpu.memref_slice %arg2[%dma_start3A_80, %dma_start3A_81] : memref<10000x128xf32, #tpu.memory_space<hbm>> -> memref<10000x128xf32, #tpu.memory_space<hbm>>
    tpu.enqueue_indirect_dma source(%dma_start3A_82 : memref<10000x128xf32, #tpu.memory_space<hbm>>) target(%arg7 : memref<128x128xf32, #tpu.memory_space<vmem>>) offsets(%dma_start3A_79 : memref<128xi32, #tpu.memory_space<vmem>>) semaphore(%arg12 : memref<!tpu.dma_semaphore, #tpu.memory_space<semaphore_mem>>)
    %multiple_of3A_83 = arith.constant 4608 : i32
    %multiple_of3A_84 = tpu.assume_multiple %multiple_of3A_83, 128 : i32
    %dma_wait3A_85 = arith.constant 0 : i32
    %dma_wait3A_86 = tpu.memref_slice %arg5[%dma_wait3A_85, %multiple_of3A_84] : memref<2x5120xi32, #tpu.memory_space<vmem>> -> memref<1x128xi32, #tpu.memory_space<vmem>>
    %dma_wait3A_87 = tpu.memref_squeeze %dma_wait3A_86 : memref<1x128xi32, #tpu.memory_space<vmem>> -> memref<128xi32, #tpu.memory_space<vmem>>
    %dma_wait3A_88 = arith.constant 0 : i32
    %dma_wait3A_89 = arith.constant 0 : i32
    %dma_wait3A_90 = tpu.memref_slice %arg2[%dma_wait3A_88, %dma_wait3A_89] : memref<10000x128xf32, #tpu.memory_space<hbm>> -> memref<10000x128xf32, #tpu.memory_space<hbm>>
    tpu.wait_indirect_dma semaphore(%arg11 : memref<!tpu.dma_semaphore, #tpu.memory_space<semaphore_mem>>) src(%dma_wait3A_90 : memref<10000x128xf32, #tpu.memory_space<hbm>>) dst(%arg6 : memref<128x128xf32, #tpu.memory_space<vmem>>)
    %multiple_of3A_91 = arith.constant 4608 : i32
    %multiple_of3A_92 = tpu.assume_multiple %multiple_of3A_91, 128 : i32
    %run_scoped3A_93 = arith.constant 1 : i32
    "tpu.region"() ({
      %run_scoped3A_115 = tpu.sem_alloc : memref<!tpu.dma_semaphore, #tpu.memory_space<semaphore_mem>>
      %dma_start3A_116 = tpu.memref_slice %arg5[%run_scoped3A_93, %multiple_of3A_92] : memref<2x5120xi32, #tpu.memory_space<vmem>> -> memref<1x128xi32, #tpu.memory_space<vmem>>
      %dma_start3A_117 = tpu.memref_squeeze %dma_start3A_116 : memref<1x128xi32, #tpu.memory_space<vmem>> -> memref<128xi32, #tpu.memory_space<vmem>>
      %dma_start3A_118 = arith.constant 0 : i32
      %dma_start3A_119 = arith.constant 0 : i32
      %dma_start3A_120 = tpu.memref_slice %arg10[%dma_start3A_118, %dma_start3A_119] : memref<10000x128xf32, #tpu.memory_space<vmem_shared>> -> memref<10000x128xf32, #tpu.memory_space<vmem_shared>>
      tpu.enqueue_indirect_dma source(%arg6 : memref<128x128xf32, #tpu.memory_space<vmem>>) target(%dma_start3A_120 : memref<10000x128xf32, #tpu.memory_space<vmem_shared>>) offsets(%dma_start3A_117 : memref<128xi32, #tpu.memory_space<vmem>>) semaphore(%run_scoped3A_115 : memref<!tpu.dma_semaphore, #tpu.memory_space<semaphore_mem>>) {add = true}
      %dma_wait3A_121 = tpu.memref_slice %arg5[%run_scoped3A_93, %multiple_of3A_92] : memref<2x5120xi32, #tpu.memory_space<vmem>> -> memref<1x128xi32, #tpu.memory_space<vmem>>
      %dma_wait3A_122 = tpu.memref_squeeze %dma_wait3A_121 : memref<1x128xi32, #tpu.memory_space<vmem>> -> memref<128xi32, #tpu.memory_space<vmem>>
      %dma_wait3A_123 = arith.constant 0 : i32
      %dma_wait3A_124 = arith.constant 0 : i32
      %dma_wait3A_125 = tpu.memref_slice %arg10[%dma_wait3A_123, %dma_wait3A_124] : memref<10000x128xf32, #tpu.memory_space<vmem_shared>> -> memref<10000x128xf32, #tpu.memory_space<vmem_shared>>
      tpu.wait_indirect_dma semaphore(%run_scoped3A_115 : memref<!tpu.dma_semaphore, #tpu.memory_space<semaphore_mem>>) src(%arg6 : memref<128x128xf32, #tpu.memory_space<vmem>>) dst(%dma_wait3A_125 : memref<10000x128xf32, #tpu.memory_space<vmem_shared>>)
      tpu.yield
    }) : () -> ()
    %multiple_of3A_94 = arith.constant 4736 : i32
    %multiple_of3A_95 = tpu.assume_multiple %multiple_of3A_94, 128 : i32
    %dma_wait3A_96 = arith.constant 0 : i32
    %dma_wait3A_97 = tpu.memref_slice %arg5[%dma_wait3A_96, %multiple_of3A_95] : memref<2x5120xi32, #tpu.memory_space<vmem>> -> memref<1x128xi32, #tpu.memory_space<vmem>>
    %dma_wait3A_98 = tpu.memref_squeeze %dma_wait3A_97 : memref<1x128xi32, #tpu.memory_space<vmem>> -> memref<128xi32, #tpu.memory_space<vmem>>
    %dma_wait3A_99 = arith.constant 0 : i32
    %dma_wait3A_100 = arith.constant 0 : i32
    %dma_wait3A_101 = tpu.memref_slice %arg2[%dma_wait3A_99, %dma_wait3A_100] : memref<10000x128xf32, #tpu.memory_space<hbm>> -> memref<10000x128xf32, #tpu.memory_space<hbm>>
    tpu.wait_indirect_dma semaphore(%arg12 : memref<!tpu.dma_semaphore, #tpu.memory_space<semaphore_mem>>) src(%dma_wait3A_101 : memref<10000x128xf32, #tpu.memory_space<hbm>>) dst(%arg7 : memref<128x128xf32, #tpu.memory_space<vmem>>)
    %multiple_of3A_102 = arith.constant 4736 : i32
    %multiple_of3A_103 = tpu.assume_multiple %multiple_of3A_102, 128 : i32
    %run_scoped3A_104 = arith.constant 1 : i32
    "tpu.region"() ({
      %run_scoped3A_115 = tpu.sem_alloc : memref<!tpu.dma_semaphore, #tpu.memory_space<semaphore_mem>>
      %dma_start3A_116 = tpu.memref_slice %arg5[%run_scoped3A_104, %multiple_of3A_103] : memref<2x5120xi32, #tpu.memory_space<vmem>> -> memref<1x128xi32, #tpu.memory_space<vmem>>
      %dma_start3A_117 = tpu.memref_squeeze %dma_start3A_116 : memref<1x128xi32, #tpu.memory_space<vmem>> -> memref<128xi32, #tpu.memory_space<vmem>>
      %dma_start3A_118 = arith.constant 0 : i32
      %dma_start3A_119 = arith.constant 0 : i32
      %dma_start3A_120 = tpu.memref_slice %arg10[%dma_start3A_118, %dma_start3A_119] : memref<10000x128xf32, #tpu.memory_space<vmem_shared>> -> memref<10000x128xf32, #tpu.memory_space<vmem_shared>>
      tpu.enqueue_indirect_dma source(%arg7 : memref<128x128xf32, #tpu.memory_space<vmem>>) target(%dma_start3A_120 : memref<10000x128xf32, #tpu.memory_space<vmem_shared>>) offsets(%dma_start3A_117 : memref<128xi32, #tpu.memory_space<vmem>>) semaphore(%run_scoped3A_115 : memref<!tpu.dma_semaphore, #tpu.memory_space<semaphore_mem>>) {add = true}
      %dma_wait3A_121 = tpu.memref_slice %arg5[%run_scoped3A_104, %multiple_of3A_103] : memref<2x5120xi32, #tpu.memory_space<vmem>> -> memref<1x128xi32, #tpu.memory_space<vmem>>
      %dma_wait3A_122 = tpu.memref_squeeze %dma_wait3A_121 : memref<1x128xi32, #tpu.memory_space<vmem>> -> memref<128xi32, #tpu.memory_space<vmem>>
      %dma_wait3A_123 = arith.constant 0 : i32
      %dma_wait3A_124 = arith.constant 0 : i32
      %dma_wait3A_125 = tpu.memref_slice %arg10[%dma_wait3A_123, %dma_wait3A_124] : memref<10000x128xf32, #tpu.memory_space<vmem_shared>> -> memref<10000x128xf32, #tpu.memory_space<vmem_shared>>
      tpu.wait_indirect_dma semaphore(%run_scoped3A_115 : memref<!tpu.dma_semaphore, #tpu.memory_space<semaphore_mem>>) src(%arg7 : memref<128x128xf32, #tpu.memory_space<vmem>>) dst(%dma_wait3A_125 : memref<10000x128xf32, #tpu.memory_space<vmem_shared>>)
      tpu.yield
    }) : () -> ()
    %lt3A = arith.constant 4 : i32
    %lt3A_105 = arith.cmpi slt, %add3A, %lt3A : i32
    %convert_element_type3A_106 = arith.extui %lt3A_105 : i1 to i32
    %cond3A_107 = arith.constant 0 : i32
    %cond3A_108 = arith.cmpi ne, %convert_element_type3A_106, %cond3A_107 : i32
    scf.if %cond3A_108 {
      %add3A_115 = arith.constant 2496 : i32
      %add3A_116 = arith.addi %add3A_115, %add3A : i32
      %mul3A_117 = arith.constant 128 : i32
      %mul3A_118 = arith.muli %add3A_116, %mul3A_117 : i32
      %multiple_of3A_119 = tpu.assume_multiple %mul3A_118, 128 : i32
      %run_scoped3A_120 = arith.constant 0 : i32
      "tpu.region"() ({
        %run_scoped3A_128 = tpu.sem_alloc : memref<!tpu.dma_semaphore, #tpu.memory_space<semaphore_mem>>
        %dma_start3A_129 = tpu.memref_slice %arg3[%run_scoped3A_120, %multiple_of3A_119] : memref<2x320000xi32, #tpu.memory_space<hbm>> -> memref<1x128xi32, #tpu.memory_space<hbm>>
        %dma_start3A_130 = tpu.memref_squeeze %dma_start3A_129 : memref<1x128xi32, #tpu.memory_space<hbm>> -> memref<128xi32, #tpu.memory_space<hbm>>
        %dma_start3A_131 = tpu.memref_slice %arg3[%run_scoped3A_120, %multiple_of3A_119] : memref<2x320000xi32, #tpu.memory_space<hbm>> -> memref<1x128xi32, #tpu.memory_space<hbm>>
        %dma_start3A_132 = tpu.memref_squeeze %dma_start3A_131 : memref<1x128xi32, #tpu.memory_space<hbm>> -> memref<128xi32, #tpu.memory_space<hbm>>
        tpu.enqueue_dma source(%dma_start3A_132 : memref<128xi32, #tpu.memory_space<hbm>>) target(%arg8 : memref<128xi32, #tpu.memory_space<vmem>>) target_semaphore(%run_scoped3A_128 : memref<!tpu.dma_semaphore, #tpu.memory_space<semaphore_mem>>)
        %dma_wait3A_133 = tpu.memref_slice %arg3[%run_scoped3A_120, %multiple_of3A_119] : memref<2x320000xi32, #tpu.memory_space<hbm>> -> memref<1x128xi32, #tpu.memory_space<hbm>>
        %dma_wait3A_134 = tpu.memref_squeeze %dma_wait3A_133 : memref<1x128xi32, #tpu.memory_space<hbm>> -> memref<128xi32, #tpu.memory_space<hbm>>
        %dma_wait3A_135 = tpu.memref_slice %arg3[%run_scoped3A_120, %multiple_of3A_119] : memref<2x320000xi32, #tpu.memory_space<hbm>> -> memref<1x128xi32, #tpu.memory_space<hbm>>
        %dma_wait3A_136 = tpu.memref_squeeze %dma_wait3A_135 : memref<1x128xi32, #tpu.memory_space<hbm>> -> memref<128xi32, #tpu.memory_space<hbm>>
        tpu.wait_dma2 semaphore(%run_scoped3A_128 : memref<!tpu.dma_semaphore, #tpu.memory_space<semaphore_mem>>) src(%dma_wait3A_136 : memref<128xi32, #tpu.memory_space<hbm>>) dst(%arg8 : memref<128xi32, #tpu.memory_space<vmem>>)
        tpu.yield
      }) : () -> ()
      %run_scoped3A_121 = arith.constant 1 : i32
      "tpu.region"() ({
        %run_scoped3A_128 = tpu.sem_alloc : memref<!tpu.dma_semaphore, #tpu.memory_space<semaphore_mem>>
        %dma_start3A_129 = tpu.memref_slice %arg3[%run_scoped3A_121, %multiple_of3A_119] : memref<2x320000xi32, #tpu.memory_space<hbm>> -> memref<1x128xi32, #tpu.memory_space<hbm>>
        %dma_start3A_130 = tpu.memref_squeeze %dma_start3A_129 : memref<1x128xi32, #tpu.memory_space<hbm>> -> memref<128xi32, #tpu.memory_space<hbm>>
        %dma_start3A_131 = tpu.memref_slice %arg3[%run_scoped3A_121, %multiple_of3A_119] : memref<2x320000xi32, #tpu.memory_space<hbm>> -> memref<1x128xi32, #tpu.memory_space<hbm>>
        %dma_start3A_132 = tpu.memref_squeeze %dma_start3A_131 : memref<1x128xi32, #tpu.memory_space<hbm>> -> memref<128xi32, #tpu.memory_space<hbm>>
        tpu.enqueue_dma source(%dma_start3A_132 : memref<128xi32, #tpu.memory_space<hbm>>) target(%arg9 : memref<128xi32, #tpu.memory_space<vmem>>) target_semaphore(%run_scoped3A_128 : memref<!tpu.dma_semaphore, #tpu.memory_space<semaphore_mem>>)
        %dma_wait3A_133 = tpu.memref_slice %arg3[%run_scoped3A_121, %multiple_of3A_119] : memref<2x320000xi32, #tpu.memory_space<hbm>> -> memref<1x128xi32, #tpu.memory_space<hbm>>
        %dma_wait3A_134 = tpu.memref_squeeze %dma_wait3A_133 : memref<1x128xi32, #tpu.memory_space<hbm>> -> memref<128xi32, #tpu.memory_space<hbm>>
        %dma_wait3A_135 = tpu.memref_slice %arg3[%run_scoped3A_121, %multiple_of3A_119] : memref<2x320000xi32, #tpu.memory_space<hbm>> -> memref<1x128xi32, #tpu.memory_space<hbm>>
        %dma_wait3A_136 = tpu.memref_squeeze %dma_wait3A_135 : memref<1x128xi32, #tpu.memory_space<hbm>> -> memref<128xi32, #tpu.memory_space<hbm>>
        tpu.wait_dma2 semaphore(%run_scoped3A_128 : memref<!tpu.dma_semaphore, #tpu.memory_space<semaphore_mem>>) src(%dma_wait3A_136 : memref<128xi32, #tpu.memory_space<hbm>>) dst(%arg9 : memref<128xi32, #tpu.memory_space<vmem>>)
        tpu.yield
      }) : () -> ()
      %dma_start3A_122 = arith.constant 0 : i32
      %dma_start3A_123 = arith.constant 0 : i32
      %dma_start3A_124 = tpu.memref_slice %arg2[%dma_start3A_122, %dma_start3A_123] : memref<10000x128xf32, #tpu.memory_space<hbm>> -> memref<10000x128xf32, #tpu.memory_space<hbm>>
      tpu.enqueue_indirect_dma source(%dma_start3A_124 : memref<10000x128xf32, #tpu.memory_space<hbm>>) target(%arg6 : memref<128x128xf32, #tpu.memory_space<vmem>>) offsets(%arg8 : memref<128xi32, #tpu.memory_space<vmem>>) semaphore(%arg11 : memref<!tpu.dma_semaphore, #tpu.memory_space<semaphore_mem>>)
      %dma_wait3A_125 = arith.constant 0 : i32
      %dma_wait3A_126 = arith.constant 0 : i32
      %dma_wait3A_127 = tpu.memref_slice %arg2[%dma_wait3A_125, %dma_wait3A_126] : memref<10000x128xf32, #tpu.memory_space<hbm>> -> memref<10000x128xf32, #tpu.memory_space<hbm>>
      tpu.wait_indirect_dma semaphore(%arg11 : memref<!tpu.dma_semaphore, #tpu.memory_space<semaphore_mem>>) src(%dma_wait3A_127 : memref<10000x128xf32, #tpu.memory_space<hbm>>) dst(%arg6 : memref<128x128xf32, #tpu.memory_space<vmem>>)
      "tpu.region"() ({
        %run_scoped3A_128 = tpu.sem_alloc : memref<!tpu.dma_semaphore, #tpu.memory_space<semaphore_mem>>
        %dma_start3A_129 = arith.constant 0 : i32
        %dma_start3A_130 = arith.constant 0 : i32
        %dma_start3A_131 = tpu.memref_slice %arg10[%dma_start3A_129, %dma_start3A_130] : memref<10000x128xf32, #tpu.memory_space<vmem_shared>> -> memref<10000x128xf32, #tpu.memory_space<vmem_shared>>
        tpu.enqueue_indirect_dma source(%arg6 : memref<128x128xf32, #tpu.memory_space<vmem>>) target(%dma_start3A_131 : memref<10000x128xf32, #tpu.memory_space<vmem_shared>>) offsets(%arg9 : memref<128xi32, #tpu.memory_space<vmem>>) semaphore(%run_scoped3A_128 : memref<!tpu.dma_semaphore, #tpu.memory_space<semaphore_mem>>) {add = true}
        %dma_wait3A_132 = arith.constant 0 : i32
        %dma_wait3A_133 = arith.constant 0 : i32
        %dma_wait3A_134 = tpu.memref_slice %arg10[%dma_wait3A_132, %dma_wait3A_133] : memref<10000x128xf32, #tpu.memory_space<vmem_shared>> -> memref<10000x128xf32, #tpu.memory_space<vmem_shared>>
        tpu.wait_indirect_dma semaphore(%run_scoped3A_128 : memref<!tpu.dma_semaphore, #tpu.memory_space<semaphore_mem>>) src(%arg6 : memref<128x128xf32, #tpu.memory_space<vmem>>) dst(%dma_wait3A_134 : memref<10000x128xf32, #tpu.memory_space<vmem_shared>>)
        tpu.yield
      }) : () -> ()
    } else {
    }
    %barrier3A_109 = arith.constant 0 : index
    tpu.barrier barrier_id(%barrier3A_109)
    "tpu.region"() ({
      %run_scoped3A_115 = tpu.sem_alloc : memref<!tpu.dma_semaphore, #tpu.memory_space<semaphore_mem>>
      %dma_start3A_116 = arith.constant 0 : i32
      %dma_start3A_117 = tpu.memref_slice %arg4[%arg0, %multiple_of3A_8, %dma_start3A_116] : memref<2x10000x128xf32, #tpu.memory_space<hbm>> -> memref<1x624x128xf32, #tpu.memory_space<hbm>>
      %dma_start3A_118 = tpu.memref_squeeze %dma_start3A_117 : memref<1x624x128xf32, #tpu.memory_space<hbm>> -> memref<624x128xf32, #tpu.memory_space<hbm>>
      %dma_start3A_119 = arith.constant 0 : i32
      %dma_start3A_120 = tpu.memref_slice %arg10[%multiple_of3A_8, %dma_start3A_119] : memref<10000x128xf32, #tpu.memory_space<vmem_shared>> -> memref<624x128xf32, #tpu.memory_space<vmem_shared>>
      tpu.enqueue_dma source(%dma_start3A_120 : memref<624x128xf32, #tpu.memory_space<vmem_shared>>) target(%dma_start3A_118 : memref<624x128xf32, #tpu.memory_space<hbm>>) target_semaphore(%run_scoped3A_115 : memref<!tpu.dma_semaphore, #tpu.memory_space<semaphore_mem>>)
      %dma_wait3A_121 = arith.constant 0 : i32
      %dma_wait3A_122 = tpu.memref_slice %arg4[%arg0, %multiple_of3A_8, %dma_wait3A_121] : memref<2x10000x128xf32, #tpu.memory_space<hbm>> -> memref<1x624x128xf32, #tpu.memory_space<hbm>>
      %dma_wait3A_123 = tpu.memref_squeeze %dma_wait3A_122 : memref<1x624x128xf32, #tpu.memory_space<hbm>> -> memref<624x128xf32, #tpu.memory_space<hbm>>
      %dma_wait3A_124 = arith.constant 0 : i32
      %dma_wait3A_125 = tpu.memref_slice %arg10[%multiple_of3A_8, %dma_wait3A_124] : memref<10000x128xf32, #tpu.memory_space<vmem_shared>> -> memref<624x128xf32, #tpu.memory_space<vmem_shared>>
      tpu.wait_dma2 semaphore(%run_scoped3A_115 : memref<!tpu.dma_semaphore, #tpu.memory_space<semaphore_mem>>) src(%dma_wait3A_125 : memref<624x128xf32, #tpu.memory_space<vmem_shared>>) dst(%dma_wait3A_123 : memref<624x128xf32, #tpu.memory_space<hbm>>)
      tpu.yield
    }) : () -> ()
    %eq3A_110 = arith.constant 15 : i32
    %eq3A_111 = arith.cmpi eq, %arg1, %eq3A_110 : i32
    %convert_element_type3A_112 = arith.extui %eq3A_111 : i1 to i32
    %cond3A_113 = arith.constant 0 : i32
    %cond3A_114 = arith.cmpi ne, %convert_element_type3A_112, %cond3A_113 : i32
    scf.if %cond3A_114 {
      "tpu.region"() ({
        %run_scoped3A_115 = tpu.sem_alloc : memref<!tpu.dma_semaphore, #tpu.memory_space<semaphore_mem>>
        %dma_start3A_116 = arith.constant 9984 : i32
        %dma_start3A_117 = arith.constant 0 : i32
        %dma_start3A_118 = tpu.memref_slice %arg4[%arg0, %dma_start3A_116, %dma_start3A_117] : memref<2x10000x128xf32, #tpu.memory_space<hbm>> -> memref<1x16x128xf32, #tpu.memory_space<hbm>>
        %dma_start3A_119 = tpu.memref_squeeze %dma_start3A_118 : memref<1x16x128xf32, #tpu.memory_space<hbm>> -> memref<16x128xf32, #tpu.memory_space<hbm>>
        %dma_start3A_120 = arith.constant 9984 : i32
        %dma_start3A_121 = arith.constant 0 : i32
        %dma_start3A_122 = tpu.memref_slice %arg10[%dma_start3A_120, %dma_start3A_121] : memref<10000x128xf32, #tpu.memory_space<vmem_shared>> -> memref<16x128xf32, #tpu.memory_space<vmem_shared>>
        tpu.enqueue_dma source(%dma_start3A_122 : memref<16x128xf32, #tpu.memory_space<vmem_shared>>) target(%dma_start3A_119 : memref<16x128xf32, #tpu.memory_space<hbm>>) target_semaphore(%run_scoped3A_115 : memref<!tpu.dma_semaphore, #tpu.memory_space<semaphore_mem>>)
        %dma_wait3A_123 = arith.constant 9984 : i32
        %dma_wait3A_124 = arith.constant 0 : i32
        %dma_wait3A_125 = tpu.memref_slice %arg4[%arg0, %dma_wait3A_123, %dma_wait3A_124] : memref<2x10000x128xf32, #tpu.memory_space<hbm>> -> memref<1x16x128xf32, #tpu.memory_space<hbm>>
        %dma_wait3A_126 = tpu.memref_squeeze %dma_wait3A_125 : memref<1x16x128xf32, #tpu.memory_space<hbm>> -> memref<16x128xf32, #tpu.memory_space<hbm>>
        %dma_wait3A_127 = arith.constant 9984 : i32
        %dma_wait3A_128 = arith.constant 0 : i32
        %dma_wait3A_129 = tpu.memref_slice %arg10[%dma_wait3A_127, %dma_wait3A_128] : memref<10000x128xf32, #tpu.memory_space<vmem_shared>> -> memref<16x128xf32, #tpu.memory_space<vmem_shared>>
        tpu.wait_dma2 semaphore(%run_scoped3A_115 : memref<!tpu.dma_semaphore, #tpu.memory_space<semaphore_mem>>) src(%dma_wait3A_129 : memref<16x128xf32, #tpu.memory_space<vmem_shared>>) dst(%dma_wait3A_126 : memref<16x128xf32, #tpu.memory_space<hbm>>)
        tpu.yield
      }) : () -> ()
    } else {
    }
    return
  }
}

module attributes {stable_mosaic.version = 14 : i64} {
  func.func @body(%arg0: i32, %arg1: memref<2000x128xf32, #tpu.memory_space<vmem>>, %arg2: memref<2x2000x16xf32, #tpu.memory_space<vmem>>, %arg3: memref<2000x128xf32, #tpu.memory_space<vmem>>) attributes {dimension_semantics = [#tpu.dimension_semantics<arbitrary>], iteration_bounds = array<i64: 5>, scalar_prefetch = 0 : i64, scratch_operands = 0 : i64, tpu.core_type = #tpu.core_type<tc>, window_params = [{transform_indices = @transform_0, window_bounds = array<i64: 2000, 128>}, {transform_indices = @transform_1, window_bounds = array<i64: 2, 2000, 16>}, {transform_indices = @transform_2, window_bounds = array<i64: 2000, 128>}]} {
    %get3A = arith.constant 0 : index
    %get3A_0 = arith.constant 0 : index
    %get3A_1 = arith.constant 0 : index
    %get3A_2 = vector.load %arg2[%get3A, %get3A_0, %get3A_1] : memref<2x2000x16xf32, #tpu.memory_space<vmem>>, vector<1x2000x1xf32>
    %get3A_3 = vector.shape_cast %get3A_2 : vector<1x2000x1xf32> to vector<2000x1xf32>
    %get3A_4 = arith.constant 1 : index
    %get3A_5 = arith.constant 0 : index
    %get3A_6 = arith.constant 0 : index
    %get3A_7 = vector.load %arg2[%get3A_4, %get3A_5, %get3A_6] : memref<2x2000x16xf32, #tpu.memory_space<vmem>>, vector<1x2000x1xf32>
    %get3A_8 = vector.shape_cast %get3A_7 : vector<1x2000x1xf32> to vector<2000x1xf32>
    %add3A = arith.addf %get3A_3, %get3A_8 : vector<2000x1xf32>
    %sub3A = arith.constant 1.000000e+00 : f32
    %sub3A_9 = vector.broadcast %sub3A : f32 to vector<2000x1xf32>
    %sub3A_10 = arith.subf %add3A, %sub3A_9 : vector<2000x1xf32>
    %rsqrt3A = math.rsqrt %sub3A_10 : vector<2000x1xf32>
    %get3A_11 = arith.constant 0 : index
    %get3A_12 = arith.constant 0 : index
    %get3A_13 = vector.load %arg1[%get3A_11, %get3A_12] : memref<2000x128xf32, #tpu.memory_space<vmem>>, vector<2000x128xf32>
    %mul3A = vector.broadcast %rsqrt3A : vector<2000x1xf32> to vector<2000x128xf32>
    %mul3A_14 = arith.mulf %mul3A, %get3A_13 : vector<2000x128xf32>
    %swap3A = arith.constant 0 : index
    %swap3A_15 = arith.constant 0 : index
    %swap3A_16 = vector.load %arg3[%swap3A, %swap3A_15] : memref<2000x128xf32, #tpu.memory_space<vmem>>, vector<2000x128xf32>
    tpu.vector_store %arg3[%swap3A, %swap3A_15], %mul3A_14 {strides = array<i32>} : memref<2000x128xf32, #tpu.memory_space<vmem>>, vector<2000x128xf32>,
    return
  }
  func.func @transform_0(%arg0: i32) -> (i32, i32) {
    %c0_i32 = arith.constant 0 : i32
    %c0_i32_0 = arith.constant 0 : i32
    return %arg0, %c0_i32 : i32, i32
  }
  func.func @transform_1(%arg0: i32) -> (i32, i32, i32) {
    %c0_i32 = arith.constant 0 : i32
    %c0_i32_0 = arith.constant 0 : i32
    %c0_i32_1 = arith.constant 0 : i32
    return %c0_i32, %arg0, %c0_i32_0 : i32, i32, i32
  }
  func.func @transform_2(%arg0: i32) -> (i32, i32) {
    %c0_i32 = arith.constant 0 : i32
    %c0_i32_0 = arith.constant 0 : i32
    return %arg0, %c0_i32 : i32, i32
  }
}

module attributes {stable_mosaic.version = 14 : i64} {
  func.func @body(%arg0: i32, %arg1: memref<2x2000x128xf32, #tpu.memory_space<vmem>>, %arg2: memref<2x2000x16xf32, #tpu.memory_space<vmem>>, %arg3: memref<1x128xf32, #tpu.memory_space<vmem>>, %arg4: memref<128x1280xf32, #tpu.memory_space<vmem>>, %arg5: memref<1x128xf32, #tpu.memory_space<vmem>>, %arg6: memref<2000x128xf32, #tpu.memory_space<vmem>>, %arg7: memref<200x128xf32, #tpu.memory_space<vmem>>) attributes {dimension_semantics = [#tpu.dimension_semantics<arbitrary>], iteration_bounds = array<i64: 5>, scalar_prefetch = 0 : i64, scratch_operands = 0 : i64, tpu.core_type = #tpu.core_type<tc>, window_params = [{transform_indices = @transform_0, window_bounds = array<i64: 2, 2000, 128>}, {transform_indices = @transform_1, window_bounds = array<i64: 2, 2000, 16>}, {pipeline_mode = #tpu.pipeline_mode<synchronous>, transform_indices = @transform_2, window_bounds = array<i64: 1, 128>}, {pipeline_mode = #tpu.pipeline_mode<synchronous>, transform_indices = @transform_3, window_bounds = array<i64: 128, 1280>}, {pipeline_mode = #tpu.pipeline_mode<synchronous>, transform_indices = @transform_4, window_bounds = array<i64: 1, 128>}, {transform_indices = @transform_5, window_bounds = array<i64: 2000, 128>}, {transform_indices = @transform_6, window_bounds = array<i64: 200, 128>}]} {
    %get3A = arith.constant 0 : index
    %get3A_0 = arith.constant 0 : index
    %get3A_1 = arith.constant 0 : index
    %get3A_2 = vector.load %arg2[%get3A, %get3A_0, %get3A_1] : memref<2x2000x16xf32, #tpu.memory_space<vmem>>, vector<1x2000x1xf32>
    %get3A_3 = vector.shape_cast %get3A_2 : vector<1x2000x1xf32> to vector<2000x1xf32>
    %get3A_4 = arith.constant 1 : index
    %get3A_5 = arith.constant 0 : index
    %get3A_6 = arith.constant 0 : index
    %get3A_7 = vector.load %arg2[%get3A_4, %get3A_5, %get3A_6] : memref<2x2000x16xf32, #tpu.memory_space<vmem>>, vector<1x2000x1xf32>
    %get3A_8 = vector.shape_cast %get3A_7 : vector<1x2000x1xf32> to vector<2000x1xf32>
    %add3A = arith.addf %get3A_3, %get3A_8 : vector<2000x1xf32>
    %sub3A = arith.constant 1.000000e+00 : f32
    %sub3A_9 = vector.broadcast %sub3A : f32 to vector<2000x1xf32>
    %sub3A_10 = arith.subf %add3A, %sub3A_9 : vector<2000x1xf32>
    %rsqrt3A = math.rsqrt %sub3A_10 : vector<2000x1xf32>
    %get3A_11 = arith.constant 0 : index
    %get3A_12 = arith.constant 0 : index
    %get3A_13 = arith.constant 0 : index
    %get3A_14 = vector.load %arg1[%get3A_11, %get3A_12, %get3A_13] : memref<2x2000x128xf32, #tpu.memory_space<vmem>>, vector<1x2000x128xf32>
    %get3A_15 = vector.shape_cast %get3A_14 : vector<1x2000x128xf32> to vector<2000x128xf32>
    %get3A_16 = arith.constant 1 : index
    %get3A_17 = arith.constant 0 : index
    %get3A_18 = arith.constant 0 : index
    %get3A_19 = vector.load %arg1[%get3A_16, %get3A_17, %get3A_18] : memref<2x2000x128xf32, #tpu.memory_space<vmem>>, vector<1x2000x128xf32>
    %get3A_20 = vector.shape_cast %get3A_19 : vector<1x2000x128xf32> to vector<2000x128xf32>
    %add3A_21 = arith.addf %get3A_15, %get3A_20 : vector<2000x128xf32>
    %mul3A = vector.broadcast %rsqrt3A : vector<2000x1xf32> to vector<2000x128xf32>
    %mul3A_22 = arith.mulf %mul3A, %add3A_21 : vector<2000x128xf32>
    %get3A_23 = arith.constant 0 : index
    %get3A_24 = arith.constant 0 : index
    %get3A_25 = vector.load %arg3[%get3A_23, %get3A_24] : memref<1x128xf32, #tpu.memory_space<vmem>>, vector<1x128xf32>
    %add3A_26 = vector.broadcast %get3A_25 : vector<1x128xf32> to vector<2000x128xf32>
    %add3A_27 = arith.addf %mul3A_22, %add3A_26 : vector<2000x128xf32>
    %swap3A = arith.constant 0 : index
    %swap3A_28 = arith.constant 0 : index
    %swap3A_29 = vector.load %arg6[%swap3A, %swap3A_28] : memref<2000x128xf32, #tpu.memory_space<vmem>>, vector<2000x128xf32>
    tpu.vector_store %arg6[%swap3A, %swap3A_28], %add3A_27 {strides = array<i32>} : memref<2000x128xf32, #tpu.memory_space<vmem>>, vector<2000x128xf32>,
    %reshape3A = vector.shape_cast %add3A_27 : vector<2000x128xf32> to vector<200x1280xf32>
    %get3A_30 = arith.constant 0 : index
    %get3A_31 = arith.constant 0 : index
    %get3A_32 = vector.load %arg4[%get3A_30, %get3A_31] : memref<128x1280xf32, #tpu.memory_space<vmem>>, vector<128x1280xf32>
    %dot_general3A = arith.constant dense<0.000000e+00> : vector<200x128xf32>
    %dot_general3A_33 = tpu.matmul %reshape3A, %get3A_32, %dot_general3A {dimension_numbers = #tpu.dot_dimension_numbers<[1], [1], [0], [0], [0, 0, 1, 0], [], []>, transpose_lhs_hint = false} : vector<200x1280xf32>, vector<128x1280xf32>, vector<200x128xf32> -> vector<200x128xf32>
    %get3A_34 = arith.constant 0 : index
    %get3A_35 = arith.constant 0 : index
    %get3A_36 = vector.load %arg5[%get3A_34, %get3A_35] : memref<1x128xf32, #tpu.memory_space<vmem>>, vector<1x128xf32>
    %add3A_37 = vector.broadcast %get3A_36 : vector<1x128xf32> to vector<200x128xf32>
    %add3A_38 = arith.addf %dot_general3A_33, %add3A_37 : vector<200x128xf32>
    %swap3A_39 = arith.constant 0 : index
    %swap3A_40 = arith.constant 0 : index
    %swap3A_41 = vector.load %arg7[%swap3A_39, %swap3A_40] : memref<200x128xf32, #tpu.memory_space<vmem>>, vector<200x128xf32>
    tpu.vector_store %arg7[%swap3A_39, %swap3A_40], %add3A_38 {strides = array<i32>} : memref<200x128xf32, #tpu.memory_space<vmem>>, vector<200x128xf32>,
    return
  }
  func.func @transform_0(%arg0: i32) -> (i32, i32, i32) {
    %c0_i32 = arith.constant 0 : i32
    %c0_i32_0 = arith.constant 0 : i32
    %c0_i32_1 = arith.constant 0 : i32
    return %c0_i32, %arg0, %c0_i32_0 : i32, i32, i32
  }
  func.func @transform_1(%arg0: i32) -> (i32, i32, i32) {
    %c0_i32 = arith.constant 0 : i32
    %c0_i32_0 = arith.constant 0 : i32
    %c0_i32_1 = arith.constant 0 : i32
    return %c0_i32, %arg0, %c0_i32_0 : i32, i32, i32
  }
  func.func @transform_2(%arg0: i32) -> (i32, i32) {
    %c0_i32 = arith.constant 0 : i32
    %c0_i32_0 = arith.constant 0 : i32
    %c0_i32_1 = arith.constant 0 : i32
    return %c0_i32, %c0_i32_0 : i32, i32
  }
  func.func @transform_3(%arg0: i32) -> (i32, i32) {
    %c0_i32 = arith.constant 0 : i32
    %c0_i32_0 = arith.constant 0 : i32
    %c0_i32_1 = arith.constant 0 : i32
    return %c0_i32, %c0_i32_0 : i32, i32
  }
  func.func @transform_4(%arg0: i32) -> (i32, i32) {
    %c0_i32 = arith.constant 0 : i32
    %c0_i32_0 = arith.constant 0 : i32
    %c0_i32_1 = arith.constant 0 : i32
    return %c0_i32, %c0_i32_0 : i32, i32
  }
  func.func @transform_5(%arg0: i32) -> (i32, i32) {
    %c0_i32 = arith.constant 0 : i32
    %c0_i32_0 = arith.constant 0 : i32
    return %arg0, %c0_i32 : i32, i32
  }
  func.func @transform_6(%arg0: i32) -> (i32, i32) {
    %c0_i32 = arith.constant 0 : i32
    %c0_i32_0 = arith.constant 0 : i32
    return %arg0, %c0_i32 : i32, i32
  }
}

module attributes {stable_mosaic.version = 14 : i64} {
  func.func @body(%arg0: i32, %arg1: memref<2000x128xf32, #tpu.memory_space<vmem>>, %arg2: memref<128x128xf32, #tpu.memory_space<vmem>>, %arg3: memref<2000x128xf32, #tpu.memory_space<vmem>>) attributes {dimension_semantics = [#tpu.dimension_semantics<arbitrary>], iteration_bounds = array<i64: 5>, scalar_prefetch = 0 : i64, scratch_operands = 0 : i64, tpu.core_type = #tpu.core_type<tc>, window_params = [{transform_indices = @transform_0, window_bounds = array<i64: 2000, 128>}, {pipeline_mode = #tpu.pipeline_mode<synchronous>, transform_indices = @transform_1, window_bounds = array<i64: 128, 128>}, {transform_indices = @transform_2, window_bounds = array<i64: 2000, 128>}]} {
    %get3A = arith.constant 0 : index
    %get3A_0 = arith.constant 0 : index
    %get3A_1 = vector.load %arg1[%get3A, %get3A_0] : memref<2000x128xf32, #tpu.memory_space<vmem>>, vector<2000x128xf32>
    %get3A_2 = arith.constant 0 : index
    %get3A_3 = arith.constant 0 : index
    %get3A_4 = vector.load %arg2[%get3A_2, %get3A_3] : memref<128x128xf32, #tpu.memory_space<vmem>>, vector<128x128xf32>
    %dot_general3A = arith.constant dense<0.000000e+00> : vector<2000x128xf32>
    %dot_general3A_5 = tpu.matmul %get3A_1, %get3A_4, %dot_general3A {dimension_numbers = #tpu.dot_dimension_numbers<[1], [0], [0], [1], [0, 0, 1, 1], [], []>, transpose_lhs_hint = false} : vector<2000x128xf32>, vector<128x128xf32>, vector<2000x128xf32> -> vector<2000x128xf32>
    %swap3A = arith.constant 0 : index
    %swap3A_6 = arith.constant 0 : index
    %swap3A_7 = vector.load %arg3[%swap3A, %swap3A_6] : memref<2000x128xf32, #tpu.memory_space<vmem>>, vector<2000x128xf32>
    tpu.vector_store %arg3[%swap3A, %swap3A_6], %dot_general3A_5 {strides = array<i32>} : memref<2000x128xf32, #tpu.memory_space<vmem>>, vector<2000x128xf32>,
    return
  }
  func.func @transform_0(%arg0: i32) -> (i32, i32) {
    %c0_i32 = arith.constant 0 : i32
    %c0_i32_0 = arith.constant 0 : i32
    return %arg0, %c0_i32 : i32, i32
  }
  func.func @transform_1(%arg0: i32) -> (i32, i32) {
    %c0_i32 = arith.constant 0 : i32
    %c0_i32_0 = arith.constant 0 : i32
    %c0_i32_1 = arith.constant 0 : i32
    return %c0_i32, %c0_i32_0 : i32, i32
  }
  func.func @transform_2(%arg0: i32) -> (i32, i32) {
    %c0_i32 = arith.constant 0 : i32
    %c0_i32_0 = arith.constant 0 : i32
    return %arg0, %c0_i32 : i32, i32
  }
}

module attributes {stable_mosaic.version = 14 : i64} {
  func.func @body(%arg0: i32, %arg1: memref<2x2000x128xf32, #tpu.memory_space<vmem>>, %arg2: memref<2x2000x16xf32, #tpu.memory_space<vmem>>, %arg3: memref<128x128xf32, #tpu.memory_space<vmem>>, %arg4: memref<1x128xf32, #tpu.memory_space<vmem>>, %arg5: memref<2000x128xf32, #tpu.memory_space<vmem>>) attributes {dimension_semantics = [#tpu.dimension_semantics<arbitrary>], iteration_bounds = array<i64: 5>, scalar_prefetch = 0 : i64, scratch_operands = 0 : i64, tpu.core_type = #tpu.core_type<tc>, window_params = [{transform_indices = @transform_0, window_bounds = array<i64: 2, 2000, 128>}, {transform_indices = @transform_1, window_bounds = array<i64: 2, 2000, 16>}, {pipeline_mode = #tpu.pipeline_mode<synchronous>, transform_indices = @transform_2, window_bounds = array<i64: 128, 128>}, {pipeline_mode = #tpu.pipeline_mode<synchronous>, transform_indices = @transform_3, window_bounds = array<i64: 1, 128>}, {transform_indices = @transform_4, window_bounds = array<i64: 2000, 128>}]} {
    %get3A = arith.constant 0 : index
    %get3A_0 = arith.constant 0 : index
    %get3A_1 = arith.constant 0 : index
    %get3A_2 = vector.load %arg2[%get3A, %get3A_0, %get3A_1] : memref<2x2000x16xf32, #tpu.memory_space<vmem>>, vector<1x2000x1xf32>
    %get3A_3 = vector.shape_cast %get3A_2 : vector<1x2000x1xf32> to vector<2000x1xf32>
    %get3A_4 = arith.constant 1 : index
    %get3A_5 = arith.constant 0 : index
    %get3A_6 = arith.constant 0 : index
    %get3A_7 = vector.load %arg2[%get3A_4, %get3A_5, %get3A_6] : memref<2x2000x16xf32, #tpu.memory_space<vmem>>, vector<1x2000x1xf32>
    %get3A_8 = vector.shape_cast %get3A_7 : vector<1x2000x1xf32> to vector<2000x1xf32>
    %add3A = arith.addf %get3A_3, %get3A_8 : vector<2000x1xf32>
    %sub3A = arith.constant 1.000000e+00 : f32
    %sub3A_9 = vector.broadcast %sub3A : f32 to vector<2000x1xf32>
    %sub3A_10 = arith.subf %add3A, %sub3A_9 : vector<2000x1xf32>
    %rsqrt3A = math.rsqrt %sub3A_10 : vector<2000x1xf32>
    %get3A_11 = arith.constant 0 : index
    %get3A_12 = arith.constant 0 : index
    %get3A_13 = arith.constant 0 : index
    %get3A_14 = vector.load %arg1[%get3A_11, %get3A_12, %get3A_13] : memref<2x2000x128xf32, #tpu.memory_space<vmem>>, vector<1x2000x128xf32>
    %get3A_15 = vector.shape_cast %get3A_14 : vector<1x2000x128xf32> to vector<2000x128xf32>
    %get3A_16 = arith.constant 1 : index
    %get3A_17 = arith.constant 0 : index
    %get3A_18 = arith.constant 0 : index
    %get3A_19 = vector.load %arg1[%get3A_16, %get3A_17, %get3A_18] : memref<2x2000x128xf32, #tpu.memory_space<vmem>>, vector<1x2000x128xf32>
    %get3A_20 = vector.shape_cast %get3A_19 : vector<1x2000x128xf32> to vector<2000x128xf32>
    %add3A_21 = arith.addf %get3A_15, %get3A_20 : vector<2000x128xf32>
    %mul3A = vector.broadcast %rsqrt3A : vector<2000x1xf32> to vector<2000x128xf32>
    %mul3A_22 = arith.mulf %mul3A, %add3A_21 : vector<2000x128xf32>
    %get3A_23 = arith.constant 0 : index
    %get3A_24 = arith.constant 0 : index
    %get3A_25 = vector.load %arg4[%get3A_23, %get3A_24] : memref<1x128xf32, #tpu.memory_space<vmem>>, vector<1x128xf32>
    %add3A_26 = vector.broadcast %get3A_25 : vector<1x128xf32> to vector<2000x128xf32>
    %add3A_27 = arith.addf %mul3A_22, %add3A_26 : vector<2000x128xf32>
    %max3A = arith.constant 0.000000e+00 : f32
    %max3A_28 = vector.broadcast %max3A : f32 to vector<2000x128xf32>
    %max3A_29 = arith.maximumf %add3A_27, %max3A_28 : vector<2000x128xf32>
    %get3A_30 = arith.constant 0 : index
    %get3A_31 = arith.constant 0 : index
    %get3A_32 = vector.load %arg3[%get3A_30, %get3A_31] : memref<128x128xf32, #tpu.memory_space<vmem>>, vector<128x128xf32>
    %dot_general3A = arith.constant dense<0.000000e+00> : vector<2000x128xf32>
    %dot_general3A_33 = tpu.matmul %max3A_29, %get3A_32, %dot_general3A {dimension_numbers = #tpu.dot_dimension_numbers<[1], [0], [0], [1], [0, 0, 1, 1], [], []>, transpose_lhs_hint = false} : vector<2000x128xf32>, vector<128x128xf32>, vector<2000x128xf32> -> vector<2000x128xf32>
    %mul3A_34 = vector.broadcast %rsqrt3A : vector<2000x1xf32> to vector<2000x128xf32>
    %mul3A_35 = arith.mulf %mul3A_34, %dot_general3A_33 : vector<2000x128xf32>
    %swap3A = arith.constant 0 : index
    %swap3A_36 = arith.constant 0 : index
    %swap3A_37 = vector.load %arg5[%swap3A, %swap3A_36] : memref<2000x128xf32, #tpu.memory_space<vmem>>, vector<2000x128xf32>
    tpu.vector_store %arg5[%swap3A, %swap3A_36], %mul3A_35 {strides = array<i32>} : memref<2000x128xf32, #tpu.memory_space<vmem>>, vector<2000x128xf32>,
    return
  }
  func.func @transform_0(%arg0: i32) -> (i32, i32, i32) {
    %c0_i32 = arith.constant 0 : i32
    %c0_i32_0 = arith.constant 0 : i32
    %c0_i32_1 = arith.constant 0 : i32
    return %c0_i32, %arg0, %c0_i32_0 : i32, i32, i32
  }
  func.func @transform_1(%arg0: i32) -> (i32, i32, i32) {
    %c0_i32 = arith.constant 0 : i32
    %c0_i32_0 = arith.constant 0 : i32
    %c0_i32_1 = arith.constant 0 : i32
    return %c0_i32, %arg0, %c0_i32_0 : i32, i32, i32
  }
  func.func @transform_2(%arg0: i32) -> (i32, i32) {
    %c0_i32 = arith.constant 0 : i32
    %c0_i32_0 = arith.constant 0 : i32
    %c0_i32_1 = arith.constant 0 : i32
    return %c0_i32, %c0_i32_0 : i32, i32
  }
  func.func @transform_3(%arg0: i32) -> (i32, i32) {
    %c0_i32 = arith.constant 0 : i32
    %c0_i32_0 = arith.constant 0 : i32
    %c0_i32_1 = arith.constant 0 : i32
    return %c0_i32, %c0_i32_0 : i32, i32
  }
  func.func @transform_4(%arg0: i32) -> (i32, i32) {
    %c0_i32 = arith.constant 0 : i32
    %c0_i32_0 = arith.constant 0 : i32
    return %arg0, %c0_i32 : i32, i32
  }
}

</mosaic_0001>

<sc_bundles>
// kernel: kernel.12.cloned.1.call-start
scs
__scs_entry_jumppad:
0x0: {  	(pc) =	sbr.rel $0x88, $3  }
0x1: {  	(tag) =	ssettag $0x0;
	lr =	simm.s32 $0x1  }
0x2: {  	[smem:$0x3F99] =	sst lr;
	_ =	strace $0xD0000000  }
0x3: {  	_ = 	snop  }
0x4: {  	_ = 	snop  }
0x5: {  	_ = 	snop  }
0x6: {  	_ = 	snop  }
0x7: {  	_ = 	snop  }
__scs_overlays_trampoline_lowered:
0x8: {  	[smem:$0x3FA8] =	sst s0  }
0x9: {  	[smem:$0x3FA9] =	sst s1  }
0xa: {  	[smem:$0x3FAA] =	sst s2  }
0xb: {  	[smem:$0x3FAB] =	sst s3  }
0xc: {  	[smem:$0x3FAC] =	sst s4  }
0xd: {  	[smem:$0x3FAD] =	sst s5  }
0xe: {  	[smem:$0x3FAE] =	sst s6  }
0xf: {  	[smem:$0x3FAF] =	sst s7  }
0x10: {  	[smem:$0x3FB0] =	sst s8  }
0x11: {  	[smem:$0x3FB1] =	sst s9;
	s0 =	simm.s32 @!p0 $0x0  }
0x12: {  	s1 =	sld [smem:$0x3F97];
	s0 =	simm.s32 @p0 $0x1  }
0x13: {  	[smem:$0x3FB2] =	sst s0;
	s0 =	simm.s32 @!p1 $0x0  }
0x14: {  	s2 =	sld [smem:$0x3F96];
	s0 =	simm.s32 @p1 $0x1  }
0x15: {  	[smem:$0x3FB3] =	sst s0;
	s0 =	simm.s32 @!p2 $0x0  }
0x16: {  	s3 =	sld [smem:$0x3FDB];
	s0 =	simm.s32 @p2 $0x1  }
0x17: {  	s4 =	simm.s32 $0x1BF5;
	[smem:$0x3FB5] =	sst s0  }
0x18: {  	s0 =	sld [smem:$0x3F98];
	_ =	swait.ge [sflag:s4], $0x0  }
0x19: {  	s7 =	sld [smem:$0x3F99]  }
0x1a: {  	s8 =	sadd.s32 $0xFFFFE003, lr  }
0x1b: {  	s9 =	sadd.s32 $0xFFFFFEF7, lr;
	s5 =	simm.s32 $0xFFFFFFFF;
	p2 =	slt.u32 s8, $0xFFFFF086  }
0x1c: {  	p1 =	slt.u32 s9, $0xF7A;
	s5 =	simm.s32 @!p2 $0x0  }
0x1d: {  	s5 =	simm.s32 @p1 $0x1;
	p0 =	seq.s32 s7, s2  }
0x1e: {  	s7 =	smul.u32 @!p0 $0xF7A, s2;
	p2 =	seq.s32 @!p0 s5, $0x0  }
0x1f: {  	s9 =	smul.u32 $0xF7A, s1;
	s8 =	simm.s32 @!p0 $0x1BF5;
	p2 =	por !p2, p0  }
0x20: {  	[sflag:s8] =	ssyncset.s32 @!p0 $0xFFFFF086;
	s6 =	sadd.s32 @!p0 s3, s7;
	s7 =	simm.s32 @!p0 $0x108  }
0x21: {  	s3 =	sadd.s32 s3, s9;
	s6 =	sadd.s32 @!p0 $0x88, s6;
	s7 =	simm.s32 @p2 $0x1082  }
0x22: {  	[simem:s7], [sflag:s8] =	dma.local @!p0 [hbm:s6], $0xF7A  }
0x23: {  	s9 =	sor.u32 $0xD0000000, s2;
	s6 =	simm.s32 $0x108;
	_ =	swait.ge @!p0 [sflag:s8], $0x0  }
0x24: {  	s3 =	sadd.s32 $0x88, s3;
	s6 =	simm.s32 @!p1 $0x1082;
	[sflag:s4] =	ssyncset.s32 $0xFFFFF086  }
0x25: {  	[simem:s6], [sflag:s4] =	dma.local [hbm:s3], $0xF7A  }
0x26: {  	[smem:$0x3F99] =	sst s1;
	(tag) =	ssettag s2;
	_ =	strace s9  }
0x27: {  	s1 =	sld [smem:$0x3FA9]  }
0x28: {  	s2 =	sld [smem:$0x3FAA]  }
0x29: {  	s4 =	sld [smem:$0x3FAC]  }
0x2a: {  	p0 =	seq.s32 s5, $0x0;
	s5 =	sld [smem:$0x3FAD]  }
0x2b: {  	s6 =	sld [smem:$0x3FAE]  }
0x2c: {  	s7 =	sld [smem:$0x3FAF]  }
0x2d: {  	s3 =	simm.s32 $0x108;
	s8 =	sld [smem:$0x3FB0]  }
0x2e: {  	s3 =	simm.s32 @!p0 $0x1082;
	s9 =	sld [smem:$0x3FB1]  }
0x2f: {  	lr =	sadd.s32 s0, s3;
	s0 =	sld [smem:$0x3FA8]  }
0x30: {  	s3 =	sld [smem:$0x3FAB]  }
0x31: {  	[smem:$0x3FB4] =	sst s10  }
0x32: {  	s10 =	sld [smem:$0x3FB2];
	_ =	sdelay $0x3  }
0x33: {  	p0 =	seq.s32 s10, $0x1;
	s10 =	sld [smem:$0x3FB4];
	_ =	sdelay $0x3  }
0x34: {  	[smem:$0x3FB4] =	sst s10  }
0x35: {  	s10 =	sld [smem:$0x3FB3];
	_ =	sdelay $0x3  }
0x36: {  	p1 =	seq.s32 s10, $0x1;
	s10 =	sld [smem:$0x3FB4];
	_ =	sdelay $0x3  }
0x37: {  	[smem:$0x3FB4] =	sst s10  }
0x38: {  	s10 =	sld [smem:$0x3FB5]  }
0x39: {  	_ = 	snop;
	(pc) =	sbr.ind lr, $3  }
0x3a: {  	_ = 	snop  }
0x3b: {  	_ = 	snop  }
0x3c: {  	p2 =	seq.s32 s10, $0x1;
	s10 =	sld [smem:$0x3FB4]  }
0x3d: {  	_ =	shalt  }
0x3e: {  	_ =	shalt  }
0x3f: {  	_ =	shalt  }
0x40: {  	_ =	shalt  }
0x41: {  	_ =	shalt  }
0x42: {  	_ =	shalt  }
0x43: {  	_ =	shalt  }
0x44: {  	_ =	shalt  }
0x45: {  	_ =	shalt  }
0x46: {  	_ =	shalt  }
0x47: {  	_ =	shalt  }
0x48: {  	_ =	shalt  }
0x49: {  	_ =	shalt  }
0x4a: {  	_ =	shalt  }
0x4b: {  	_ =	shalt  }
0x4c: {  	_ =	shalt  }
0x4d: {  	_ =	shalt  }
0x4e: {  	_ =	shalt  }
0x4f: {  	_ =	shalt  }
0x50: {  	_ =	shalt  }
0x51: {  	_ =	shalt  }
0x52: {  	_ =	shalt  }
0x53: {  	_ =	shalt  }
0x54: {  	_ =	shalt  }
0x55: {  	_ =	shalt  }
0x56: {  	_ =	shalt  }
0x57: {  	_ =	shalt  }
0x58: {  	_ =	shalt  }
0x59: {  	_ =	shalt  }
0x5a: {  	_ =	shalt  }
0x5b: {  	_ =	shalt  }
0x5c: {  	_ =	shalt  }
0x5d: {  	_ =	shalt  }
0x5e: {  	_ =	shalt  }
0x5f: {  	_ =	shalt  }
0x60: {  	_ =	shalt  }
0x61: {  	_ =	shalt  }
0x62: {  	_ =	shalt  }
0x63: {  	_ =	shalt  }
0x64: {  	_ =	shalt  }
0x65: {  	_ =	shalt  }
0x66: {  	_ =	shalt  }
0x67: {  	_ =	shalt  }
0x68: {  	_ =	shalt  }
0x69: {  	_ =	shalt  }
0x6a: {  	_ =	shalt  }
0x6b: {  	_ =	shalt  }
0x6c: {  	_ =	shalt  }
0x6d: {  	_ =	shalt  }
0x6e: {  	_ =	shalt  }
0x6f: {  	_ =	shalt  }
0x70: {  	_ =	shalt  }
0x71: {  	_ =	shalt  }
0x72: {  	_ =	shalt  }
0x73: {  	_ =	shalt  }
0x74: {  	_ =	shalt  }
0x75: {  	_ =	shalt  }
0x76: {  	_ =	shalt  }
0x77: {  	_ =	shalt  }
0x78: {  	_ =	shalt  }
0x79: {  	_ =	shalt  }
0x7a: {  	_ =	shalt  }
0x7b: {  	_ =	shalt  }
0x7c: {  	_ =	shalt  }
0x7d: {  	_ =	shalt  }
0x7e: {  	_ =	shalt  }
0x7f: {  	_ =	shalt  }
0x80: {  	_ =	shalt  }
0x81: {  	_ =	shalt  }
0x82: {  	_ =	shalt  }
0x83: {  	_ =	shalt  }
0x84: {  	_ =	shalt  }
0x85: {  	_ =	shalt  }
0x86: {  	_ =	shalt  }
0x87: {  	_ =	shalt  }
.Lfunc_end0:
.L_simem_size_0:
called_computation.1_lowered:
.L_overlay_start_0:
0x88: {  	s2 =	sld [smem:$0x3FD9]  }
0x89: {  	s3 =	sld [smem:$0x3FFE];
	_ =	sdelay $0x1  }
0x8a: {  	s1 =	srdreg.scid  }
0x8b: {  	s0 =	sand.u32 $0x1, s1  }
0x8c: {  	s14 =	sshll.u32 s0, $0xA;
	s2 =	sadd.s32 s3, s2  }
0x8d: {  	s2 =	sadd.s32 s2, s14  }
0x8e: {  	[smem:$0x3FC0] =	sst s2  }
0x8f: {  	_ = 	snop  }
0x90: {  	s2 =	sld [smem:$0x3FD0];
	_ =	sdelay $0x2  }
0x91: {  	s4 =	simm.s32 $0xA;
	s5 =	simm.s32 $0x10;
	s15 =	sld [smem:$0x3FC8]  }
0x92: {  	[smem:s5], [sflag:s4] =	dma.local [hbm:s2], $0x1  }
0x93: {  	_ =	swait.eq [sflag:s4], $0x1  }
0x94: {  	[sflag:s4] =	ssyncset.done $0x0  }
0x95: {  	[sflag:s4] =	ssyncadd.s32 $0xFFFFFFFF  }
0x96: {  	s16 =	sld [smem:$0x11];
	(tm) =	ssettm $0x1  }
0x97: {  	s17 =	sld [smem:$0x3FFB];
	_ =	sdelay $0x3  }
0x98: {  	_ =	strace s17  }
0x99: {  	s4 =	sld [smem:$0x3FFC];
	_ =	sdelay $0x3  }
0x9a: {  	_ =	strace s4  }
0x9b: {  	s4 =	sld [smem:$0x3FFD];
	_ =	sdelay $0x3  }
0x9c: {  	_ =	strace s4  }
0x9d: {  	_ =	strace $0x8FFFFFFF  }
0x9e: {  	s18 =	sld [smem:$0x3FDB];
	_ =	sdelay $0x1  }
0x9f: {  	s19 =	simm.s32 $_scs_section_size  }
0xa0: {  	s6 =	simm.s32 $_size__tile_overlayer_lowered;
	s7 =	simm.s32 $_tile_overlayer_lowered  }
0xa1: {  	s22 =	simm.s32 $0x1BFF;
	s21 =	sshll.u32 s7, $0x1;
	s4 =	sadd.s32 s19, s18  }
0xa2: {  	s8 =	simm.s32 $0x0;
	s20 =	sshll.u32 s6, $0x1;
	s6 =	sadd.s32 s21, s4  }
0xa3: {  	[timem:s8], [sflag:s22] =	dma.local [hbm:s6], s20  }
0xa4: {  	_ =	swait.ge [sflag:s22], s20  }
0xa5: {  	s5 =	ssub.s32 $0x0, s20;
	[sflag:s22] =	ssyncset.done $0x0  }
0xa6: {  	[sflag:s22] =	ssyncadd.s32 s5;
	_ =	sdelay $0x1  }
0xa7: {  	s23 =	simm.s32 $0x1B8B  }
0xa8: {  	_ =	swait.ge [sflag:s23], $0x1  }
0xa9: {  	[sflag:s23] =	ssyncset.done $0x0  }
0xaa: {  	s25 =	simm.s32 $0x1B8E;
	s24 =	sld [smem:$0x3FFE];
	[sflag:s23] =	ssyncadd.s32 $0xFFFFFFFF  }
0xab: {  	s26 =	simm.s32 $execute0_lowered;
	[smem:$0x3FD2] =	sst s25  }
0xac: {  	s6 =	sshll.u32 s26, $0x1;
	_ =	strace $0x80000049;
	[dreg:$0x1] =	wrdreg $0xFFFFFFFF  }
0xad: {  	s28 =	simm.s32 $_size_execute0_lowered;
	s4 =	sadd.s32 s4, s6;
	[dreg:$0x0] =	wrdreg $0x0  }
0xae: {  	s6 =	sshll.u32 s28, $0x1;
	[dreg:$0x2] =	wrdreg s4  }
0xaf: {  	[dreg:$0x3] =	wrdreg s6  }
0xb0: {  	[dreg:$0x4] =	wrdreg $0xC0  }
0xb1: {  	_ =	task [dreg:s8], $0x5FFFF  }
0xb2: {  	[dreg:$0x1] =	wrdreg $0xFFFFFFFF  }
0xb3: {  	[dreg:$0x0] =	wrdreg $0x60  }
0xb4: {  	[dreg:$0x2] =	wrdreg s16  }
0xb5: {  	[dreg:$0x3] =	wrdreg s15  }
0xb6: {  	[dreg:$0x4] =	wrdreg s24  }
0xb7: {  	[dreg:$0x5] =	wrdreg $0xA9000  }
0xb8: {  	[dreg:$0x6] =	wrdreg $0x9  }
0xb9: {  	_ =	task.clear_ibuf [dreg:s8], $0x7FFFF;
	_ =	strace $0x90000049  }
0xba: {  	s29 =	simm.s32 $0x9;
	_ =	strace $0x8000004B  }
0xbb: {  	_ =	swait.ge [sflag:s29], $0x1  }
0xbc: {  	[sflag:s29] =	ssyncadd.s32 $0xFFFFFFFF  }
0xbd: {  	_ =	strace $0x9000004B  }
0xbe: {  	_ =	sfence  }
0xbf: {  	s30 =	sld [smem:$0x0];
	_ =	sdelay $0x2  }
0xc0: {  	s31 =	sshll.u32 s1, $0xD;
	s1 =	sshrl.u32 s1, $0x2  }
0xc1: {  	s3 =	sand.u32 $0x4000, s31;
	s1 =	sadd.s32 s1, s30  }
0xc2: {  	s0 =	sor.u32 s3, s0;
	s1 =	sshll.u32 s1, $0x11  }
0xc3: {  	s0 =	sor.u32 s1, s0  }
0xc4: {  	s0 =	sadd.s32 $0x8F2B, s0  }
0xc5: {  	[sflag:s0] =	ssyncadd.remote.s32 $0x1  }
0xc6: {  	_ =	sfence.sel $0xFFFF  }
0xc7: {  	[dreg:$0x0] =	wrdreg $0xFFFFFFFF;
	(pc) =	sbr.abs _section_cstart, $3  }
0xc8: {  	[dreg:$0x1] =	wrdreg $0xFFFFFFFF  }
0xc9: {  	_ =	task.clear_ibuf [dreg:s8], $0x2FFFF;
	_ =	strace $0x9FFFFFFF  }
0xca: {  	(tm) =	ssettm $0x7FFFFFFF  }
0xcb: {  	_ =	shalt  }
tec
execute0_lowered:
.L_overlay_start_1:
0x0: {  	(tag) =	ssettag $0x1  }
0x1: {  	s1 =	rddreg [dreg:$0x0]  }
0x2: {  	s2 =	rddreg [dreg:$0x1]  }
0x3: {  	s5 =	rddreg [dreg:$0x2]  }
0x4: {  	s4 =	srdreg.scid;
	s0 =	stileid.u32  }
0x5: {  	s3 =	rddreg [dreg:$0x3];
	s30 =	simm.s32 $0x2780;
	s31 =	simm.s32 $0x2500  }
0x6: {  	s7 =	sand.u32 $0x1, s4;
	s6 =	sshll.u32 s0, $0x1;
	s11 =	smul.u32 $0x4E000, s0  }
0x7: {  	s4 =	simm.s32 $0x0;
	s14 =	sadd.s32 $0x51400, s5;
	s12 =	smul.u32 $0x2700, s0  }
0x8: {  	s23 =	sadd.s32 $0x27000, s1;
	s24 =	smul.u32 $0x13800, s0;
	p1 =	seq.s32 s0, $0xF  }
0x9: {  	p2 =	sgt.u32 s0, $0x1;
	s9 =	sor.u32 s7, s6;
	[smem:$0x7FF] =	sst s4  }
0xa: {  	s19 =	ssub.s32 $0x2, s7;
	p0 =	seq.s32 s7, $0x1;
	s7 =	smul.u32 $0x138800, s7  }
0xb: {  	p3 =	sne.s32 s0, $0xF;
	s8 =	smul.u32 $0x9C0, s9;
	_ =	strace $0x8000004A  }
0xc: {  	s10 =	sshrl.u32 s19, $0x1;
	s20 =	sshrl.u32 s11, $0x2;
	s21 =	smul.u32 $0x4E00, s9  }
0xd: {  	s22 =	sadd.s32 s1, s12;
	[dreg:$0x6] =	wrdreg s23;
	s9 =	sshll.u32 s9, $0x5  }
0xe: {  	s23 =	simm.s32 $0x80;
	s10 =	ssub.s32 s19, s10;
	s6 =	sadd.s32 s20, s3  }
0xf: {  	[dreg:$0x5] =	wrdreg s22;
	s25 =	sadd.s32 s24, s7;
	s7 =	sshrl.u32 s7, $0x3  }
0x10: {  	s20 =	simm.s32 $0x2800;
	s22 =	simm.s32 $0x3;
	s24 =	simm.s32 $0x6800  }
0x11: {  	s5 =	sadd.s32 s2, s8;
	s8 =	sadd.s32 $0x138000, s3;
	s11 =	sshrl.u32 s21, $0x3  }
0x12: {  	s13 =	sadd.s32 $0x10000, s6;
	s7 =	sadd.s32 s14, s7;
	s16 =	smax.u32 s10, $0x1  }
0x13: {  	s26 =	sadd.s32 $0x4000, s6;
	s28 =	sadd.s32 $0x8000, s6;
	[dreg:$0x7] =	wrdreg s13  }
0x14: {  	s29 =	sadd.s32 $0xC000, s6;
	s21 =	simm.s32 $0x4;
	[dreg:$0x8] =	wrdreg s26  }
0x15: {  	s11 =	sadd.s32 s2, s11;
	s2 =	sadd.s32 s9, s2;
	[dreg:$0x9] =	wrdreg s28  }
0x16: {  	s9 =	sshrl.u32 s25, $0x3;
	s15 =	sadd.s32 $0x27000, s7;
	[dreg:$0xa] =	wrdreg s29  }
0x17: {  	s25 =	simm.s32 $0x1;
	s26 =	simm.s32 $0x2;
	s7 =	simm.s32 $0x2580  }
0x18: {  	s11 =	sadd.s32 $0x500, s11;
	s12 =	sadd.s32 $0x13800, s2;
	s13 =	sadd.s32 $0x13810, s2  }
0x19: {  	v0 =	vimm.f32 $0.0e+00;
	s14 =	sadd.s32 s14, s9;
	s2 =	simm.s32 $0x2480;
	s9 =	simm.s32 $0x0  }
.LBB2_1:
.Ltmp0:
0x1a: {  	(pc) =	sbr.rel @!p0 .LBB2_2-.Ltmp0, $3  }
0x1b: {  	_ =	sdelay $0x1  }
0x1c: {  	[tilespmem:s4], [sflag:$0x3] =	stream.linear.gather [hbm4b:s5+s4], $0x2800, $0x38;
	[tilespmem:$0x1E180] =	vst v63  }
0x1d: {  	s10 =	sshrl.u32 @!p3 s8, $0x3  }
0x1e: {  	s17 =	sshra.s32 s4, $0x2;
	s18 =	sadd.s32 $0x200, s4  }
.LBB2_4:
0x1f: {  	p4 =	seq.s32 s18, $0xFE00;
	[tilespmem:s17+$0x2870] =	vst v0  }
0x20: {  	[tilespmem:s17+$0x2800] =	vst v0  }
0x21: {  	[tilespmem:s17+$0x2810] =	vst v0  }
.Ltmp1:
0x22: {  	[tilespmem:s17+$0x2820] =	vst v0;
	(pc) =	sbr.rel @!p4 .LBB2_4-.Ltmp1, $4  }
0x23: {  	[tilespmem:s17+$0x2830] =	vst v0  }
0x24: {  	[tilespmem:s17+$0x2840] =	vst v0  }
0x25: {  	[tilespmem:s17+$0x2850] =	vst v0  }
0x26: {  	[tilespmem:s17+$0x2860] =	vst v0;
	s17 =	sshra.s32 s18, $0x2;
	s18 =	sadd.s32 $0x200, s18  }
0x27: {  	[tilespmem:s17+$0x2870] =	vst v0  }
0x28: {  	[tilespmem:s17+$0x2800] =	vst v0  }
0x29: {  	[tilespmem:s17+$0x2810] =	vst v0  }
0x2a: {  	[tilespmem:s17+$0x2820] =	vst v0  }
0x2b: {  	[tilespmem:s17+$0x2830] =	vst v0  }
0x2c: {  	[tilespmem:s17+$0x2840] =	vst v0  }
0x2d: {  	[tilespmem:s17+$0x2850] =	vst v0  }
0x2e: {  	[tilespmem:s17+$0x2860] =	vst v0  }
0x2f: {  	[spmem:s6] =	stream.linear.scatter [tilespmem:s20], [sflag:$0x4], $0x4000, $0x38;
	[tilespmem:$0x1E180] =	vst v63  }
0x30: {  	_ =	swait.ge [sflag:s21], $0x4000  }
0x31: {  	[sflag:s21] =	ssyncset.done $0x0  }
0x32: {  	s18 =	rddreg [dreg:$0x8];
	[sflag:s21] =	ssyncadd.s32 $0xFFFFC000  }
0x33: {  	[spmem:s18] =	stream.linear.scatter [tilespmem:s20], [sflag:$0x4], $0x4000, $0x38;
	[tilespmem:$0x1E180] =	vst v63  }
0x34: {  	_ =	swait.ge [sflag:s21], $0x4000  }
0x35: {  	[sflag:s21] =	ssyncset.done $0x0  }
0x36: {  	s19 =	rddreg [dreg:$0x9];
	[sflag:s21] =	ssyncadd.s32 $0xFFFFC000  }
0x37: {  	[spmem:s19] =	stream.linear.scatter [tilespmem:s20], [sflag:$0x4], $0x4000, $0x38;
	[tilespmem:$0x1E180] =	vst v63  }
0x38: {  	_ =	swait.ge [sflag:s21], $0x4000  }
0x39: {  	[sflag:s21] =	ssyncset.done $0x0  }
0x3a: {  	s28 =	rddreg [dreg:$0xa];
	[sflag:s21] =	ssyncadd.s32 $0xFFFFC000  }
0x3b: {  	[spmem:s28] =	stream.linear.scatter [tilespmem:s20], [sflag:$0x4], $0x4000, $0x38;
	[tilespmem:$0x1E180] =	vst v63  }
0x3c: {  	_ =	swait.ge [sflag:s21], $0x4000  }
0x3d: {  	[sflag:s21] =	ssyncset.done $0x0  }
0x3e: {  	s29 =	rddreg [dreg:$0x7];
	[sflag:s21] =	ssyncadd.s32 $0xFFFFC000  }
0x3f: {  	[spmem:s29] =	stream.linear.scatter [tilespmem:s20], [sflag:$0x4], $0x3800, $0x38;
	[tilespmem:$0x1E180] =	vst v63  }
0x40: {  	_ =	swait.ge [sflag:s21], $0x3800  }
0x41: {  	[sflag:s21] =	ssyncset.done $0x0  }
0x42: {  	s17 =	simm.s32 @p1 $0x2800;
	[sflag:s21] =	ssyncadd.s32 $0xFFFFC800  }
0x43: {  	[spmem:s8] =	stream.linear.scatter @p1 [tilespmem:s17], [sflag:$0x4], $0x800, $0x38;
	[tilespmem:$0x1E180] =	vst v63  }
.Ltmp2:
0x44: {  	_ = 	snop;
	(pc) =	sbr.rel .LBB2_6-.Ltmp2, $4  }
0x45: {  	s17 =	simm.s32 @p1 $0x4  }
0x46: {  	_ =	swait.ge @p1 [sflag:s17], $0x800  }
0x47: {  	[sflag:s17] =	ssyncset.done @p1 $0x0  }
0x48: {  	[sflag:s17] =	ssyncadd.s32 @p1 $0xFFFFF800  }
.LBB2_2:
0x49: {  	s17 =	sshll.u32 s0, $0x6  }
0x4a: {  	s18 =	sshrl.u32 s6, $0x3;
	s19 =	rddreg [dreg:$0x5];
	s17 =	sor.u32 $0x1C04, s17  }
0x4b: {  	[spmem:s18], [sflag:s17] =	dma.local [hbm:s19], $0x2700  }
0x4c: {  	_ =	swait.ge [sflag:s21], $0x2700  }
0x4d: {  	[sflag:s21] =	ssyncset.done $0x0  }
0x4e: {  	s18 =	rddreg [dreg:$0x6];
	[sflag:s21] =	ssyncadd.s32 $0xFFFFD900  }
0x4f: {  	[spmem:s10], [sflag:s17] =	dma.local @!p3 [hbm:s18], $0x100  }
0x50: {  	s17 =	simm.s32 @!p3 $0x4  }
0x51: {  	_ =	swait.ge @!p3 [sflag:s17], $0x100  }
0x52: {  	[sflag:s17] =	ssyncset.done @!p3 $0x0  }
0x53: {  	[sflag:s17] =	ssyncadd.s32 @!p3 $0xFFFFFF00  }
.LBB2_6:
0x54: {  	_ =	swait.ge [sflag:s22], $0x2800  }
0x55: {  	[sflag:s22] =	ssyncset.done $0x0  }
0x56: {  	[sflag:s22] =	ssyncadd.s32 $0xFFFFD800  }
0x57: {  	[bflag:$0x0] =	sbarrier.arrive $0xFFFF  }
0x58: {  	[tilespmem:s20], [sflag:$0x1] =	stream.indirect.gather [hbm4b:s1+s23], $0x80, s4, s23, $0xb8;
	[tilespmem:$0x1E180] =	vst v63  }
0x59: {  	s17 =	simm.s32 $0x100  }
0x5a: {  	[tilespmem:s24], [sflag:$0x2] =	stream.indirect.gather [hbm4b:s1+s23], $0x80, s17, s23, $0xb8;
	[tilespmem:$0x1E180] =	vst v63  }
0x5b: {  	_ =	swait.ge [sflag:s25], $0x4000  }
0x5c: {  	[sflag:s25] =	ssyncset.done $0x0  }
0x5d: {  	s19 =	simm.s32 $0x80;
	[sflag:s25] =	ssyncadd.s32 $0xFFFFC000  }
0x5e: {  	[spmem:s3] =	stream.indirect.scatter.add.f32 [tilespmem:s20], [sflag:$0x4], $0x80, s19, s23, $0xb8;
	[tilespmem:$0x1E180] =	vst v63  }
0x5f: {  	_ =	swait.ge [sflag:s21], $0x4000  }
0x60: {  	[sflag:s21] =	ssyncset.done $0x0  }
0x61: {  	s28 =	simm.s32 $0x200;
	[sflag:s21] =	ssyncadd.s32 $0xFFFFC000  }
0x62: {  	[tilespmem:s20], [sflag:$0x1] =	stream.indirect.gather [hbm4b:s1+s23], $0x80, s28, s23, $0xb8;
	[tilespmem:$0x1E180] =	vst v63  }
0x63: {  	_ =	swait.ge [sflag:s26], $0x4000  }
0x64: {  	[sflag:s26] =	ssyncset.done $0x0  }
0x65: {  	s29 =	simm.s32 $0x180;
	[sflag:s26] =	ssyncadd.s32 $0xFFFFC000  }
0x66: {  	[spmem:s3] =	stream.indirect.scatter.add.f32 [tilespmem:s24], [sflag:$0x4], $0x80, s29, s23, $0xb8;
	[tilespmem:$0x1E180] =	vst v63  }
0x67: {  	_ =	swait.ge [sflag:s21], $0x4000  }
0x68: {  	s18 =	simm.s32 $0xFFFF7800;
	s17 =	simm.s32 $0xFFFFDC00;
	[sflag:s21] =	ssyncset.done $0x0  }
.LBB2_7:
0x69: {  	s28 =	sadd.s32 $0x2700, s17  }
0x6a: {  	[sflag:s21] =	ssyncadd.s32 $0xFFFFC000;
	s19 =	smov.u32 s18;
	s29 =	sadd.s32 $0x800, s18  }
0x6b: {  	[tilespmem:s24], [sflag:$0x2] =	stream.indirect.gather [hbm4b:s1+s23], $0x80, s28, s23, $0xb8;
	[tilespmem:$0x1E180] =	vst v63  }
0x6c: {  	p4 =	sne.s32 s18, $0xFFFFF800;
	_ =	swait.ge [sflag:s25], $0x4000  }
0x6d: {  	[sflag:s25] =	ssyncset.done $0x0  }
0x6e: {  	s18 =	sadd.s32 $0x2680, s17;
	[sflag:s25] =	ssyncadd.s32 $0xFFFFC000  }
0x6f: {  	[spmem:s3] =	stream.indirect.scatter.add.f32 [tilespmem:s20], [sflag:$0x4], $0x80, s18, s23, $0xb8;
	[tilespmem:$0x1E180] =	vst v63  }
0x70: {  	_ =	swait.ge [sflag:s21], $0x4000  }
0x71: {  	[sflag:s21] =	ssyncset.done $0x0  }
0x72: {  	s18 =	sadd.s32 $0x2800, s17;
	[sflag:s21] =	ssyncadd.s32 $0xFFFFC000  }
0x73: {  	[tilespmem:s20], [sflag:$0x1] =	stream.indirect.gather [hbm4b:s1+s23], $0x80, s18, s23, $0xb8;
	[tilespmem:$0x1E180] =	vst v63  }
0x74: {  	_ =	swait.ge [sflag:s26], $0x4000  }
.Ltmp3:
0x75: {  	[sflag:s26] =	ssyncset.done $0x0;
	(pc) =	sbr.rel @p4 .LBB2_7-.Ltmp3, $4  }
0x76: {  	s17 =	sadd.s32 $0x2780, s17;
	[sflag:s26] =	ssyncadd.s32 $0xFFFFC000  }
0x77: {  	[spmem:s3] =	stream.indirect.scatter.add.f32 [tilespmem:s24], [sflag:$0x4], $0x80, s17, s23, $0xb8;
	[tilespmem:$0x1E180] =	vst v63  }
0x78: {  	_ =	swait.ge [sflag:s21], $0x4000  }
0x79: {  	s18 =	smov.u32 s29;
	s17 =	sshra.s32 s19, $0x2;
	[sflag:s21] =	ssyncset.done $0x0  }
0x7a: {  	s18 =	sadd.s32 $0x2700, s17;
	[sflag:s21] =	ssyncadd.s32 $0xFFFFC000  }
0x7b: {  	[tilespmem:s24], [sflag:$0x2] =	stream.indirect.gather [hbm4b:s1+s23], $0x80, s18, s23, $0xb8;
	[tilespmem:$0x1E180] =	vst v63  }
0x7c: {  	_ =	swait.ge [sflag:s25], $0x4000  }
0x7d: {  	[sflag:s25] =	ssyncset.done $0x0  }
0x7e: {  	s28 =	sadd.s32 $0x2680, s17;
	[sflag:s25] =	ssyncadd.s32 $0xFFFFC000  }
0x7f: {  	[spmem:s3] =	stream.indirect.scatter.add.f32 [tilespmem:s20], [sflag:$0x4], $0x80, s28, s23, $0xb8;
	[tilespmem:$0x1E180] =	vst v63  }
0x80: {  	_ =	swait.ge [sflag:s21], $0x4000  }
0x81: {  	[sflag:s21] =	ssyncset.done $0x0  }
0x82: {  	s29 =	sadd.s32 $0x2800, s17;
	[sflag:s21] =	ssyncadd.s32 $0xFFFFC000  }
0x83: {  	[tilespmem:s20], [sflag:$0x1] =	stream.indirect.gather [hbm4b:s1+s23], $0x80, s29, s23, $0xb8;
	[tilespmem:$0x1E180] =	vst v63  }
0x84: {  	_ =	swait.ge [sflag:s26], $0x4000  }
0x85: {  	[sflag:s26] =	ssyncset.done $0x0  }
0x86: {  	s19 =	sadd.s32 $0x2780, s17;
	[sflag:s26] =	ssyncadd.s32 $0xFFFFC000  }
0x87: {  	[spmem:s3] =	stream.indirect.scatter.add.f32 [tilespmem:s24], [sflag:$0x4], $0x80, s19, s23, $0xb8;
	[tilespmem:$0x1E180] =	vst v63  }
0x88: {  	_ =	swait.ge [sflag:s21], $0x4000  }
0x89: {  	[sflag:s21] =	ssyncset.done $0x0  }
0x8a: {  	s28 =	simm.s32 $0x2700;
	[sflag:s21] =	ssyncadd.s32 $0xFFFFC000  }
0x8b: {  	[tilespmem:s24], [sflag:$0x2] =	stream.indirect.gather [hbm4b:s1+s23], $0x80, s28, s23, $0xb8;
	[tilespmem:$0x1E180] =	vst v63  }
0x8c: {  	_ =	swait.ge [sflag:s25], $0x4000  }
0x8d: {  	[sflag:s25] =	ssyncset.done $0x0  }
0x8e: {  	s29 =	simm.s32 $0x2680;
	[sflag:s25] =	ssyncadd.s32 $0xFFFFC000  }
0x8f: {  	[spmem:s3] =	stream.indirect.scatter.add.f32 [tilespmem:s20], [sflag:$0x4], $0x80, s29, s23, $0xb8;
	[tilespmem:$0x1E180] =	vst v63  }
0x90: {  	_ =	swait.ge [sflag:s21], $0x4000  }
0x91: {  	[sflag:s21] =	ssyncset.done $0x0  }
0x92: {  	[sflag:s21] =	ssyncadd.s32 $0xFFFFC000  }
0x93: {  	_ =	swait.ge [sflag:s26], $0x4000  }
0x94: {  	[sflag:s26] =	ssyncset.done $0x0  }
0x95: {  	[sflag:s26] =	ssyncadd.s32 $0xFFFFC000  }
0x96: {  	[spmem:s3] =	stream.indirect.scatter.add.f32 [tilespmem:s24], [sflag:$0x4], $0x80, s30, s23, $0xb8;
	[tilespmem:$0x1E180] =	vst v63  }
0x97: {  	_ =	swait.ge [sflag:s21], $0x4000  }
0x98: {  	[sflag:s21] =	ssyncset.done $0x0  }
0x99: {  	[sflag:s21] =	ssyncadd.s32 $0xFFFFC000  }
0x9a: {  	[tilespmem:s4], [sflag:$0x4] =	stream.linear.gather [hbm4b:s11+s4], $0x2600, $0x38;
	[tilespmem:$0x1E180] =	vst v63  }
0x9b: {  	_ =	swait.ge [sflag:s21], $0x2600  }
0x9c: {  	[sflag:s21] =	ssyncset.done $0x0  }
0x9d: {  	[sflag:s21] =	ssyncadd.s32 $0xFFFFDA00  }
0x9e: {  	[tilespmem:s20], [sflag:$0x1] =	stream.indirect.gather [hbm4b:s1+s23], $0x80, s4, s23, $0xb8;
	[tilespmem:$0x1E180] =	vst v63  }
0x9f: {  	s18 =	simm.s32 $0x100  }
0xa0: {  	[tilespmem:s24], [sflag:$0x2] =	stream.indirect.gather [hbm4b:s1+s23], $0x80, s18, s23, $0xb8;
	[tilespmem:$0x1E180] =	vst v63  }
0xa1: {  	_ =	swait.ge [sflag:s25], $0x4000  }
0xa2: {  	[sflag:s25] =	ssyncset.done $0x0  }
0xa3: {  	s19 =	simm.s32 $0x80;
	[sflag:s25] =	ssyncadd.s32 $0xFFFFC000  }
0xa4: {  	[spmem:s3] =	stream.indirect.scatter.add.f32 [tilespmem:s20], [sflag:$0x4], $0x80, s19, s23, $0xb8;
	[tilespmem:$0x1E180] =	vst v63  }
0xa5: {  	_ =	swait.ge [sflag:s21], $0x4000  }
0xa6: {  	[sflag:s21] =	ssyncset.done $0x0  }
0xa7: {  	s28 =	simm.s32 $0x200;
	[sflag:s21] =	ssyncadd.s32 $0xFFFFC000  }
0xa8: {  	[tilespmem:s20], [sflag:$0x1] =	stream.indirect.gather [hbm4b:s1+s23], $0x80, s28, s23, $0xb8;
	[tilespmem:$0x1E180] =	vst v63  }
0xa9: {  	_ =	swait.ge [sflag:s26], $0x4000  }
0xaa: {  	[sflag:s26] =	ssyncset.done $0x0  }
0xab: {  	s29 =	simm.s32 $0x180;
	[sflag:s26] =	ssyncadd.s32 $0xFFFFC000  }
0xac: {  	[spmem:s3] =	stream.indirect.scatter.add.f32 [tilespmem:s24], [sflag:$0x4], $0x80, s29, s23, $0xb8;
	[tilespmem:$0x1E180] =	vst v63  }
0xad: {  	_ =	swait.ge [sflag:s21], $0x4000  }
0xae: {  	s17 =	simm.s32 $0xFFFFDE00;
	s18 =	simm.s32 $0xFFFF8000;
	[sflag:s21] =	ssyncset.done $0x0  }
.LBB2_9:
0xaf: {  	s19 =	sadd.s32 $0x2500, s17  }
0xb0: {  	[sflag:s21] =	ssyncadd.s32 $0xFFFFC000;
	s28 =	smov.u32 s18;
	s29 =	sadd.s32 $0x800, s18  }
0xb1: {  	[tilespmem:s24], [sflag:$0x2] =	stream.indirect.gather [hbm4b:s1+s23], $0x80, s19, s23, $0xb8;
	[tilespmem:$0x1E180] =	vst v63  }
0xb2: {  	p4 =	sne.s32 s18, $0xFFFFF800;
	_ =	swait.ge [sflag:s25], $0x4000  }
0xb3: {  	[sflag:s25] =	ssyncset.done $0x0  }
0xb4: {  	s18 =	sadd.s32 $0x2480, s17;
	[sflag:s25] =	ssyncadd.s32 $0xFFFFC000  }
0xb5: {  	[spmem:s3] =	stream.indirect.scatter.add.f32 [tilespmem:s20], [sflag:$0x4], $0x80, s18, s23, $0xb8;
	[tilespmem:$0x1E180] =	vst v63  }
0xb6: {  	_ =	swait.ge [sflag:s21], $0x4000  }
0xb7: {  	[sflag:s21] =	ssyncset.done $0x0  }
0xb8: {  	s18 =	sadd.s32 $0x2600, s17;
	[sflag:s21] =	ssyncadd.s32 $0xFFFFC000  }
0xb9: {  	[tilespmem:s20], [sflag:$0x1] =	stream.indirect.gather [hbm4b:s1+s23], $0x80, s18, s23, $0xb8;
	[tilespmem:$0x1E180] =	vst v63  }
0xba: {  	_ =	swait.ge [sflag:s26], $0x4000  }
.Ltmp4:
0xbb: {  	[sflag:s26] =	ssyncset.done $0x0;
	(pc) =	sbr.rel @p4 .LBB2_9-.Ltmp4, $4  }
0xbc: {  	s17 =	sadd.s32 $0x2580, s17;
	[sflag:s26] =	ssyncadd.s32 $0xFFFFC000  }
0xbd: {  	[spmem:s3] =	stream.indirect.scatter.add.f32 [tilespmem:s24], [sflag:$0x4], $0x80, s17, s23, $0xb8;
	[tilespmem:$0x1E180] =	vst v63  }
0xbe: {  	_ =	swait.ge [sflag:s21], $0x4000  }
0xbf: {  	s18 =	smov.u32 s29;
	s17 =	sshra.s32 s28, $0x2;
	[sflag:s21] =	ssyncset.done $0x0  }
0xc0: {  	s18 =	sadd.s32 $0x2500, s17;
	[sflag:s21] =	ssyncadd.s32 $0xFFFFC000  }
0xc1: {  	[tilespmem:s24], [sflag:$0x2] =	stream.indirect.gather [hbm4b:s1+s23], $0x80, s18, s23, $0xb8;
	[tilespmem:$0x1E180] =	vst v63  }
0xc2: {  	_ =	swait.ge [sflag:s25], $0x4000  }
0xc3: {  	[sflag:s25] =	ssyncset.done $0x0  }
0xc4: {  	s28 =	sadd.s32 $0x2480, s17;
	[sflag:s25] =	ssyncadd.s32 $0xFFFFC000  }
0xc5: {  	[spmem:s3] =	stream.indirect.scatter.add.f32 [tilespmem:s20], [sflag:$0x4], $0x80, s28, s23, $0xb8;
	[tilespmem:$0x1E180] =	vst v63  }
0xc6: {  	_ =	swait.ge [sflag:s21], $0x4000  }
0xc7: {  	[sflag:s21] =	ssyncset.done $0x0  }
0xc8: {  	s29 =	sadd.s32 $0x2600, s17;
	[sflag:s21] =	ssyncadd.s32 $0xFFFFC000  }
0xc9: {  	[tilespmem:s20], [sflag:$0x1] =	stream.indirect.gather [hbm4b:s1+s23], $0x80, s29, s23, $0xb8;
	[tilespmem:$0x1E180] =	vst v63  }
0xca: {  	_ =	swait.ge [sflag:s26], $0x4000  }
0xcb: {  	[sflag:s26] =	ssyncset.done $0x0  }
0xcc: {  	s19 =	sadd.s32 $0x2580, s17;
	[sflag:s26] =	ssyncadd.s32 $0xFFFFC000  }
0xcd: {  	[spmem:s3] =	stream.indirect.scatter.add.f32 [tilespmem:s24], [sflag:$0x4], $0x80, s19, s23, $0xb8;
	[tilespmem:$0x1E180] =	vst v63  }
0xce: {  	_ =	swait.ge [sflag:s21], $0x4000  }
0xcf: {  	[sflag:s21] =	ssyncset.done $0x0  }
0xd0: {  	[sflag:s21] =	ssyncadd.s32 $0xFFFFC000  }
0xd1: {  	[tilespmem:s24], [sflag:$0x2] =	stream.indirect.gather [hbm4b:s1+s23], $0x80, s31, s23, $0xb8;
	[tilespmem:$0x1E180] =	vst v63  }
0xd2: {  	_ =	swait.ge [sflag:s25], $0x4000  }
0xd3: {  	[sflag:s25] =	ssyncset.done $0x0  }
0xd4: {  	[sflag:s25] =	ssyncadd.s32 $0xFFFFC000  }
0xd5: {  	[spmem:s3] =	stream.indirect.scatter.add.f32 [tilespmem:s20], [sflag:$0x4], $0x80, s2, s23, $0xb8;
	[tilespmem:$0x1E180] =	vst v63  }
0xd6: {  	_ =	swait.ge [sflag:s21], $0x4000  }
0xd7: {  	[sflag:s21] =	ssyncset.done $0x0  }
0xd8: {  	[sflag:s21] =	ssyncadd.s32 $0xFFFFC000  }
0xd9: {  	_ =	swait.ge [sflag:s26], $0x4000  }
0xda: {  	[sflag:s26] =	ssyncset.done $0x0  }
0xdb: {  	[sflag:s26] =	ssyncadd.s32 $0xFFFFC000  }
0xdc: {  	[spmem:s3] =	stream.indirect.scatter.add.f32 [tilespmem:s24], [sflag:$0x4], $0x80, s7, s23, $0xb8;
	[tilespmem:$0x1E180] =	vst v63  }
0xdd: {  	_ =	swait.ge [sflag:s21], $0x4000  }
0xde: {  	s17 =	simm.s32 @!p2 $0x0;
	[sflag:s21] =	ssyncset.done $0x0  }
0xdf: {  	s18 =	simm.s32 @!p2 $0xA800;
	s19 =	simm.s32 @!p2 $0x4;
	[sflag:s21] =	ssyncadd.s32 $0xFFFFC000  }
0xe0: {  	[tilespmem:s18], [sflag:$0x4] =	stream.linear.gather @!p2 [hbm4b:s12+s17], $0x80, $0x38;
	[tilespmem:$0x1E180] =	vst v63  }
0xe1: {  	_ =	swait.ge @!p2 [sflag:s19], $0x80  }
0xe2: {  	[sflag:s19] =	ssyncset.done @!p2 $0x0  }
0xe3: {  	s28 =	simm.s32 @!p2 $0xA880;
	[sflag:s19] =	ssyncadd.s32 @!p2 $0xFFFFFF80  }
0xe4: {  	[tilespmem:s28], [sflag:$0x4] =	stream.linear.gather @!p2 [hbm4b:s13+s17], $0x80, $0x38;
	[tilespmem:$0x1E180] =	vst v63  }
0xe5: {  	_ =	swait.ge @!p2 [sflag:s19], $0x80  }
0xe6: {  	[sflag:s19] =	ssyncset.done @!p2 $0x0  }
0xe7: {  	s29 =	simm.s32 @!p2 $0x2800;
	s17 =	simm.s32 @!p2 $0x80;
	[sflag:s19] =	ssyncadd.s32 @!p2 $0xFFFFFF80  }
0xe8: {  	[tilespmem:s29], [sflag:$0x1] =	stream.indirect.gather @!p2 [hbm4b:s1+s17], $0x80, s18, s17, $0xb8;
	[tilespmem:$0x1E180] =	vst v63  }
0xe9: {  	s18 =	simm.s32 @!p2 $0x1  }
0xea: {  	_ =	swait.ge @!p2 [sflag:s18], $0x4000  }
0xeb: {  	[sflag:s18] =	ssyncset.done @!p2 $0x0  }
0xec: {  	[sflag:s18] =	ssyncadd.s32 @!p2 $0xFFFFC000  }
0xed: {  	[spmem:s3] =	stream.indirect.scatter.add.f32 @!p2 [tilespmem:s29], [sflag:$0x4], $0x80, s28, s17, $0xb8;
	[tilespmem:$0x1E180] =	vst v63  }
0xee: {  	_ =	swait.ge @!p2 [sflag:s19], $0x4000  }
0xef: {  	[sflag:s19] =	ssyncset.done @!p2 $0x0  }
0xf0: {  	s28 =	sshll.u32 s0, $0x6;
	[sflag:s19] =	ssyncadd.s32 @!p2 $0xFFFFC000  }
0xf1: {  	s29 =	sshrl.u32 s6, $0x3;
	s17 =	sor.u32 $0x1C04, s28;
	[bflag:$0x0] =	sbarrier.arrive $0xFFFF  }
0xf2: {  	[hbm:s14], [sflag:s17] =	dma.local [spmem:s29], $0x2700  }
0xf3: {  	_ =	swait.ge [sflag:s21], $0x2700  }
0xf4: {  	s9 =	sadd.s32 $0x1, s9;
	[sflag:s21] =	ssyncset.done $0x0  }
0xf5: {  	p4 =	sne.s32 s9, s16;
	[sflag:s21] =	ssyncadd.s32 $0xFFFFD900  }
0xf6: {  	[hbm:s15], [sflag:s17] =	dma.local @!p3 [spmem:s10], $0x100  }
.Ltmp5:
0xf7: {  	_ = 	snop;
	(pc) =	sbr.rel @p4 .LBB2_1-.Ltmp5, $4  }
0xf8: {  	s10 =	simm.s32 @!p3 $0x4  }
0xf9: {  	_ =	swait.ge @!p3 [sflag:s10], $0x100  }
0xfa: {  	[sflag:s10] =	ssyncset.done @!p3 $0x0  }
0xfb: {  	[sflag:s10] =	ssyncadd.s32 @!p3 $0xFFFFFF00  }
0xfc: {  	_ =	sfence.sel $0x180000  }
0xfd: {  	[bflag:$0x0] =	sbarrier.arrive $0xFFFF  }
0xfe: {  	_ =	strace $0x9000004A  }
0xff: {  	[bflag:$0x2] =	sbarrier.arrive $0xFFFF  }
0x100: {  	p0 =	sne.s32 s0, $0x0;
	s0 =	rddreg [dreg:$0x4]  }
0x101: {  	s0 =	sadd.s32 @!p0 $0x100000, s0  }
0x102: {  	[sflag:s0] =	ssyncadd.tile.s32 @!p0 $0x1;
	_ =	shalt  }
.Lfunc_end2:
_tile_overlayer_lowered:
.L_overlay_start_2:
0x103: {  	(tag) =	ssettag $0x2  }
0x104: {  	s0 =	rddreg [dreg:$0x0];
	s2 =	stileid.u32  }
0x105: {  	s1 =	rddreg [dreg:$0x1];
	p0 =	sne.s32 s2, $0x0  }
0x106: {  	s3 =	rddreg [dreg:$0x2];
	[bflag:$0x3] =	sbarrier.arrive $0xFFFF;
	s2 =	simm.s32 @!p0 $0x1C04  }
0x107: {  	[timem:s3], [sflag:s2] =	dma.local @!p0 [hbm:s0], s1  }
0x108: {  	s0 =	simm.s32 @!p0 $0x4  }
0x109: {  	_ =	swait.ge @!p0 [sflag:s0], s1  }
0x10a: {  	s1 =	ssub.s32 @!p0 $0x0, s1;
	[sflag:s0] =	ssyncset.done @!p0 $0x0  }
0x10b: {  	[sflag:s0] =	ssyncadd.s32 @!p0 s1  }
0x10c: {  	[bflag:$0x3] =	sbarrier.arrive $0xFFFF  }
0x10d: {  	_ =	shalt  }

// kernel: kernel.15.cloned.1.call-start
scs
__scs_entry_jumppad:
0x0: {  	(pc) =	sbr.rel $0x88, $3  }
0x1: {  	(tag) =	ssettag $0x0;
	lr =	simm.s32 $0x1  }
0x2: {  	[smem:$0x3F99] =	sst lr;
	_ =	strace $0xD0000000  }
0x3: {  	_ = 	snop  }
0x4: {  	_ = 	snop  }
0x5: {  	_ = 	snop  }
0x6: {  	_ = 	snop  }
0x7: {  	_ = 	snop  }
__scs_overlays_trampoline_lowered:
0x8: {  	[smem:$0x3FA8] =	sst s0  }
0x9: {  	[smem:$0x3FA9] =	sst s1  }
0xa: {  	[smem:$0x3FAA] =	sst s2  }
0xb: {  	[smem:$0x3FAB] =	sst s3  }
0xc: {  	[smem:$0x3FAC] =	sst s4  }
0xd: {  	[smem:$0x3FAD] =	sst s5  }
0xe: {  	[smem:$0x3FAE] =	sst s6  }
0xf: {  	[smem:$0x3FAF] =	sst s7  }
0x10: {  	[smem:$0x3FB0] =	sst s8  }
0x11: {  	[smem:$0x3FB1] =	sst s9;
	s0 =	simm.s32 @!p0 $0x0  }
0x12: {  	s1 =	sld [smem:$0x3F97];
	s0 =	simm.s32 @p0 $0x1  }
0x13: {  	[smem:$0x3FB2] =	sst s0;
	s0 =	simm.s32 @!p1 $0x0  }
0x14: {  	s2 =	sld [smem:$0x3F96];
	s0 =	simm.s32 @p1 $0x1  }
0x15: {  	[smem:$0x3FB3] =	sst s0;
	s0 =	simm.s32 @!p2 $0x0  }
0x16: {  	s3 =	sld [smem:$0x3FDB];
	s0 =	simm.s32 @p2 $0x1  }
0x17: {  	s4 =	simm.s32 $0x1BF5;
	[smem:$0x3FB5] =	sst s0  }
0x18: {  	s0 =	sld [smem:$0x3F98];
	_ =	swait.ge [sflag:s4], $0x0  }
0x19: {  	s7 =	sld [smem:$0x3F99]  }
0x1a: {  	s8 =	sadd.s32 $0xFFFFE003, lr  }
0x1b: {  	s9 =	sadd.s32 $0xFFFFFEF7, lr;
	s5 =	simm.s32 $0xFFFFFFFF;
	p2 =	slt.u32 s8, $0xFFFFF086  }
0x1c: {  	p1 =	slt.u32 s9, $0xF7A;
	s5 =	simm.s32 @!p2 $0x0  }
0x1d: {  	s5 =	simm.s32 @p1 $0x1;
	p0 =	seq.s32 s7, s2  }
0x1e: {  	s7 =	smul.u32 @!p0 $0xF7A, s2;
	p2 =	seq.s32 @!p0 s5, $0x0  }
0x1f: {  	s9 =	smul.u32 $0xF7A, s1;
	s8 =	simm.s32 @!p0 $0x1BF5;
	p2 =	por !p2, p0  }
0x20: {  	[sflag:s8] =	ssyncset.s32 @!p0 $0xFFFFF086;
	s6 =	sadd.s32 @!p0 s3, s7;
	s7 =	simm.s32 @!p0 $0x108  }
0x21: {  	s3 =	sadd.s32 s3, s9;
	s6 =	sadd.s32 @!p0 $0x88, s6;
	s7 =	simm.s32 @p2 $0x1082  }
0x22: {  	[simem:s7], [sflag:s8] =	dma.local @!p0 [hbm:s6], $0xF7A  }
0x23: {  	s9 =	sor.u32 $0xD0000000, s2;
	s6 =	simm.s32 $0x108;
	_ =	swait.ge @!p0 [sflag:s8], $0x0  }
0x24: {  	s3 =	sadd.s32 $0x88, s3;
	s6 =	simm.s32 @!p1 $0x1082;
	[sflag:s4] =	ssyncset.s32 $0xFFFFF086  }
0x25: {  	[simem:s6], [sflag:s4] =	dma.local [hbm:s3], $0xF7A  }
0x26: {  	[smem:$0x3F99] =	sst s1;
	(tag) =	ssettag s2;
	_ =	strace s9  }
0x27: {  	s1 =	sld [smem:$0x3FA9]  }
0x28: {  	s2 =	sld [smem:$0x3FAA]  }
0x29: {  	s4 =	sld [smem:$0x3FAC]  }
0x2a: {  	p0 =	seq.s32 s5, $0x0;
	s5 =	sld [smem:$0x3FAD]  }
0x2b: {  	s6 =	sld [smem:$0x3FAE]  }
0x2c: {  	s7 =	sld [smem:$0x3FAF]  }
0x2d: {  	s3 =	simm.s32 $0x108;
	s8 =	sld [smem:$0x3FB0]  }
0x2e: {  	s3 =	simm.s32 @!p0 $0x1082;
	s9 =	sld [smem:$0x3FB1]  }
0x2f: {  	lr =	sadd.s32 s0, s3;
	s0 =	sld [smem:$0x3FA8]  }
0x30: {  	s3 =	sld [smem:$0x3FAB]  }
0x31: {  	[smem:$0x3FB4] =	sst s10  }
0x32: {  	s10 =	sld [smem:$0x3FB2];
	_ =	sdelay $0x3  }
0x33: {  	p0 =	seq.s32 s10, $0x1;
	s10 =	sld [smem:$0x3FB4];
	_ =	sdelay $0x3  }
0x34: {  	[smem:$0x3FB4] =	sst s10  }
0x35: {  	s10 =	sld [smem:$0x3FB3];
	_ =	sdelay $0x3  }
0x36: {  	p1 =	seq.s32 s10, $0x1;
	s10 =	sld [smem:$0x3FB4];
	_ =	sdelay $0x3  }
0x37: {  	[smem:$0x3FB4] =	sst s10  }
0x38: {  	s10 =	sld [smem:$0x3FB5]  }
0x39: {  	_ = 	snop;
	(pc) =	sbr.ind lr, $3  }
0x3a: {  	_ = 	snop  }
0x3b: {  	_ = 	snop  }
0x3c: {  	p2 =	seq.s32 s10, $0x1;
	s10 =	sld [smem:$0x3FB4]  }
0x3d: {  	_ =	shalt  }
0x3e: {  	_ =	shalt  }
0x3f: {  	_ =	shalt  }
0x40: {  	_ =	shalt  }
0x41: {  	_ =	shalt  }
0x42: {  	_ =	shalt  }
0x43: {  	_ =	shalt  }
0x44: {  	_ =	shalt  }
0x45: {  	_ =	shalt  }
0x46: {  	_ =	shalt  }
0x47: {  	_ =	shalt  }
0x48: {  	_ =	shalt  }
0x49: {  	_ =	shalt  }
0x4a: {  	_ =	shalt  }
0x4b: {  	_ =	shalt  }
0x4c: {  	_ =	shalt  }
0x4d: {  	_ =	shalt  }
0x4e: {  	_ =	shalt  }
0x4f: {  	_ =	shalt  }
0x50: {  	_ =	shalt  }
0x51: {  	_ =	shalt  }
0x52: {  	_ =	shalt  }
0x53: {  	_ =	shalt  }
0x54: {  	_ =	shalt  }
0x55: {  	_ =	shalt  }
0x56: {  	_ =	shalt  }
0x57: {  	_ =	shalt  }
0x58: {  	_ =	shalt  }
0x59: {  	_ =	shalt  }
0x5a: {  	_ =	shalt  }
0x5b: {  	_ =	shalt  }
0x5c: {  	_ =	shalt  }
0x5d: {  	_ =	shalt  }
0x5e: {  	_ =	shalt  }
0x5f: {  	_ =	shalt  }
0x60: {  	_ =	shalt  }
0x61: {  	_ =	shalt  }
0x62: {  	_ =	shalt  }
0x63: {  	_ =	shalt  }
0x64: {  	_ =	shalt  }
0x65: {  	_ =	shalt  }
0x66: {  	_ =	shalt  }
0x67: {  	_ =	shalt  }
0x68: {  	_ =	shalt  }
0x69: {  	_ =	shalt  }
0x6a: {  	_ =	shalt  }
0x6b: {  	_ =	shalt  }
0x6c: {  	_ =	shalt  }
0x6d: {  	_ =	shalt  }
0x6e: {  	_ =	shalt  }
0x6f: {  	_ =	shalt  }
0x70: {  	_ =	shalt  }
0x71: {  	_ =	shalt  }
0x72: {  	_ =	shalt  }
0x73: {  	_ =	shalt  }
0x74: {  	_ =	shalt  }
0x75: {  	_ =	shalt  }
0x76: {  	_ =	shalt  }
0x77: {  	_ =	shalt  }
0x78: {  	_ =	shalt  }
0x79: {  	_ =	shalt  }
0x7a: {  	_ =	shalt  }
0x7b: {  	_ =	shalt  }
0x7c: {  	_ =	shalt  }
0x7d: {  	_ =	shalt  }
0x7e: {  	_ =	shalt  }
0x7f: {  	_ =	shalt  }
0x80: {  	_ =	shalt  }
0x81: {  	_ =	shalt  }
0x82: {  	_ =	shalt  }
0x83: {  	_ =	shalt  }
0x84: {  	_ =	shalt  }
0x85: {  	_ =	shalt  }
0x86: {  	_ =	shalt  }
0x87: {  	_ =	shalt  }
.Lfunc_end0:
.L_simem_size_0:
called_computation.2_lowered:
.L_overlay_start_0:
0x88: {  	s2 =	sld [smem:$0x3FD9]  }
0x89: {  	s3 =	sld [smem:$0x3FFE];
	_ =	sdelay $0x1  }
0x8a: {  	s1 =	srdreg.scid  }
0x8b: {  	s0 =	sand.u32 $0x1, s1  }
0x8c: {  	s14 =	sshll.u32 s0, $0xA;
	s2 =	sadd.s32 s3, s2  }
0x8d: {  	s2 =	sadd.s32 s2, s14  }
0x8e: {  	[smem:$0x3FC0] =	sst s2  }
0x8f: {  	_ = 	snop  }
0x90: {  	s2 =	sld [smem:$0x3FD0];
	_ =	sdelay $0x2  }
0x91: {  	s4 =	simm.s32 $0xA;
	s5 =	simm.s32 $0x10;
	s15 =	sld [smem:$0x3FC8]  }
0x92: {  	[smem:s5], [sflag:s4] =	dma.local [hbm:s2], $0x1  }
0x93: {  	_ =	swait.eq [sflag:s4], $0x1  }
0x94: {  	[sflag:s4] =	ssyncset.done $0x0  }
0x95: {  	[sflag:s4] =	ssyncadd.s32 $0xFFFFFFFF  }
0x96: {  	s16 =	sld [smem:$0x11];
	(tm) =	ssettm $0x1  }
0x97: {  	s17 =	sld [smem:$0x3FFB];
	_ =	sdelay $0x3  }
0x98: {  	_ =	strace s17  }
0x99: {  	s4 =	sld [smem:$0x3FFC];
	_ =	sdelay $0x3  }
0x9a: {  	_ =	strace s4  }
0x9b: {  	s4 =	sld [smem:$0x3FFD];
	_ =	sdelay $0x3  }
0x9c: {  	_ =	strace s4  }
0x9d: {  	_ =	strace $0x8FFFFFFF  }
0x9e: {  	s18 =	sld [smem:$0x3FDB];
	_ =	sdelay $0x1  }
0x9f: {  	s19 =	simm.s32 $_scs_section_size  }
0xa0: {  	s6 =	simm.s32 $_size__tile_overlayer_lowered;
	s7 =	simm.s32 $_tile_overlayer_lowered  }
0xa1: {  	s22 =	simm.s32 $0x1BFF;
	s21 =	sshll.u32 s7, $0x1;
	s4 =	sadd.s32 s19, s18  }
0xa2: {  	s8 =	simm.s32 $0x0;
	s20 =	sshll.u32 s6, $0x1;
	s6 =	sadd.s32 s21, s4  }
0xa3: {  	[timem:s8], [sflag:s22] =	dma.local [hbm:s6], s20  }
0xa4: {  	_ =	swait.ge [sflag:s22], s20  }
0xa5: {  	s5 =	ssub.s32 $0x0, s20;
	[sflag:s22] =	ssyncset.done $0x0  }
0xa6: {  	[sflag:s22] =	ssyncadd.s32 s5;
	_ =	sdelay $0x1  }
0xa7: {  	s23 =	simm.s32 $0x1B8B  }
0xa8: {  	_ =	swait.ge [sflag:s23], $0x1  }
0xa9: {  	[sflag:s23] =	ssyncset.done $0x0  }
0xaa: {  	s25 =	simm.s32 $0x1B8E;
	s24 =	sld [smem:$0x3FFE];
	[sflag:s23] =	ssyncadd.s32 $0xFFFFFFFF  }
0xab: {  	s26 =	simm.s32 $execute0_lowered;
	[smem:$0x3FD2] =	sst s25  }
0xac: {  	s6 =	sshll.u32 s26, $0x1;
	_ =	strace $0x8000004C;
	[dreg:$0x1] =	wrdreg $0xFFFFFFFF  }
0xad: {  	s28 =	simm.s32 $_size_execute0_lowered;
	s4 =	sadd.s32 s4, s6;
	[dreg:$0x0] =	wrdreg $0x0  }
0xae: {  	s6 =	sshll.u32 s28, $0x1;
	[dreg:$0x2] =	wrdreg s4  }
0xaf: {  	[dreg:$0x3] =	wrdreg s6  }
0xb0: {  	[dreg:$0x4] =	wrdreg $0xC0  }
0xb1: {  	_ =	task [dreg:s8], $0x5FFFF  }
0xb2: {  	[dreg:$0x1] =	wrdreg $0xFFFFFFFF  }
0xb3: {  	[dreg:$0x0] =	wrdreg $0x60  }
0xb4: {  	[dreg:$0x2] =	wrdreg s16  }
0xb5: {  	[dreg:$0x3] =	wrdreg s15  }
0xb6: {  	[dreg:$0x4] =	wrdreg s24  }
0xb7: {  	[dreg:$0x5] =	wrdreg $0xA9000  }
0xb8: {  	[dreg:$0x6] =	wrdreg $0x9  }
0xb9: {  	_ =	task.clear_ibuf [dreg:s8], $0x7FFFF;
	_ =	strace $0x9000004C  }
0xba: {  	s29 =	simm.s32 $0x9;
	_ =	strace $0x8000004E  }
0xbb: {  	_ =	swait.ge [sflag:s29], $0x1  }
0xbc: {  	[sflag:s29] =	ssyncadd.s32 $0xFFFFFFFF  }
0xbd: {  	_ =	strace $0x9000004E  }
0xbe: {  	_ =	sfence  }
0xbf: {  	s30 =	sld [smem:$0x0];
	_ =	sdelay $0x2  }
0xc0: {  	s31 =	sshll.u32 s1, $0xD;
	s1 =	sshrl.u32 s1, $0x2  }
0xc1: {  	s3 =	sand.u32 $0x4000, s31;
	s1 =	sadd.s32 s1, s30  }
0xc2: {  	s0 =	sor.u32 s3, s0;
	s1 =	sshll.u32 s1, $0x11  }
0xc3: {  	s0 =	sor.u32 s1, s0  }
0xc4: {  	s0 =	sadd.s32 $0x8F2B, s0  }
0xc5: {  	[sflag:s0] =	ssyncadd.remote.s32 $0x1  }
0xc6: {  	_ =	sfence.sel $0xFFFF  }
0xc7: {  	[dreg:$0x0] =	wrdreg $0xFFFFFFFF;
	(pc) =	sbr.abs _section_cstart, $3  }
0xc8: {  	[dreg:$0x1] =	wrdreg $0xFFFFFFFF  }
0xc9: {  	_ =	task.clear_ibuf [dreg:s8], $0x2FFFF;
	_ =	strace $0x9FFFFFFF  }
0xca: {  	(tm) =	ssettm $0x7FFFFFFF  }
0xcb: {  	_ =	shalt  }
tec
execute0_lowered:
.L_overlay_start_1:
0x0: {  	(tag) =	ssettag $0x1  }
0x1: {  	s1 =	rddreg [dreg:$0x0]  }
0x2: {  	s2 =	rddreg [dreg:$0x1]  }
0x3: {  	s5 =	rddreg [dreg:$0x2]  }
0x4: {  	s4 =	srdreg.scid;
	s0 =	stileid.u32  }
0x5: {  	s3 =	rddreg [dreg:$0x3];
	s30 =	simm.s32 $0x2780;
	s31 =	simm.s32 $0x2500  }
0x6: {  	s7 =	sand.u32 $0x1, s4;
	s6 =	sshll.u32 s0, $0x1;
	s11 =	smul.u32 $0x4E000, s0  }
0x7: {  	s4 =	simm.s32 $0x0;
	s14 =	sadd.s32 $0x51400, s5;
	s12 =	smul.u32 $0x2700, s0  }
0x8: {  	s23 =	sadd.s32 $0x27000, s1;
	s24 =	smul.u32 $0x13800, s0;
	p1 =	seq.s32 s0, $0xF  }
0x9: {  	p2 =	sgt.u32 s0, $0x1;
	s9 =	sor.u32 s7, s6;
	[smem:$0x7FF] =	sst s4  }
0xa: {  	s19 =	ssub.s32 $0x2, s7;
	p0 =	seq.s32 s7, $0x1;
	s7 =	smul.u32 $0x138800, s7  }
0xb: {  	p3 =	sne.s32 s0, $0xF;
	s8 =	smul.u32 $0x9C0, s9;
	_ =	strace $0x8000004D  }
0xc: {  	s10 =	sshrl.u32 s19, $0x1;
	s20 =	sshrl.u32 s11, $0x2;
	s21 =	smul.u32 $0x4E00, s9  }
0xd: {  	s22 =	sadd.s32 s1, s12;
	[dreg:$0x6] =	wrdreg s23;
	s9 =	sshll.u32 s9, $0x5  }
0xe: {  	s23 =	simm.s32 $0x80;
	s10 =	ssub.s32 s19, s10;
	s6 =	sadd.s32 s20, s3  }
0xf: {  	[dreg:$0x5] =	wrdreg s22;
	s25 =	sadd.s32 s24, s7;
	s7 =	sshrl.u32 s7, $0x3  }
0x10: {  	s20 =	simm.s32 $0x2800;
	s22 =	simm.s32 $0x3;
	s24 =	simm.s32 $0x6800  }
0x11: {  	s5 =	sadd.s32 s2, s8;
	s8 =	sadd.s32 $0x138000, s3;
	s11 =	sshrl.u32 s21, $0x3  }
0x12: {  	s13 =	sadd.s32 $0x10000, s6;
	s7 =	sadd.s32 s14, s7;
	s16 =	smax.u32 s10, $0x1  }
0x13: {  	s26 =	sadd.s32 $0x4000, s6;
	s28 =	sadd.s32 $0x8000, s6;
	[dreg:$0x7] =	wrdreg s13  }
0x14: {  	s29 =	sadd.s32 $0xC000, s6;
	s21 =	simm.s32 $0x4;
	[dreg:$0x8] =	wrdreg s26  }
0x15: {  	s11 =	sadd.s32 s2, s11;
	s2 =	sadd.s32 s9, s2;
	[dreg:$0x9] =	wrdreg s28  }
0x16: {  	s9 =	sshrl.u32 s25, $0x3;
	s15 =	sadd.s32 $0x27000, s7;
	[dreg:$0xa] =	wrdreg s29  }
0x17: {  	s25 =	simm.s32 $0x1;
	s26 =	simm.s32 $0x2;
	s7 =	simm.s32 $0x2580  }
0x18: {  	s11 =	sadd.s32 $0x500, s11;
	s12 =	sadd.s32 $0x13800, s2;
	s13 =	sadd.s32 $0x13810, s2  }
0x19: {  	v0 =	vimm.f32 $0.0e+00;
	s14 =	sadd.s32 s14, s9;
	s2 =	simm.s32 $0x2480;
	s9 =	simm.s32 $0x0  }
.LBB2_1:
.Ltmp0:
0x1a: {  	(pc) =	sbr.rel @!p0 .LBB2_2-.Ltmp0, $3  }
0x1b: {  	_ =	sdelay $0x1  }
0x1c: {  	[tilespmem:s4], [sflag:$0x3] =	stream.linear.gather [hbm4b:s5+s4], $0x2800, $0x38;
	[tilespmem:$0x1E180] =	vst v63  }
0x1d: {  	s10 =	sshrl.u32 @!p3 s8, $0x3  }
0x1e: {  	s17 =	sshra.s32 s4, $0x2;
	s18 =	sadd.s32 $0x200, s4  }
.LBB2_4:
0x1f: {  	p4 =	seq.s32 s18, $0xFE00;
	[tilespmem:s17+$0x2870] =	vst v0  }
0x20: {  	[tilespmem:s17+$0x2800] =	vst v0  }
0x21: {  	[tilespmem:s17+$0x2810] =	vst v0  }
.Ltmp1:
0x22: {  	[tilespmem:s17+$0x2820] =	vst v0;
	(pc) =	sbr.rel @!p4 .LBB2_4-.Ltmp1, $4  }
0x23: {  	[tilespmem:s17+$0x2830] =	vst v0  }
0x24: {  	[tilespmem:s17+$0x2840] =	vst v0  }
0x25: {  	[tilespmem:s17+$0x2850] =	vst v0  }
0x26: {  	[tilespmem:s17+$0x2860] =	vst v0;
	s17 =	sshra.s32 s18, $0x2;
	s18 =	sadd.s32 $0x200, s18  }
0x27: {  	[tilespmem:s17+$0x2870] =	vst v0  }
0x28: {  	[tilespmem:s17+$0x2800] =	vst v0  }
0x29: {  	[tilespmem:s17+$0x2810] =	vst v0  }
0x2a: {  	[tilespmem:s17+$0x2820] =	vst v0  }
0x2b: {  	[tilespmem:s17+$0x2830] =	vst v0  }
0x2c: {  	[tilespmem:s17+$0x2840] =	vst v0  }
0x2d: {  	[tilespmem:s17+$0x2850] =	vst v0  }
0x2e: {  	[tilespmem:s17+$0x2860] =	vst v0  }
0x2f: {  	[spmem:s6] =	stream.linear.scatter [tilespmem:s20], [sflag:$0x4], $0x4000, $0x38;
	[tilespmem:$0x1E180] =	vst v63  }
0x30: {  	_ =	swait.ge [sflag:s21], $0x4000  }
0x31: {  	[sflag:s21] =	ssyncset.done $0x0  }
0x32: {  	s18 =	rddreg [dreg:$0x8];
	[sflag:s21] =	ssyncadd.s32 $0xFFFFC000  }
0x33: {  	[spmem:s18] =	stream.linear.scatter [tilespmem:s20], [sflag:$0x4], $0x4000, $0x38;
	[tilespmem:$0x1E180] =	vst v63  }
0x34: {  	_ =	swait.ge [sflag:s21], $0x4000  }
0x35: {  	[sflag:s21] =	ssyncset.done $0x0  }
0x36: {  	s19 =	rddreg [dreg:$0x9];
	[sflag:s21] =	ssyncadd.s32 $0xFFFFC000  }
0x37: {  	[spmem:s19] =	stream.linear.scatter [tilespmem:s20], [sflag:$0x4], $0x4000, $0x38;
	[tilespmem:$0x1E180] =	vst v63  }
0x38: {  	_ =	swait.ge [sflag:s21], $0x4000  }
0x39: {  	[sflag:s21] =	ssyncset.done $0x0  }
0x3a: {  	s28 =	rddreg [dreg:$0xa];
	[sflag:s21] =	ssyncadd.s32 $0xFFFFC000  }
0x3b: {  	[spmem:s28] =	stream.linear.scatter [tilespmem:s20], [sflag:$0x4], $0x4000, $0x38;
	[tilespmem:$0x1E180] =	vst v63  }
0x3c: {  	_ =	swait.ge [sflag:s21], $0x4000  }
0x3d: {  	[sflag:s21] =	ssyncset.done $0x0  }
0x3e: {  	s29 =	rddreg [dreg:$0x7];
	[sflag:s21] =	ssyncadd.s32 $0xFFFFC000  }
0x3f: {  	[spmem:s29] =	stream.linear.scatter [tilespmem:s20], [sflag:$0x4], $0x3800, $0x38;
	[tilespmem:$0x1E180] =	vst v63  }
0x40: {  	_ =	swait.ge [sflag:s21], $0x3800  }
0x41: {  	[sflag:s21] =	ssyncset.done $0x0  }
0x42: {  	s17 =	simm.s32 @p1 $0x2800;
	[sflag:s21] =	ssyncadd.s32 $0xFFFFC800  }
0x43: {  	[spmem:s8] =	stream.linear.scatter @p1 [tilespmem:s17], [sflag:$0x4], $0x800, $0x38;
	[tilespmem:$0x1E180] =	vst v63  }
.Ltmp2:
0x44: {  	_ = 	snop;
	(pc) =	sbr.rel .LBB2_6-.Ltmp2, $4  }
0x45: {  	s17 =	simm.s32 @p1 $0x4  }
0x46: {  	_ =	swait.ge @p1 [sflag:s17], $0x800  }
0x47: {  	[sflag:s17] =	ssyncset.done @p1 $0x0  }
0x48: {  	[sflag:s17] =	ssyncadd.s32 @p1 $0xFFFFF800  }
.LBB2_2:
0x49: {  	s17 =	sshll.u32 s0, $0x6  }
0x4a: {  	s18 =	sshrl.u32 s6, $0x3;
	s19 =	rddreg [dreg:$0x5];
	s17 =	sor.u32 $0x1C04, s17  }
0x4b: {  	[spmem:s18], [sflag:s17] =	dma.local [hbm:s19], $0x2700  }
0x4c: {  	_ =	swait.ge [sflag:s21], $0x2700  }
0x4d: {  	[sflag:s21] =	ssyncset.done $0x0  }
0x4e: {  	s18 =	rddreg [dreg:$0x6];
	[sflag:s21] =	ssyncadd.s32 $0xFFFFD900  }
0x4f: {  	[spmem:s10], [sflag:s17] =	dma.local @!p3 [hbm:s18], $0x100  }
0x50: {  	s17 =	simm.s32 @!p3 $0x4  }
0x51: {  	_ =	swait.ge @!p3 [sflag:s17], $0x100  }
0x52: {  	[sflag:s17] =	ssyncset.done @!p3 $0x0  }
0x53: {  	[sflag:s17] =	ssyncadd.s32 @!p3 $0xFFFFFF00  }
.LBB2_6:
0x54: {  	_ =	swait.ge [sflag:s22], $0x2800  }
0x55: {  	[sflag:s22] =	ssyncset.done $0x0  }
0x56: {  	[sflag:s22] =	ssyncadd.s32 $0xFFFFD800  }
0x57: {  	[bflag:$0x0] =	sbarrier.arrive $0xFFFF  }
0x58: {  	[tilespmem:s20], [sflag:$0x1] =	stream.indirect.gather [hbm4b:s1+s23], $0x80, s4, s23, $0xb8;
	[tilespmem:$0x1E180] =	vst v63  }
0x59: {  	s17 =	simm.s32 $0x100  }
0x5a: {  	[tilespmem:s24], [sflag:$0x2] =	stream.indirect.gather [hbm4b:s1+s23], $0x80, s17, s23, $0xb8;
	[tilespmem:$0x1E180] =	vst v63  }
0x5b: {  	_ =	swait.ge [sflag:s25], $0x4000  }
0x5c: {  	[sflag:s25] =	ssyncset.done $0x0  }
0x5d: {  	s19 =	simm.s32 $0x80;
	[sflag:s25] =	ssyncadd.s32 $0xFFFFC000  }
0x5e: {  	[spmem:s3] =	stream.indirect.scatter.add.f32 [tilespmem:s20], [sflag:$0x4], $0x80, s19, s23, $0xb8;
	[tilespmem:$0x1E180] =	vst v63  }
0x5f: {  	_ =	swait.ge [sflag:s21], $0x4000  }
0x60: {  	[sflag:s21] =	ssyncset.done $0x0  }
0x61: {  	s28 =	simm.s32 $0x200;
	[sflag:s21] =	ssyncadd.s32 $0xFFFFC000  }
0x62: {  	[tilespmem:s20], [sflag:$0x1] =	stream.indirect.gather [hbm4b:s1+s23], $0x80, s28, s23, $0xb8;
	[tilespmem:$0x1E180] =	vst v63  }
0x63: {  	_ =	swait.ge [sflag:s26], $0x4000  }
0x64: {  	[sflag:s26] =	ssyncset.done $0x0  }
0x65: {  	s29 =	simm.s32 $0x180;
	[sflag:s26] =	ssyncadd.s32 $0xFFFFC000  }
0x66: {  	[spmem:s3] =	stream.indirect.scatter.add.f32 [tilespmem:s24], [sflag:$0x4], $0x80, s29, s23, $0xb8;
	[tilespmem:$0x1E180] =	vst v63  }
0x67: {  	_ =	swait.ge [sflag:s21], $0x4000  }
0x68: {  	s18 =	simm.s32 $0xFFFF7800;
	s17 =	simm.s32 $0xFFFFDC00;
	[sflag:s21] =	ssyncset.done $0x0  }
.LBB2_7:
0x69: {  	s28 =	sadd.s32 $0x2700, s17  }
0x6a: {  	[sflag:s21] =	ssyncadd.s32 $0xFFFFC000;
	s19 =	smov.u32 s18;
	s29 =	sadd.s32 $0x800, s18  }
0x6b: {  	[tilespmem:s24], [sflag:$0x2] =	stream.indirect.gather [hbm4b:s1+s23], $0x80, s28, s23, $0xb8;
	[tilespmem:$0x1E180] =	vst v63  }
0x6c: {  	p4 =	sne.s32 s18, $0xFFFFF800;
	_ =	swait.ge [sflag:s25], $0x4000  }
0x6d: {  	[sflag:s25] =	ssyncset.done $0x0  }
0x6e: {  	s18 =	sadd.s32 $0x2680, s17;
	[sflag:s25] =	ssyncadd.s32 $0xFFFFC000  }
0x6f: {  	[spmem:s3] =	stream.indirect.scatter.add.f32 [tilespmem:s20], [sflag:$0x4], $0x80, s18, s23, $0xb8;
	[tilespmem:$0x1E180] =	vst v63  }
0x70: {  	_ =	swait.ge [sflag:s21], $0x4000  }
0x71: {  	[sflag:s21] =	ssyncset.done $0x0  }
0x72: {  	s18 =	sadd.s32 $0x2800, s17;
	[sflag:s21] =	ssyncadd.s32 $0xFFFFC000  }
0x73: {  	[tilespmem:s20], [sflag:$0x1] =	stream.indirect.gather [hbm4b:s1+s23], $0x80, s18, s23, $0xb8;
	[tilespmem:$0x1E180] =	vst v63  }
0x74: {  	_ =	swait.ge [sflag:s26], $0x4000  }
.Ltmp3:
0x75: {  	[sflag:s26] =	ssyncset.done $0x0;
	(pc) =	sbr.rel @p4 .LBB2_7-.Ltmp3, $4  }
0x76: {  	s17 =	sadd.s32 $0x2780, s17;
	[sflag:s26] =	ssyncadd.s32 $0xFFFFC000  }
0x77: {  	[spmem:s3] =	stream.indirect.scatter.add.f32 [tilespmem:s24], [sflag:$0x4], $0x80, s17, s23, $0xb8;
	[tilespmem:$0x1E180] =	vst v63  }
0x78: {  	_ =	swait.ge [sflag:s21], $0x4000  }
0x79: {  	s18 =	smov.u32 s29;
	s17 =	sshra.s32 s19, $0x2;
	[sflag:s21] =	ssyncset.done $0x0  }
0x7a: {  	s18 =	sadd.s32 $0x2700, s17;
	[sflag:s21] =	ssyncadd.s32 $0xFFFFC000  }
0x7b: {  	[tilespmem:s24], [sflag:$0x2] =	stream.indirect.gather [hbm4b:s1+s23], $0x80, s18, s23, $0xb8;
	[tilespmem:$0x1E180] =	vst v63  }
0x7c: {  	_ =	swait.ge [sflag:s25], $0x4000  }
0x7d: {  	[sflag:s25] =	ssyncset.done $0x0  }
0x7e: {  	s28 =	sadd.s32 $0x2680, s17;
	[sflag:s25] =	ssyncadd.s32 $0xFFFFC000  }
0x7f: {  	[spmem:s3] =	stream.indirect.scatter.add.f32 [tilespmem:s20], [sflag:$0x4], $0x80, s28, s23, $0xb8;
	[tilespmem:$0x1E180] =	vst v63  }
0x80: {  	_ =	swait.ge [sflag:s21], $0x4000  }
0x81: {  	[sflag:s21] =	ssyncset.done $0x0  }
0x82: {  	s29 =	sadd.s32 $0x2800, s17;
	[sflag:s21] =	ssyncadd.s32 $0xFFFFC000  }
0x83: {  	[tilespmem:s20], [sflag:$0x1] =	stream.indirect.gather [hbm4b:s1+s23], $0x80, s29, s23, $0xb8;
	[tilespmem:$0x1E180] =	vst v63  }
0x84: {  	_ =	swait.ge [sflag:s26], $0x4000  }
0x85: {  	[sflag:s26] =	ssyncset.done $0x0  }
0x86: {  	s19 =	sadd.s32 $0x2780, s17;
	[sflag:s26] =	ssyncadd.s32 $0xFFFFC000  }
0x87: {  	[spmem:s3] =	stream.indirect.scatter.add.f32 [tilespmem:s24], [sflag:$0x4], $0x80, s19, s23, $0xb8;
	[tilespmem:$0x1E180] =	vst v63  }
0x88: {  	_ =	swait.ge [sflag:s21], $0x4000  }
0x89: {  	[sflag:s21] =	ssyncset.done $0x0  }
0x8a: {  	s28 =	simm.s32 $0x2700;
	[sflag:s21] =	ssyncadd.s32 $0xFFFFC000  }
0x8b: {  	[tilespmem:s24], [sflag:$0x2] =	stream.indirect.gather [hbm4b:s1+s23], $0x80, s28, s23, $0xb8;
	[tilespmem:$0x1E180] =	vst v63  }
0x8c: {  	_ =	swait.ge [sflag:s25], $0x4000  }
0x8d: {  	[sflag:s25] =	ssyncset.done $0x0  }
0x8e: {  	s29 =	simm.s32 $0x2680;
	[sflag:s25] =	ssyncadd.s32 $0xFFFFC000  }
0x8f: {  	[spmem:s3] =	stream.indirect.scatter.add.f32 [tilespmem:s20], [sflag:$0x4], $0x80, s29, s23, $0xb8;
	[tilespmem:$0x1E180] =	vst v63  }
0x90: {  	_ =	swait.ge [sflag:s21], $0x4000  }
0x91: {  	[sflag:s21] =	ssyncset.done $0x0  }
0x92: {  	[sflag:s21] =	ssyncadd.s32 $0xFFFFC000  }
0x93: {  	_ =	swait.ge [sflag:s26], $0x4000  }
0x94: {  	[sflag:s26] =	ssyncset.done $0x0  }
0x95: {  	[sflag:s26] =	ssyncadd.s32 $0xFFFFC000  }
0x96: {  	[spmem:s3] =	stream.indirect.scatter.add.f32 [tilespmem:s24], [sflag:$0x4], $0x80, s30, s23, $0xb8;
	[tilespmem:$0x1E180] =	vst v63  }
0x97: {  	_ =	swait.ge [sflag:s21], $0x4000  }
0x98: {  	[sflag:s21] =	ssyncset.done $0x0  }
0x99: {  	[sflag:s21] =	ssyncadd.s32 $0xFFFFC000  }
0x9a: {  	[tilespmem:s4], [sflag:$0x4] =	stream.linear.gather [hbm4b:s11+s4], $0x2600, $0x38;
	[tilespmem:$0x1E180] =	vst v63  }
0x9b: {  	_ =	swait.ge [sflag:s21], $0x2600  }
0x9c: {  	[sflag:s21] =	ssyncset.done $0x0  }
0x9d: {  	[sflag:s21] =	ssyncadd.s32 $0xFFFFDA00  }
0x9e: {  	[tilespmem:s20], [sflag:$0x1] =	stream.indirect.gather [hbm4b:s1+s23], $0x80, s4, s23, $0xb8;
	[tilespmem:$0x1E180] =	vst v63  }
0x9f: {  	s18 =	simm.s32 $0x100  }
0xa0: {  	[tilespmem:s24], [sflag:$0x2] =	stream.indirect.gather [hbm4b:s1+s23], $0x80, s18, s23, $0xb8;
	[tilespmem:$0x1E180] =	vst v63  }
0xa1: {  	_ =	swait.ge [sflag:s25], $0x4000  }
0xa2: {  	[sflag:s25] =	ssyncset.done $0x0  }
0xa3: {  	s19 =	simm.s32 $0x80;
	[sflag:s25] =	ssyncadd.s32 $0xFFFFC000  }
0xa4: {  	[spmem:s3] =	stream.indirect.scatter.add.f32 [tilespmem:s20], [sflag:$0x4], $0x80, s19, s23, $0xb8;
	[tilespmem:$0x1E180] =	vst v63  }
0xa5: {  	_ =	swait.ge [sflag:s21], $0x4000  }
0xa6: {  	[sflag:s21] =	ssyncset.done $0x0  }
0xa7: {  	s28 =	simm.s32 $0x200;
	[sflag:s21] =	ssyncadd.s32 $0xFFFFC000  }
0xa8: {  	[tilespmem:s20], [sflag:$0x1] =	stream.indirect.gather [hbm4b:s1+s23], $0x80, s28, s23, $0xb8;
	[tilespmem:$0x1E180] =	vst v63  }
0xa9: {  	_ =	swait.ge [sflag:s26], $0x4000  }
0xaa: {  	[sflag:s26] =	ssyncset.done $0x0  }
0xab: {  	s29 =	simm.s32 $0x180;
	[sflag:s26] =	ssyncadd.s32 $0xFFFFC000  }
0xac: {  	[spmem:s3] =	stream.indirect.scatter.add.f32 [tilespmem:s24], [sflag:$0x4], $0x80, s29, s23, $0xb8;
	[tilespmem:$0x1E180] =	vst v63  }
0xad: {  	_ =	swait.ge [sflag:s21], $0x4000  }
0xae: {  	s17 =	simm.s32 $0xFFFFDE00;
	s18 =	simm.s32 $0xFFFF8000;
	[sflag:s21] =	ssyncset.done $0x0  }
.LBB2_9:
0xaf: {  	s19 =	sadd.s32 $0x2500, s17  }
0xb0: {  	[sflag:s21] =	ssyncadd.s32 $0xFFFFC000;
	s28 =	smov.u32 s18;
	s29 =	sadd.s32 $0x800, s18  }
0xb1: {  	[tilespmem:s24], [sflag:$0x2] =	stream.indirect.gather [hbm4b:s1+s23], $0x80, s19, s23, $0xb8;
	[tilespmem:$0x1E180] =	vst v63  }
0xb2: {  	p4 =	sne.s32 s18, $0xFFFFF800;
	_ =	swait.ge [sflag:s25], $0x4000  }
0xb3: {  	[sflag:s25] =	ssyncset.done $0x0  }
0xb4: {  	s18 =	sadd.s32 $0x2480, s17;
	[sflag:s25] =	ssyncadd.s32 $0xFFFFC000  }
0xb5: {  	[spmem:s3] =	stream.indirect.scatter.add.f32 [tilespmem:s20], [sflag:$0x4], $0x80, s18, s23, $0xb8;
	[tilespmem:$0x1E180] =	vst v63  }
0xb6: {  	_ =	swait.ge [sflag:s21], $0x4000  }
0xb7: {  	[sflag:s21] =	ssyncset.done $0x0  }
0xb8: {  	s18 =	sadd.s32 $0x2600, s17;
	[sflag:s21] =	ssyncadd.s32 $0xFFFFC000  }
0xb9: {  	[tilespmem:s20], [sflag:$0x1] =	stream.indirect.gather [hbm4b:s1+s23], $0x80, s18, s23, $0xb8;
	[tilespmem:$0x1E180] =	vst v63  }
0xba: {  	_ =	swait.ge [sflag:s26], $0x4000  }
.Ltmp4:
0xbb: {  	[sflag:s26] =	ssyncset.done $0x0;
	(pc) =	sbr.rel @p4 .LBB2_9-.Ltmp4, $4  }
0xbc: {  	s17 =	sadd.s32 $0x2580, s17;
	[sflag:s26] =	ssyncadd.s32 $0xFFFFC000  }
0xbd: {  	[spmem:s3] =	stream.indirect.scatter.add.f32 [tilespmem:s24], [sflag:$0x4], $0x80, s17, s23, $0xb8;
	[tilespmem:$0x1E180] =	vst v63  }
0xbe: {  	_ =	swait.ge [sflag:s21], $0x4000  }
0xbf: {  	s18 =	smov.u32 s29;
	s17 =	sshra.s32 s28, $0x2;
	[sflag:s21] =	ssyncset.done $0x0  }
0xc0: {  	s18 =	sadd.s32 $0x2500, s17;
	[sflag:s21] =	ssyncadd.s32 $0xFFFFC000  }
0xc1: {  	[tilespmem:s24], [sflag:$0x2] =	stream.indirect.gather [hbm4b:s1+s23], $0x80, s18, s23, $0xb8;
	[tilespmem:$0x1E180] =	vst v63  }
0xc2: {  	_ =	swait.ge [sflag:s25], $0x4000  }
0xc3: {  	[sflag:s25] =	ssyncset.done $0x0  }
0xc4: {  	s28 =	sadd.s32 $0x2480, s17;
	[sflag:s25] =	ssyncadd.s32 $0xFFFFC000  }
0xc5: {  	[spmem:s3] =	stream.indirect.scatter.add.f32 [tilespmem:s20], [sflag:$0x4], $0x80, s28, s23, $0xb8;
	[tilespmem:$0x1E180] =	vst v63  }
0xc6: {  	_ =	swait.ge [sflag:s21], $0x4000  }
0xc7: {  	[sflag:s21] =	ssyncset.done $0x0  }
0xc8: {  	s29 =	sadd.s32 $0x2600, s17;
	[sflag:s21] =	ssyncadd.s32 $0xFFFFC000  }
0xc9: {  	[tilespmem:s20], [sflag:$0x1] =	stream.indirect.gather [hbm4b:s1+s23], $0x80, s29, s23, $0xb8;
	[tilespmem:$0x1E180] =	vst v63  }
0xca: {  	_ =	swait.ge [sflag:s26], $0x4000  }
0xcb: {  	[sflag:s26] =	ssyncset.done $0x0  }
0xcc: {  	s19 =	sadd.s32 $0x2580, s17;
	[sflag:s26] =	ssyncadd.s32 $0xFFFFC000  }
0xcd: {  	[spmem:s3] =	stream.indirect.scatter.add.f32 [tilespmem:s24], [sflag:$0x4], $0x80, s19, s23, $0xb8;
	[tilespmem:$0x1E180] =	vst v63  }
0xce: {  	_ =	swait.ge [sflag:s21], $0x4000  }
0xcf: {  	[sflag:s21] =	ssyncset.done $0x0  }
0xd0: {  	[sflag:s21] =	ssyncadd.s32 $0xFFFFC000  }
0xd1: {  	[tilespmem:s24], [sflag:$0x2] =	stream.indirect.gather [hbm4b:s1+s23], $0x80, s31, s23, $0xb8;
	[tilespmem:$0x1E180] =	vst v63  }
0xd2: {  	_ =	swait.ge [sflag:s25], $0x4000  }
0xd3: {  	[sflag:s25] =	ssyncset.done $0x0  }
0xd4: {  	[sflag:s25] =	ssyncadd.s32 $0xFFFFC000  }
0xd5: {  	[spmem:s3] =	stream.indirect.scatter.add.f32 [tilespmem:s20], [sflag:$0x4], $0x80, s2, s23, $0xb8;
	[tilespmem:$0x1E180] =	vst v63  }
0xd6: {  	_ =	swait.ge [sflag:s21], $0x4000  }
0xd7: {  	[sflag:s21] =	ssyncset.done $0x0  }
0xd8: {  	[sflag:s21] =	ssyncadd.s32 $0xFFFFC000  }
0xd9: {  	_ =	swait.ge [sflag:s26], $0x4000  }
0xda: {  	[sflag:s26] =	ssyncset.done $0x0  }
0xdb: {  	[sflag:s26] =	ssyncadd.s32 $0xFFFFC000  }
0xdc: {  	[spmem:s3] =	stream.indirect.scatter.add.f32 [tilespmem:s24], [sflag:$0x4], $0x80, s7, s23, $0xb8;
	[tilespmem:$0x1E180] =	vst v63  }
0xdd: {  	_ =	swait.ge [sflag:s21], $0x4000  }
0xde: {  	s17 =	simm.s32 @!p2 $0x0;
	[sflag:s21] =	ssyncset.done $0x0  }
0xdf: {  	s18 =	simm.s32 @!p2 $0xA800;
	s19 =	simm.s32 @!p2 $0x4;
	[sflag:s21] =	ssyncadd.s32 $0xFFFFC000  }
0xe0: {  	[tilespmem:s18], [sflag:$0x4] =	stream.linear.gather @!p2 [hbm4b:s12+s17], $0x80, $0x38;
	[tilespmem:$0x1E180] =	vst v63  }
0xe1: {  	_ =	swait.ge @!p2 [sflag:s19], $0x80  }
0xe2: {  	[sflag:s19] =	ssyncset.done @!p2 $0x0  }
0xe3: {  	s28 =	simm.s32 @!p2 $0xA880;
	[sflag:s19] =	ssyncadd.s32 @!p2 $0xFFFFFF80  }
0xe4: {  	[tilespmem:s28], [sflag:$0x4] =	stream.linear.gather @!p2 [hbm4b:s13+s17], $0x80, $0x38;
	[tilespmem:$0x1E180] =	vst v63  }
0xe5: {  	_ =	swait.ge @!p2 [sflag:s19], $0x80  }
0xe6: {  	[sflag:s19] =	ssyncset.done @!p2 $0x0  }
0xe7: {  	s29 =	simm.s32 @!p2 $0x2800;
	s17 =	simm.s32 @!p2 $0x80;
	[sflag:s19] =	ssyncadd.s32 @!p2 $0xFFFFFF80  }
0xe8: {  	[tilespmem:s29], [sflag:$0x1] =	stream.indirect.gather @!p2 [hbm4b:s1+s17], $0x80, s18, s17, $0xb8;
	[tilespmem:$0x1E180] =	vst v63  }
0xe9: {  	s18 =	simm.s32 @!p2 $0x1  }
0xea: {  	_ =	swait.ge @!p2 [sflag:s18], $0x4000  }
0xeb: {  	[sflag:s18] =	ssyncset.done @!p2 $0x0  }
0xec: {  	[sflag:s18] =	ssyncadd.s32 @!p2 $0xFFFFC000  }
0xed: {  	[spmem:s3] =	stream.indirect.scatter.add.f32 @!p2 [tilespmem:s29], [sflag:$0x4], $0x80, s28, s17, $0xb8;
	[tilespmem:$0x1E180] =	vst v63  }
0xee: {  	_ =	swait.ge @!p2 [sflag:s19], $0x4000  }
0xef: {  	[sflag:s19] =	ssyncset.done @!p2 $0x0  }
0xf0: {  	s28 =	sshll.u32 s0, $0x6;
	[sflag:s19] =	ssyncadd.s32 @!p2 $0xFFFFC000  }
0xf1: {  	s29 =	sshrl.u32 s6, $0x3;
	s17 =	sor.u32 $0x1C04, s28;
	[bflag:$0x0] =	sbarrier.arrive $0xFFFF  }
0xf2: {  	[hbm:s14], [sflag:s17] =	dma.local [spmem:s29], $0x2700  }
0xf3: {  	_ =	swait.ge [sflag:s21], $0x2700  }
0xf4: {  	s9 =	sadd.s32 $0x1, s9;
	[sflag:s21] =	ssyncset.done $0x0  }
0xf5: {  	p4 =	sne.s32 s9, s16;
	[sflag:s21] =	ssyncadd.s32 $0xFFFFD900  }
0xf6: {  	[hbm:s15], [sflag:s17] =	dma.local @!p3 [spmem:s10], $0x100  }
.Ltmp5:
0xf7: {  	_ = 	snop;
	(pc) =	sbr.rel @p4 .LBB2_1-.Ltmp5, $4  }
0xf8: {  	s10 =	simm.s32 @!p3 $0x4  }
0xf9: {  	_ =	swait.ge @!p3 [sflag:s10], $0x100  }
0xfa: {  	[sflag:s10] =	ssyncset.done @!p3 $0x0  }
0xfb: {  	[sflag:s10] =	ssyncadd.s32 @!p3 $0xFFFFFF00  }
0xfc: {  	_ =	sfence.sel $0x180000  }
0xfd: {  	[bflag:$0x0] =	sbarrier.arrive $0xFFFF  }
0xfe: {  	_ =	strace $0x9000004D  }
0xff: {  	[bflag:$0x2] =	sbarrier.arrive $0xFFFF  }
0x100: {  	p0 =	sne.s32 s0, $0x0;
	s0 =	rddreg [dreg:$0x4]  }
0x101: {  	s0 =	sadd.s32 @!p0 $0x100000, s0  }
0x102: {  	[sflag:s0] =	ssyncadd.tile.s32 @!p0 $0x1;
	_ =	shalt  }
.Lfunc_end2:
_tile_overlayer_lowered:
.L_overlay_start_2:
0x103: {  	(tag) =	ssettag $0x2  }
0x104: {  	s0 =	rddreg [dreg:$0x0];
	s2 =	stileid.u32  }
0x105: {  	s1 =	rddreg [dreg:$0x1];
	p0 =	sne.s32 s2, $0x0  }
0x106: {  	s3 =	rddreg [dreg:$0x2];
	[bflag:$0x3] =	sbarrier.arrive $0xFFFF;
	s2 =	simm.s32 @!p0 $0x1C04  }
0x107: {  	[timem:s3], [sflag:s2] =	dma.local @!p0 [hbm:s0], s1  }
0x108: {  	s0 =	simm.s32 @!p0 $0x4  }
0x109: {  	_ =	swait.ge @!p0 [sflag:s0], s1  }
0x10a: {  	s1 =	ssub.s32 @!p0 $0x0, s1;
	[sflag:s0] =	ssyncset.done @!p0 $0x0  }
0x10b: {  	[sflag:s0] =	ssyncadd.s32 @!p0 s1  }
0x10c: {  	[bflag:$0x3] =	sbarrier.arrive $0xFFFF  }
0x10d: {  	_ =	shalt  }

// kernel: kernel.9.cloned.1.call-start
scs
__scs_entry_jumppad:
0x0: {  	(pc) =	sbr.rel $0x88, $3  }
0x1: {  	(tag) =	ssettag $0x0;
	lr =	simm.s32 $0x1  }
0x2: {  	[smem:$0x3F99] =	sst lr;
	_ =	strace $0xD0000000  }
0x3: {  	_ = 	snop  }
0x4: {  	_ = 	snop  }
0x5: {  	_ = 	snop  }
0x6: {  	_ = 	snop  }
0x7: {  	_ = 	snop  }
__scs_overlays_trampoline_lowered:
0x8: {  	[smem:$0x3FA8] =	sst s0  }
0x9: {  	[smem:$0x3FA9] =	sst s1  }
0xa: {  	[smem:$0x3FAA] =	sst s2  }
0xb: {  	[smem:$0x3FAB] =	sst s3  }
0xc: {  	[smem:$0x3FAC] =	sst s4  }
0xd: {  	[smem:$0x3FAD] =	sst s5  }
0xe: {  	[smem:$0x3FAE] =	sst s6  }
0xf: {  	[smem:$0x3FAF] =	sst s7  }
0x10: {  	[smem:$0x3FB0] =	sst s8  }
0x11: {  	[smem:$0x3FB1] =	sst s9;
	s0 =	simm.s32 @!p0 $0x0  }
0x12: {  	s1 =	sld [smem:$0x3F97];
	s0 =	simm.s32 @p0 $0x1  }
0x13: {  	[smem:$0x3FB2] =	sst s0;
	s0 =	simm.s32 @!p1 $0x0  }
0x14: {  	s2 =	sld [smem:$0x3F96];
	s0 =	simm.s32 @p1 $0x1  }
0x15: {  	[smem:$0x3FB3] =	sst s0;
	s0 =	simm.s32 @!p2 $0x0  }
0x16: {  	s3 =	sld [smem:$0x3FDB];
	s0 =	simm.s32 @p2 $0x1  }
0x17: {  	s4 =	simm.s32 $0x1BF5;
	[smem:$0x3FB5] =	sst s0  }
0x18: {  	s0 =	sld [smem:$0x3F98];
	_ =	swait.ge [sflag:s4], $0x0  }
0x19: {  	s7 =	sld [smem:$0x3F99]  }
0x1a: {  	s8 =	sadd.s32 $0xFFFFE003, lr  }
0x1b: {  	s9 =	sadd.s32 $0xFFFFFEF7, lr;
	s5 =	simm.s32 $0xFFFFFFFF;
	p2 =	slt.u32 s8, $0xFFFFF086  }
0x1c: {  	p1 =	slt.u32 s9, $0xF7A;
	s5 =	simm.s32 @!p2 $0x0  }
0x1d: {  	s5 =	simm.s32 @p1 $0x1;
	p0 =	seq.s32 s7, s2  }
0x1e: {  	s7 =	smul.u32 @!p0 $0xF7A, s2;
	p2 =	seq.s32 @!p0 s5, $0x0  }
0x1f: {  	s9 =	smul.u32 $0xF7A, s1;
	s8 =	simm.s32 @!p0 $0x1BF5;
	p2 =	por !p2, p0  }
0x20: {  	[sflag:s8] =	ssyncset.s32 @!p0 $0xFFFFF086;
	s6 =	sadd.s32 @!p0 s3, s7;
	s7 =	simm.s32 @!p0 $0x108  }
0x21: {  	s3 =	sadd.s32 s3, s9;
	s6 =	sadd.s32 @!p0 $0x88, s6;
	s7 =	simm.s32 @p2 $0x1082  }
0x22: {  	[simem:s7], [sflag:s8] =	dma.local @!p0 [hbm:s6], $0xF7A  }
0x23: {  	s9 =	sor.u32 $0xD0000000, s2;
	s6 =	simm.s32 $0x108;
	_ =	swait.ge @!p0 [sflag:s8], $0x0  }
0x24: {  	s3 =	sadd.s32 $0x88, s3;
	s6 =	simm.s32 @!p1 $0x1082;
	[sflag:s4] =	ssyncset.s32 $0xFFFFF086  }
0x25: {  	[simem:s6], [sflag:s4] =	dma.local [hbm:s3], $0xF7A  }
0x26: {  	[smem:$0x3F99] =	sst s1;
	(tag) =	ssettag s2;
	_ =	strace s9  }
0x27: {  	s1 =	sld [smem:$0x3FA9]  }
0x28: {  	s2 =	sld [smem:$0x3FAA]  }
0x29: {  	s4 =	sld [smem:$0x3FAC]  }
0x2a: {  	p0 =	seq.s32 s5, $0x0;
	s5 =	sld [smem:$0x3FAD]  }
0x2b: {  	s6 =	sld [smem:$0x3FAE]  }
0x2c: {  	s7 =	sld [smem:$0x3FAF]  }
0x2d: {  	s3 =	simm.s32 $0x108;
	s8 =	sld [smem:$0x3FB0]  }
0x2e: {  	s3 =	simm.s32 @!p0 $0x1082;
	s9 =	sld [smem:$0x3FB1]  }
0x2f: {  	lr =	sadd.s32 s0, s3;
	s0 =	sld [smem:$0x3FA8]  }
0x30: {  	s3 =	sld [smem:$0x3FAB]  }
0x31: {  	[smem:$0x3FB4] =	sst s10  }
0x32: {  	s10 =	sld [smem:$0x3FB2];
	_ =	sdelay $0x3  }
0x33: {  	p0 =	seq.s32 s10, $0x1;
	s10 =	sld [smem:$0x3FB4];
	_ =	sdelay $0x3  }
0x34: {  	[smem:$0x3FB4] =	sst s10  }
0x35: {  	s10 =	sld [smem:$0x3FB3];
	_ =	sdelay $0x3  }
0x36: {  	p1 =	seq.s32 s10, $0x1;
	s10 =	sld [smem:$0x3FB4];
	_ =	sdelay $0x3  }
0x37: {  	[smem:$0x3FB4] =	sst s10  }
0x38: {  	s10 =	sld [smem:$0x3FB5]  }
0x39: {  	_ = 	snop;
	(pc) =	sbr.ind lr, $3  }
0x3a: {  	_ = 	snop  }
0x3b: {  	_ = 	snop  }
0x3c: {  	p2 =	seq.s32 s10, $0x1;
	s10 =	sld [smem:$0x3FB4]  }
0x3d: {  	_ =	shalt  }
0x3e: {  	_ =	shalt  }
0x3f: {  	_ =	shalt  }
0x40: {  	_ =	shalt  }
0x41: {  	_ =	shalt  }
0x42: {  	_ =	shalt  }
0x43: {  	_ =	shalt  }
0x44: {  	_ =	shalt  }
0x45: {  	_ =	shalt  }
0x46: {  	_ =	shalt  }
0x47: {  	_ =	shalt  }
0x48: {  	_ =	shalt  }
0x49: {  	_ =	shalt  }
0x4a: {  	_ =	shalt  }
0x4b: {  	_ =	shalt  }
0x4c: {  	_ =	shalt  }
0x4d: {  	_ =	shalt  }
0x4e: {  	_ =	shalt  }
0x4f: {  	_ =	shalt  }
0x50: {  	_ =	shalt  }
0x51: {  	_ =	shalt  }
0x52: {  	_ =	shalt  }
0x53: {  	_ =	shalt  }
0x54: {  	_ =	shalt  }
0x55: {  	_ =	shalt  }
0x56: {  	_ =	shalt  }
0x57: {  	_ =	shalt  }
0x58: {  	_ =	shalt  }
0x59: {  	_ =	shalt  }
0x5a: {  	_ =	shalt  }
0x5b: {  	_ =	shalt  }
0x5c: {  	_ =	shalt  }
0x5d: {  	_ =	shalt  }
0x5e: {  	_ =	shalt  }
0x5f: {  	_ =	shalt  }
0x60: {  	_ =	shalt  }
0x61: {  	_ =	shalt  }
0x62: {  	_ =	shalt  }
0x63: {  	_ =	shalt  }
0x64: {  	_ =	shalt  }
0x65: {  	_ =	shalt  }
0x66: {  	_ =	shalt  }
0x67: {  	_ =	shalt  }
0x68: {  	_ =	shalt  }
0x69: {  	_ =	shalt  }
0x6a: {  	_ =	shalt  }
0x6b: {  	_ =	shalt  }
0x6c: {  	_ =	shalt  }
0x6d: {  	_ =	shalt  }
0x6e: {  	_ =	shalt  }
0x6f: {  	_ =	shalt  }
0x70: {  	_ =	shalt  }
0x71: {  	_ =	shalt  }
0x72: {  	_ =	shalt  }
0x73: {  	_ =	shalt  }
0x74: {  	_ =	shalt  }
0x75: {  	_ =	shalt  }
0x76: {  	_ =	shalt  }
0x77: {  	_ =	shalt  }
0x78: {  	_ =	shalt  }
0x79: {  	_ =	shalt  }
0x7a: {  	_ =	shalt  }
0x7b: {  	_ =	shalt  }
0x7c: {  	_ =	shalt  }
0x7d: {  	_ =	shalt  }
0x7e: {  	_ =	shalt  }
0x7f: {  	_ =	shalt  }
0x80: {  	_ =	shalt  }
0x81: {  	_ =	shalt  }
0x82: {  	_ =	shalt  }
0x83: {  	_ =	shalt  }
0x84: {  	_ =	shalt  }
0x85: {  	_ =	shalt  }
0x86: {  	_ =	shalt  }
0x87: {  	_ =	shalt  }
.Lfunc_end0:
.L_simem_size_0:
called_computation_lowered:
.L_overlay_start_0:
0x88: {  	s2 =	sld [smem:$0x3FD9]  }
0x89: {  	s3 =	sld [smem:$0x3FFE];
	_ =	sdelay $0x1  }
0x8a: {  	s1 =	srdreg.scid  }
0x8b: {  	s0 =	sand.u32 $0x1, s1  }
0x8c: {  	s17 =	sshll.u32 s0, $0xA;
	s2 =	sadd.s32 s3, s2  }
0x8d: {  	s2 =	sadd.s32 s2, s17  }
0x8e: {  	[smem:$0x3FC0] =	sst s2  }
0x8f: {  	_ = 	snop  }
0x90: {  	s2 =	sld [smem:$0x3FC8];
	(tm) =	ssettm $0x1  }
0x91: {  	s18 =	sld [smem:$0x3FFB];
	_ =	sdelay $0x3  }
0x92: {  	_ =	strace s18  }
0x93: {  	s3 =	sld [smem:$0x3FFC];
	_ =	sdelay $0x3  }
0x94: {  	_ =	strace s3  }
0x95: {  	s3 =	sld [smem:$0x3FFD];
	_ =	sdelay $0x3  }
0x96: {  	_ =	strace s3  }
0x97: {  	_ =	strace $0x8FFFFFFF  }
0x98: {  	s19 =	sld [smem:$0x3FDB];
	_ =	sdelay $0x1  }
0x99: {  	s4 =	simm.s32 $_scs_section_size  }
0x9a: {  	s5 =	simm.s32 $_size__tile_overlayer_lowered;
	s6 =	simm.s32 $_tile_overlayer_lowered  }
0x9b: {  	s22 =	simm.s32 $0x1BFF;
	s21 =	sshll.u32 s6, $0x1;
	s3 =	sadd.s32 s4, s19  }
0x9c: {  	s7 =	simm.s32 $0x0;
	s20 =	sshll.u32 s5, $0x1;
	s5 =	sadd.s32 s21, s3  }
0x9d: {  	[timem:s7], [sflag:s22] =	dma.local [hbm:s5], s20  }
0x9e: {  	_ =	swait.ge [sflag:s22], s20  }
0x9f: {  	s4 =	ssub.s32 $0x0, s20;
	[sflag:s22] =	ssyncset.done $0x0  }
0xa0: {  	[sflag:s22] =	ssyncadd.s32 s4;
	_ =	sdelay $0x1  }
0xa1: {  	s23 =	simm.s32 $0x1B8B  }
0xa2: {  	_ =	swait.ge [sflag:s23], $0x1  }
0xa3: {  	[sflag:s23] =	ssyncset.done $0x0  }
0xa4: {  	s25 =	simm.s32 $0x1B8E;
	s24 =	sld [smem:$0x3FFE];
	[sflag:s23] =	ssyncadd.s32 $0xFFFFFFFF  }
0xa5: {  	s26 =	simm.s32 $execute0_lowered;
	[smem:$0x3FD2] =	sst s25  }
0xa6: {  	s5 =	sshll.u32 s26, $0x1;
	_ =	strace $0x80000046;
	[dreg:$0x1] =	wrdreg $0xFFFFFFFF  }
0xa7: {  	s28 =	simm.s32 $_size_execute0_lowered;
	s3 =	sadd.s32 s3, s5;
	[dreg:$0x0] =	wrdreg $0x0  }
0xa8: {  	s5 =	sshll.u32 s28, $0x1;
	[dreg:$0x2] =	wrdreg s3  }
0xa9: {  	[dreg:$0x3] =	wrdreg s5  }
0xaa: {  	[dreg:$0x4] =	wrdreg $0xC0  }
0xab: {  	_ =	task [dreg:s7], $0x5FFFF  }
0xac: {  	[dreg:$0x1] =	wrdreg $0xFFFFFFFF  }
0xad: {  	[dreg:$0x0] =	wrdreg $0x60  }
0xae: {  	[dreg:$0x2] =	wrdreg s2  }
0xaf: {  	[dreg:$0x3] =	wrdreg s24  }
0xb0: {  	[dreg:$0x4] =	wrdreg $0x8E800  }
0xb1: {  	[dreg:$0x5] =	wrdreg $0x9  }
0xb2: {  	_ =	task.clear_ibuf [dreg:s7], $0x6FFFF;
	_ =	strace $0x90000046  }
0xb3: {  	s29 =	simm.s32 $0x9;
	_ =	strace $0x80000048  }
0xb4: {  	_ =	swait.ge [sflag:s29], $0x1  }
0xb5: {  	[sflag:s29] =	ssyncadd.s32 $0xFFFFFFFF  }
0xb6: {  	_ =	strace $0x90000048  }
0xb7: {  	_ =	sfence  }
0xb8: {  	s30 =	sld [smem:$0x0];
	_ =	sdelay $0x2  }
0xb9: {  	s31 =	sshll.u32 s1, $0xD;
	s1 =	sshrl.u32 s1, $0x2  }
0xba: {  	s3 =	sand.u32 $0x4000, s31;
	s1 =	sadd.s32 s1, s30  }
0xbb: {  	s0 =	sor.u32 s3, s0;
	s1 =	sshll.u32 s1, $0x11  }
0xbc: {  	s0 =	sor.u32 s1, s0  }
0xbd: {  	s0 =	sadd.s32 $0x8F2B, s0  }
0xbe: {  	[sflag:s0] =	ssyncadd.remote.s32 $0x1  }
0xbf: {  	_ =	sfence.sel $0xFFFF  }
0xc0: {  	[dreg:$0x0] =	wrdreg $0xFFFFFFFF;
	(pc) =	sbr.abs _section_cstart, $3  }
0xc1: {  	[dreg:$0x1] =	wrdreg $0xFFFFFFFF  }
0xc2: {  	_ =	task.clear_ibuf [dreg:s7], $0x2FFFF;
	_ =	strace $0x9FFFFFFF  }
0xc3: {  	(tm) =	ssettm $0x7FFFFFFF  }
tec
execute0_lowered:
.L_overlay_start_1:
0x0: {  	(tag) =	ssettag $0x1  }
0x1: {  	s11 =	rddreg [dreg:$0x0]  }
0x2: {  	s4 =	rddreg [dreg:$0x1]  }
0x3: {  	s2 =	rddreg [dreg:$0x2]  }
0x4: {  	s0 =	rddreg [dreg:$0x3]  }
0x5: {  	s3 =	simm.s32 $0x0;
	s5 =	srdreg.scid;
	s1 =	stileid.u32  }
0x6: {  	s17 =	simm.s32 $0x2;
	s18 =	simm.s32 $0x80;
	s19 =	simm.s32 $0x1  }
0x7: {  	s20 =	simm.s32 $0x0;
	[smem:$0x7FF] =	sst s3;
	s6 =	sand.u32 $0x1, s5  }
0x8: {  	s29 =	sshll.u32 s1, $0x1;
	s30 =	smul.u32 $0x4E000, s1;
	s13 =	sadd.s32 $0x3200, s4  }
0x9: {  	s16 =	smul.u32 $0x13800, s1;
	s10 =	sadd.s32 $0x138000, s2;
	p0 =	sne.s32 s1, $0xF  }
0xa: {  	p1 =	sgt.u32 s1, $0x1;
	s7 =	ssub.s32 $0x2, s6;
	s12 =	sor.u32 s6, s29  }
0xb: {  	_ =	strace $0x80000047;
	s15 =	smul.u32 $0x138800, s6;
	s8 =	sshrl.u32 s7, $0x1  }
0xc: {  	s9 =	smul.u32 $0x9C0, s12;
	s5 =	sshrl.u32 s30, $0x2;
	s12 =	sshll.u32 s12, $0x5  }
0xd: {  	s14 =	ssub.s32 s7, s8;
	s5 =	sadd.s32 s5, s2;
	s16 =	sadd.s32 s16, s15  }
0xe: {  	s15 =	sshrl.u32 s15, $0x3;
	s4 =	sadd.s32 s11, s9;
	s6 =	sadd.s32 $0x4000, s5  }
0xf: {  	s7 =	sadd.s32 $0x8000, s5;
	s8 =	sadd.s32 $0xC000, s5;
	s9 =	sadd.s32 $0x10000, s5  }
0x10: {  	s11 =	sadd.s32 s12, s11;
	s31 =	sshrl.u32 s16, $0x3;
	s15 =	sadd.s32 s13, s15  }
0x11: {  	s14 =	smax.u32 s14, $0x1;
	s16 =	simm.s32 $0x3;
	s11 =	sadd.s32 $0x13810, s11  }
0x12: {  	v0 =	vimm.f32 $1.000000000e+00;
	s12 =	sadd.s32 s13, s31;
	s13 =	sadd.s32 $0x27000, s15;
	s15 =	simm.s32 $0x4E80  }
.LBB2_1:
0x13: {  	[tilespmem:s3], [sflag:$0x2] =	stream.linear.gather [hbm4b:s4+s3], $0x4E00, $0x38;
	[tilespmem:$0xB590] =	vst v63  }
0x14: {  	s21 =	simm.s32 $0x200;
	s22 =	simm.s32 $0x0  }
.LBB2_2:
0x15: {  	p2 =	sne.s32 s21, $0xFE00;
	[tilespmem:s22+$0x4E80] =	vst v0;
	s22 =	smov.u32 s21;
	s21 =	sadd.s32 $0x200, s21  }
.Ltmp0:
0x16: {  	(pc) =	sbr.rel @p2 .LBB2_2-.Ltmp0, $2  }
0x17: {  	_ =	sdelay $0x2  }
0x18: {  	s22 =	sshra.s32 s22, $0x2  }
0x19: {  	[tilespmem:s22+$0x4E80] =	vst v0  }
0x1a: {  	[spmem:s5] =	stream.linear.scatter [tilespmem:s15], [sflag:$0x3], $0x4000, $0x38;
	[tilespmem:$0xB590] =	vst v63  }
0x1b: {  	_ =	swait.ge [sflag:s16], $0x4000  }
0x1c: {  	[sflag:s16] =	ssyncset.done $0x0  }
0x1d: {  	[sflag:s16] =	ssyncadd.s32 $0xFFFFC000  }
0x1e: {  	[spmem:s6] =	stream.linear.scatter [tilespmem:s15], [sflag:$0x3], $0x4000, $0x38;
	[tilespmem:$0xB590] =	vst v63  }
0x1f: {  	_ =	swait.ge [sflag:s16], $0x4000  }
0x20: {  	[sflag:s16] =	ssyncset.done $0x0  }
0x21: {  	[sflag:s16] =	ssyncadd.s32 $0xFFFFC000  }
0x22: {  	[spmem:s7] =	stream.linear.scatter [tilespmem:s15], [sflag:$0x3], $0x4000, $0x38;
	[tilespmem:$0xB590] =	vst v63  }
0x23: {  	_ =	swait.ge [sflag:s16], $0x4000  }
0x24: {  	[sflag:s16] =	ssyncset.done $0x0  }
0x25: {  	[sflag:s16] =	ssyncadd.s32 $0xFFFFC000  }
0x26: {  	[spmem:s8] =	stream.linear.scatter [tilespmem:s15], [sflag:$0x3], $0x4000, $0x38;
	[tilespmem:$0xB590] =	vst v63  }
0x27: {  	_ =	swait.ge [sflag:s16], $0x4000  }
0x28: {  	[sflag:s16] =	ssyncset.done $0x0  }
0x29: {  	[sflag:s16] =	ssyncadd.s32 $0xFFFFC000  }
0x2a: {  	[spmem:s9] =	stream.linear.scatter [tilespmem:s15], [sflag:$0x3], $0x3800, $0x38;
	[tilespmem:$0xB590] =	vst v63  }
0x2b: {  	_ =	swait.ge [sflag:s16], $0x3800  }
0x2c: {  	[sflag:s16] =	ssyncset.done $0x0  }
0x2d: {  	s21 =	simm.s32 @!p0 $0x4E80;
	[sflag:s16] =	ssyncadd.s32 $0xFFFFC800  }
0x2e: {  	[spmem:s10] =	stream.linear.scatter @!p0 [tilespmem:s21], [sflag:$0x3], $0x800, $0x38;
	[tilespmem:$0xB590] =	vst v63  }
0x2f: {  	s21 =	simm.s32 @!p0 $0x3  }
0x30: {  	_ =	swait.ge @!p0 [sflag:s21], $0x800  }
0x31: {  	[sflag:s21] =	ssyncset.done @!p0 $0x0  }
0x32: {  	[sflag:s21] =	ssyncadd.s32 @!p0 $0xFFFFF800  }
0x33: {  	_ =	swait.ge [sflag:s17], $0x4E00  }
0x34: {  	[sflag:s17] =	ssyncset.done $0x0  }
0x35: {  	[sflag:s17] =	ssyncadd.s32 $0xFFFFB200  }
0x36: {  	s21 =	simm.s32 $0x200;
	[bflag:$0x0] =	sbarrier.arrive $0xFFFF  }
.LBB2_4:
0x37: {  	p2 =	sne.s32 s21, $0x13600  }
.Ltmp1:
0x38: {  	_ = 	snop;
	(pc) =	sbr.rel @p2 .LBB2_4-.Ltmp1, $3  }
0x39: {  	_ =	sdelay $0x1  }
0x3a: {  	s22 =	sshra.s32 s21, $0x2;
	s21 =	sadd.s32 $0x400, s21  }
0x3b: {  	[spmem:s2] =	stream.indirect.scatter.add.f32 [tilespmem:s15], [sflag:$0x1], $0x10, s22, s18, $0xb8;
	[tilespmem:$0xB590] =	vst v63  }
0x3c: {  	_ =	swait.ge [sflag:s19], $0x800  }
0x3d: {  	s21 =	simm.s32 $0x4D;
	[sflag:s19] =	ssyncset.done $0x0  }
.LBB2_6:
0x3e: {  	p2 =	sne.s32 s21, $0x1;
	s21 =	sadd.s32 $0xFFFFFFFF, s21;
	[sflag:s19] =	ssyncadd.s32 $0xFFFFF800  }
.Ltmp2:
0x3f: {  	(pc) =	sbr.rel @p2 .LBB2_6-.Ltmp2, $3  }
0x40: {  	_ =	sdelay $0x1  }
0x41: {  	_ =	swait.ge [sflag:s19], $0x800  }
0x42: {  	[sflag:s19] =	ssyncset.done $0x0  }
0x43: {  	[sflag:s19] =	ssyncadd.s32 $0xFFFFF800;
	s21 =	simm.s32 @!p1 $0x0;
	s22 =	simm.s32 @!p1 $0x4E00  }
0x44: {  	[tilespmem:s22], [sflag:$0x3] =	stream.linear.gather @!p1 [hbm4b:s11+s21], $0x80, $0x38;
	[tilespmem:$0xB590] =	vst v63  }
0x45: {  	s21 =	simm.s32 @!p1 $0x3  }
0x46: {  	_ =	swait.ge @!p1 [sflag:s21], $0x80  }
0x47: {  	[sflag:s21] =	ssyncset.done @!p1 $0x0  }
0x48: {  	s23 =	simm.s32 @!p1 $0x80;
	s24 =	simm.s32 @!p1 $0x4E80;
	[sflag:s21] =	ssyncadd.s32 @!p1 $0xFFFFFF80  }
0x49: {  	[spmem:s2] =	stream.indirect.scatter.add.f32 @!p1 [tilespmem:s24], [sflag:$0x3], $0x10, s22, s23, $0xb8;
	[tilespmem:$0xB590] =	vst v63  }
0x4a: {  	_ =	swait.ge @!p1 [sflag:s21], $0x800  }
0x4b: {  	[sflag:s21] =	ssyncset.done @!p1 $0x0  }
0x4c: {  	s30 =	sshll.u32 s1, $0x6;
	[sflag:s21] =	ssyncadd.s32 @!p1 $0xFFFFF800  }
0x4d: {  	s31 =	sshrl.u32 s5, $0x3;
	s21 =	sor.u32 $0x1C03, s30;
	[bflag:$0x0] =	sbarrier.arrive $0xFFFF  }
0x4e: {  	[hbm:s12], [sflag:s21] =	dma.local [spmem:s31], $0x2700  }
0x4f: {  	_ =	swait.ge [sflag:s16], $0x2700  }
0x50: {  	s20 =	sadd.s32 $0x1, s20;
	[sflag:s16] =	ssyncset.done $0x0  }
0x51: {  	p2 =	sne.s32 s20, s14;
	s22 =	sshrl.u32 @!p0 s10, $0x3;
	[sflag:s16] =	ssyncadd.s32 $0xFFFFD900  }
0x52: {  	[hbm:s13], [sflag:s21] =	dma.local @!p0 [spmem:s22], $0x100  }
.Ltmp3:
0x53: {  	_ = 	snop;
	(pc) =	sbr.rel @p2 .LBB2_1-.Ltmp3, $4  }
0x54: {  	s21 =	simm.s32 @!p0 $0x3  }
0x55: {  	_ =	swait.ge @!p0 [sflag:s21], $0x100  }
0x56: {  	[sflag:s21] =	ssyncset.done @!p0 $0x0  }
0x57: {  	[sflag:s21] =	ssyncadd.s32 @!p0 $0xFFFFFF00  }
0x58: {  	_ =	sfence.sel $0x180000  }
0x59: {  	[bflag:$0x0] =	sbarrier.arrive $0xFFFF  }
0x5a: {  	p0 =	sne.s32 s1, $0x0;
	_ =	strace $0x90000047  }
0x5b: {  	s0 =	sadd.s32 @!p0 $0x100000, s0;
	[bflag:$0x2] =	sbarrier.arrive $0xFFFF  }
0x5c: {  	[sflag:s0] =	ssyncadd.tile.s32 @!p0 $0x1;
	_ =	shalt  }
.Lfunc_end2:
_tile_overlayer_lowered:
.L_overlay_start_2:
0x5d: {  	(tag) =	ssettag $0x2  }
0x5e: {  	s0 =	rddreg [dreg:$0x0];
	s2 =	stileid.u32  }
0x5f: {  	s1 =	rddreg [dreg:$0x1];
	p0 =	sne.s32 s2, $0x0  }
0x60: {  	s3 =	rddreg [dreg:$0x2];
	[bflag:$0x3] =	sbarrier.arrive $0xFFFF;
	s2 =	simm.s32 @!p0 $0x1C03  }
0x61: {  	[timem:s3], [sflag:s2] =	dma.local @!p0 [hbm:s0], s1  }
0x62: {  	s0 =	simm.s32 @!p0 $0x3  }
0x63: {  	_ =	swait.ge @!p0 [sflag:s0], s1  }
0x64: {  	s1 =	ssub.s32 @!p0 $0x0, s1;
	[sflag:s0] =	ssyncset.done @!p0 $0x0  }
0x65: {  	[sflag:s0] =	ssyncadd.s32 @!p0 s1  }
0x66: {  	[bflag:$0x3] =	sbarrier.arrive $0xFFFF  }
0x67: {  	_ =	shalt  }

</sc_bundles>
